<compile_context>
chip_gen: v7x
topology: tpu7x:2x2x1
jax: 0.10.2.dev20260603
libtpu: 0.0.44.dev20260713+nightly
codegen_flags: <defaults>
</compile_context>

<pallas_src>
import functools

import jax
import jax.numpy as jnp
from jax import lax
from jax.experimental import pallas as pl
from jax.experimental.pallas import tpu as pltpu
from jax.experimental.pallas import tpu_sc as plsc

N = 4096
K = 16
G = 8
H = 32
NCLS = 40
RB = 256
WLEN = 1408
R3 = 512
GW = 128
BIG = 1e30



def _knn_proj_body(posb_ref, posT_ref, bcol_ref, brow_ref, w1h_ref, w1p_ref,
                   w2p_ref, idx_ref, a1_ref, b1_ref, b2_ref):
    pos_b = posb_ref[...]
    bcol = bcol_ref[...]
    brow = brow_ref[...]
    sqc = jnp.sum(pos_b * pos_b, axis=1, keepdims=True)

    colrow = lax.broadcasted_iota(jnp.int32, (1, N), 1)
    bmin = bcol_ref[0, 0]
    bmax = bcol_ref[RB - 1, 0]
    c0 = jnp.min(jnp.where(brow == bmin, colrow, N))
    c1 = jnp.max(jnp.where(brow == bmax, colrow, -1)) + 1
    cstart = jnp.minimum((c0 >> 7) << 7, N - WLEN)
    cstart = pl.multiple_of(cstart, 128)

    @pl.when(c1 - cstart <= WLEN)
    def _fast():
        posw = posT_ref[:, pl.ds(cstart, WLEN)]
        mm = jnp.dot(pos_b, posw, preferred_element_type=jnp.float32)
        sqr_w = jnp.sum(posw * posw, axis=0, keepdims=True)
        d2 = sqc + sqr_w - 2.0 * mm
        cross = bcol != brow_ref[:, pl.ds(cstart, WLEN)]
        d2 = jnp.where(cross, jnp.float32(BIG), d2)
        pidx = lax.broadcasted_iota(jnp.int32, (RB, 128), 1)
        pval = jnp.where(pidx < jnp.minimum(c0, cstart), jnp.float32(BIG),
                         jnp.float32(jnp.inf))
        v = jnp.concatenate([pval, d2], axis=1)
        ia = jnp.concatenate(
            [pidx,
             lax.broadcasted_iota(jnp.int32, (RB, WLEN), 1) + cstart], axis=1)
        is_ = []
        for _ in range(K):
            m = jnp.min(v, axis=1, keepdims=True)
            eq = v == m
            ji = jnp.min(jnp.where(eq, ia, jnp.int32(2**30)), axis=1,
                         keepdims=True)
            v = jnp.where(eq & (ia == ji), jnp.float32(jnp.inf), v)
            is_.append(ji)
        idx_ref[...] = jnp.concatenate(is_, axis=1)

    @pl.when(c1 - cstart > WLEN)
    def _full():
        posT = posT_ref[...]
        mm = jnp.dot(pos_b, posT, preferred_element_type=jnp.float32)
        sqr = jnp.sum(posT * posT, axis=0, keepdims=True)
        d2 = sqc + sqr - 2.0 * mm
        d2 = jnp.where(bcol != brow, jnp.float32(BIG), d2)
        col = lax.broadcasted_iota(jnp.int32, (RB, N), 1)
        cols = []
        for _ in range(K):
            m = jnp.min(d2, axis=1, keepdims=True)
            ji = jnp.min(jnp.where(d2 == m, col, jnp.int32(N)), axis=1,
                         keepdims=True)
            d2 = jnp.where(col == ji, jnp.float32(jnp.inf), d2)
            cols.append(ji)
        idx_ref[...] = jnp.concatenate(cols, axis=1)

    w1p = w1p_ref[...]
    a1 = jnp.dot(pos_b, w1h_ref[...] + w1p,
                 preferred_element_type=jnp.float32)
    a1_ref[...] = jnp.concatenate(
        [a1, jnp.zeros((RB, GW - H), jnp.float32)], axis=1)
    b1_ref[...] = jnp.dot(pos_b, w1p, preferred_element_type=jnp.float32)
    b2_ref[...] = jnp.dot(pos_b, w2p_ref[...],
                          preferred_element_type=jnp.float32)


_knn_call = pl.pallas_call(
    _knn_proj_body,
    grid=(N // RB,),
    in_specs=[
        pl.BlockSpec((RB, 3), lambda i: (i, 0)),
        pl.BlockSpec((3, N), lambda i: (0, 0)),
        pl.BlockSpec((RB, 1), lambda i: (i, 0)),
        pl.BlockSpec((1, N), lambda i: (0, 0)),
        pl.BlockSpec((3, H), lambda i: (0, 0)),
        pl.BlockSpec((3, H), lambda i: (0, 0)),
        pl.BlockSpec((3, H), lambda i: (0, 0)),
    ],
    out_specs=[
        pl.BlockSpec((RB, K), lambda i: (i, 0)),
        pl.BlockSpec((RB, GW), lambda i: (i, 0)),
        pl.BlockSpec((RB, H), lambda i: (i, 0)),
        pl.BlockSpec((RB, H), lambda i: (i, 0)),
    ],
    out_shape=[
        jax.ShapeDtypeStruct((N, K), jnp.int32),
        jax.ShapeDtypeStruct((N, GW), jnp.float32),
        jax.ShapeDtypeStruct((N, H), jnp.float32),
        jax.ShapeDtypeStruct((N, H), jnp.float32),
    ],
)


_NE = N * K
_IDX_COLS = 128
_IDX_ROWS = _NE // _IDX_COLS


@functools.cache
def _make_sc_gather():
    info = plsc.get_sparse_core_info()
    nc, ns = info.num_cores, info.num_subcores
    nw = nc * ns
    rows_per_w = _NE // nw
    chunks = rows_per_w // _IDX_COLS
    rounds = 4
    cpr = chunks // rounds
    mesh = plsc.VectorSubcoreMesh(core_axis_name="c", subcore_axis_name="s")

    @functools.partial(
        pl.kernel,
        out_type=jax.ShapeDtypeStruct((_NE, GW), jnp.float32),
        mesh=mesh,
        scratch_types=[
            pltpu.VMEM((chunks, _IDX_COLS), jnp.int32),
            pltpu.VMEM((cpr * _IDX_COLS, GW), jnp.float32),
            pltpu.SemaphoreType.DMA,
        ],
    )
    def gather_k(table_hbm, idx_hbm, out_hbm, idx_v, rows_v, sem):
        c = lax.axis_index("c")
        s = lax.axis_index("s")
        wid = s * nc + c
        pltpu.sync_copy(idx_hbm.at[pl.ds(wid * chunks, chunks)], idx_v)
        for r in range(rounds):
            cops = [
                pltpu.async_copy(
                    table_hbm.at[idx_v.at[r * cpr + j]],
                    rows_v.at[pl.ds(j * _IDX_COLS, _IDX_COLS)], sem)
                for j in range(cpr)
            ]
            for cop in cops:
                cop.wait()
            pltpu.sync_copy(
                rows_v,
                out_hbm.at[pl.ds(wid * rows_per_w + r * cpr * _IDX_COLS,
                                 cpr * _IDX_COLS)])

    return gather_k




def _conv1_body(e1_ref, b1_ref, b2_ref, w1b_ref, b1a_ref, b1b_ref, w2h_ref,
                a2_ref):
    b1 = b1_ref[...]
    b1a = b1a_ref[...]
    w1b = w1b_ref[...]
    acc = jnp.full((R3, H), -jnp.inf, jnp.float32)
    for k in range(K):
        pre = e1_ref[k][:, :H] - b1 + b1a
        acc = jnp.maximum(acc, jnp.dot(jnp.maximum(pre, 0.0), w1b,
                                       preferred_element_type=jnp.float32))
    h1 = jnp.maximum(acc + b1b_ref[...], 0.0)
    a2 = jnp.dot(h1, w2h_ref[...],
                 preferred_element_type=jnp.float32) + b2_ref[...]
    a2_ref[...] = jnp.concatenate(
        [a2, jnp.zeros((R3, GW - H), jnp.float32)], axis=1)


_conv1_call = pl.pallas_call(
    _conv1_body,
    grid=(N // R3,),
    in_specs=[
        pl.BlockSpec((K, R3, GW), lambda i: (0, i, 0)),
        pl.BlockSpec((R3, H), lambda i: (i, 0)),
        pl.BlockSpec((R3, H), lambda i: (i, 0)),
        pl.BlockSpec((H, H), lambda i: (0, 0)),
        pl.BlockSpec((1, H), lambda i: (0, 0)),
        pl.BlockSpec((1, H), lambda i: (0, 0)),
        pl.BlockSpec((H, H), lambda i: (0, 0)),
    ],
    out_specs=pl.BlockSpec((R3, GW), lambda i: (i, 0)),
    out_shape=jax.ShapeDtypeStruct((N, GW), jnp.float32),
)



def _conv2_pool_body(e2_ref, b2_ref, bcol_ref, w2b_ref, b2a_ref, b2b_ref,
                     wc_ref, bcls_ref, out_ref, gacc_ref):
    i = pl.program_id(0)
    b2 = b2_ref[...]
    b2a = b2a_ref[...]
    w2b = w2b_ref[...]
    acc = jnp.full((R3, H), -jnp.inf, jnp.float32)
    for k in range(K):
        pre = e2_ref[k][:, :H] - b2 + b2a
        acc = jnp.maximum(acc, jnp.dot(jnp.maximum(pre, 0.0), w2b,
                                       preferred_element_type=jnp.float32))
    h2 = jnp.maximum(acc + b2b_ref[...], 0.0)
    bcol = bcol_ref[...]
    gs = []
    for s in range(G):
        m = jnp.where(bcol == jnp.float32(s), h2, -jnp.inf)
        gs.append(jnp.max(m, axis=0, keepdims=True))
    g = jnp.concatenate(gs, axis=0)

    @pl.when(i == 0)
    def _():
        gacc_ref[...] = jnp.full((G, H), -jnp.inf, jnp.float32)

    gacc_ref[...] = jnp.maximum(gacc_ref[...], g)

    @pl.when(i == (N // R3) - 1)
    def _():
        out_ref[...] = jnp.dot(gacc_ref[...], wc_ref[...],
                               preferred_element_type=jnp.float32) + bcls_ref[...]


_conv2_call = pl.pallas_call(
    _conv2_pool_body,
    grid=(N // R3,),
    in_specs=[
        pl.BlockSpec((K, R3, GW), lambda i: (0, i, 0)),
        pl.BlockSpec((R3, H), lambda i: (i, 0)),
        pl.BlockSpec((R3, 1), lambda i: (i, 0)),
        pl.BlockSpec((H, H), lambda i: (0, 0)),
        pl.BlockSpec((1, H), lambda i: (0, 0)),
        pl.BlockSpec((1, H), lambda i: (0, 0)),
        pl.BlockSpec((H, NCLS), lambda i: (0, 0)),
        pl.BlockSpec((1, NCLS), lambda i: (0, 0)),
    ],
    out_specs=pl.BlockSpec((G, NCLS), lambda i: (0, 0)),
    out_shape=jax.ShapeDtypeStruct((G, NCLS), jnp.float32),
    scratch_shapes=[pltpu.VMEM((G, H), jnp.float32)],
)



def kernel(pos, batch, W1a, b1a, W1b, b1b, W2a, b2a, W2b, b2b, Wc, bc):
    bf = batch.astype(jnp.float32)
    idx, a1, bb1, bb2 = _knn_call(pos, pos.T, bf.reshape(N, 1),
                                  bf.reshape(1, N), W1a[:3], W1a[3:],
                                  W2a[H:])
    idx2d = idx.T.reshape(_IDX_ROWS, _IDX_COLS)
    e1 = _make_sc_gather()(a1, idx2d)
    a2 = _conv1_call(e1.reshape(K, N, GW), bb1, bb2, W1b, b1a.reshape(1, H),
                     b1b.reshape(1, H), W2a[:H])
    e2 = _make_sc_gather()(a2, idx2d)
    return _conv2_call(e2.reshape(K, N, GW), bb2, bf.reshape(N, 1), W2b,
                       b2a.reshape(1, H), b2b.reshape(1, H), Wc,
                       bc.reshape(1, NCLS))

# --- scband reference (transcript-rebuilt; emitter-appended) ---
"""Pipeline reference for scband-point-net-12575664243258 (READ-ONLY COPY).

The authoritative reference and input builder live on the scoring server;
editing this copy changes nothing except your own understanding.
"""

import jax, jax.numpy as jnp
import numpy as np

N = 4096
K = 16
NUM_GRAPHS = 8
NUM_CLASSES = 40


def _mlp(x, W1, b1, W2, b2):
    h = jnp.maximum(x @ W1 + b1, 0.0)
    return h @ W2 + b2


def _knn_idx(pos, batch, k):
    # pairwise squared distances via gram matrix (matches torch_cluster.knn_graph semantics)
    sq = jnp.sum(pos * pos, axis=-1)
    d2 = sq[:, None] + sq[None, :] - 2.0 * (pos @ pos.T)
    # mask out cross-graph pairs
    cross = batch[:, None] != batch[None, :]
    d2 = jnp.where(cross, jnp.inf, d2)
    # loop=True: self-distance ~0 is included among the k nearest
    _, idx = jax.lax.top_k(-d2, k)  # [N, k] neighbor (source j) indices per target i
    return idx


def _pointnet_layer(h, pos, idx, W1, b1, W2, b2):
    pos_j = pos[idx]            # [N, k, 3]
    pos_i = pos[:, None, :]     # [N, 1, 3]
    inp = pos_j - pos_i
    if h is not None:
        inp = jnp.concatenate([h[idx], inp], axis=-1)
    msg = _mlp(inp, W1, b1, W2, b2)  # [N, k, out]
    return jnp.max(msg, axis=1)      # aggr='max' over incoming edges


def setup_inputs(seed: int = 0) -> dict:
    key = jax.random.key(seed)
    ks = jax.random.split(key, 12)
    pos = jax.random.normal(ks[0], (N, 3), dtype=jnp.float32)
    batch = jnp.sort(jax.random.randint(ks[1], (N,), 0, NUM_GRAPHS)).astype(jnp.int64)
    # conv1: Linear(3+3 -> 32), Linear(32 -> 32)
    W1a = jax.random.normal(ks[2], (6, 32), dtype=jnp.float32) * 0.2
    b1a = jnp.zeros((32,), dtype=jnp.float32)
    W1b = jax.random.normal(ks[3], (32, 32), dtype=jnp.float32) * 0.2
    b1b = jnp.zeros((32,), dtype=jnp.float32)
    # conv2: Linear(32+3 -> 32), Linear(32 -> 32)
    W2a = jax.random.normal(ks[4], (35, 32), dtype=jnp.float32) * 0.2
    b2a = jnp.zeros((32,), dtype=jnp.float32)
    W2b = jax.random.normal(ks[5], (32, 32), dtype=jnp.float32) * 0.2
    b2b = jnp.zeros((32,), dtype=jnp.float32)
    # classifier: Linear(32 -> num_classes)
    Wc = jax.random.normal(ks[6], (32, NUM_CLASSES), dtype=jnp.float32) * 0.2
    bc = jnp.zeros((NUM_CLASSES,), dtype=jnp.float32)
    return {"pos": pos, "batch": batch, "W1a": W1a, "b1a": b1a, "W1b": W1b, "b1b": b1b,
            "W2a": W2a, "b2a": b2a, "W2b": W2b, "b2b": b2b, "Wc": Wc, "bc": bc}


def reference(pos, batch, W1a, b1a, W1b, b1b, W2a, b2a, W2b, b2b, Wc, bc):
    idx = _knn_idx(pos, batch, K)
    h = _pointnet_layer(pos, pos, idx, W1a, b1a, W1b, b1b)  # conv1 with h=pos
    h = jnp.maximum(h, 0.0)
    h = _pointnet_layer(h, pos, idx, W2a, b2a, W2b, b2b)    # conv2
    h = jnp.maximum(h, 0.0)
    g = jax.ops.segment_max(h, batch, num_segments=NUM_GRAPHS)  # global_max_pool
    return g @ Wc + bc

if __name__ == "__main__":
    import jax
    _d = setup_inputs()
    print(jax.jit(kernel)(*tuple(_d.values())))

</pallas_src>

<mosaic_0001>
#map = affine_map<(d0, d1) -> (0, 0)>
module attributes {stable_mosaic.version = 14 : i64} {
  func.func @gather_k(%arg0: i32, %arg1: i32, %arg2: memref<4096x128xf32, #tpu.memory_space<hbm>>, %arg3: memref<512x128xi32, #tpu.memory_space<hbm>>, %arg4: memref<65536x128xf32, #tpu.memory_space<hbm>>, %arg5: memref<16x128xi32, #tpu.memory_space<vmem>>, %arg6: memref<512x128xf32, #tpu.memory_space<vmem>>, %arg7: memref<!tpu.dma_semaphore, #tpu.memory_space<semaphore_mem>>) attributes {dimension_semantics = [#tpu.dimension_semantics<core_parallel>, #tpu.dimension_semantics<subcore_parallel>], iteration_bounds = array<i64: 2, 16>, scalar_prefetch = 0 : i64, scratch_operands = 3 : i64, tpu.core_type = #tpu.core_type<sc_vector_subcore>, window_params = [{transform_indices = #map}, {transform_indices = #map}, {transform_indices = #map}]} {
    %mul3A = arith.constant 2 : i32
    %mul3A_0 = arith.muli %arg1, %mul3A : i32
    %add3A = arith.addi %mul3A_0, %arg0 : i32
    %mul3A_1 = arith.constant 16 : i32
    %mul3A_2 = arith.muli %add3A, %mul3A_1 : i32
    "tpu.region"() ({
      %run_scoped3A = tpu.sem_alloc : memref<!tpu.dma_semaphore, #tpu.memory_space<semaphore_mem>>
      %dma_start3A_337 = arith.constant 0 : i32
      %dma_start3A_338 = tpu.memref_slice %arg3[%mul3A_2, %dma_start3A_337] : memref<512x128xi32, #tpu.memory_space<hbm>> -> memref<16x128xi32, #tpu.memory_space<hbm>>
      %dma_start3A_339 = arith.constant 0 : i32
      %dma_start3A_340 = tpu.memref_slice %arg3[%mul3A_2, %dma_start3A_339] : memref<512x128xi32, #tpu.memory_space<hbm>> -> memref<16x128xi32, #tpu.memory_space<hbm>>
      tpu.enqueue_dma source(%dma_start3A_340 : memref<16x128xi32, #tpu.memory_space<hbm>>) target(%arg5 : memref<16x128xi32, #tpu.memory_space<vmem>>) target_semaphore(%run_scoped3A : memref<!tpu.dma_semaphore, #tpu.memory_space<semaphore_mem>>)
      %dma_wait3A_341 = arith.constant 0 : i32
      %dma_wait3A_342 = tpu.memref_slice %arg3[%mul3A_2, %dma_wait3A_341] : memref<512x128xi32, #tpu.memory_space<hbm>> -> memref<16x128xi32, #tpu.memory_space<hbm>>
      %dma_wait3A_343 = arith.constant 0 : i32
      %dma_wait3A_344 = tpu.memref_slice %arg3[%mul3A_2, %dma_wait3A_343] : memref<512x128xi32, #tpu.memory_space<hbm>> -> memref<16x128xi32, #tpu.memory_space<hbm>>
      tpu.wait_dma2 semaphore(%run_scoped3A : memref<!tpu.dma_semaphore, #tpu.memory_space<semaphore_mem>>) src(%dma_wait3A_344 : memref<16x128xi32, #tpu.memory_space<hbm>>) dst(%arg5 : memref<16x128xi32, #tpu.memory_space<vmem>>)
      tpu.yield
    }) : () -> ()
    %dma_start3A = arith.constant 0 : i32
    %dma_start3A_3 = arith.constant 0 : i32
    %dma_start3A_4 = arith.constant 0 : i32
    %dma_start3A_5 = tpu.memref_slice %arg6[%dma_start3A_3, %dma_start3A_4] : memref<512x128xf32, #tpu.memory_space<vmem>> -> memref<128x128xf32, #tpu.memory_space<vmem>>
    %dma_start3A_6 = arith.constant 0 : i32
    %dma_start3A_7 = tpu.memref_slice %arg5[%dma_start3A, %dma_start3A_6] : memref<16x128xi32, #tpu.memory_space<vmem>> -> memref<1x128xi32, #tpu.memory_space<vmem>>
    %dma_start3A_8 = tpu.memref_squeeze %dma_start3A_7 : memref<1x128xi32, #tpu.memory_space<vmem>> -> memref<128xi32, #tpu.memory_space<vmem>>
    %dma_start3A_9 = arith.constant 0 : i32
    %dma_start3A_10 = arith.constant 0 : i32
    %dma_start3A_11 = tpu.memref_slice %arg2[%dma_start3A_9, %dma_start3A_10] : memref<4096x128xf32, #tpu.memory_space<hbm>> -> memref<4096x128xf32, #tpu.memory_space<hbm>>
    tpu.enqueue_indirect_dma source(%dma_start3A_11 : memref<4096x128xf32, #tpu.memory_space<hbm>>) target(%dma_start3A_5 : memref<128x128xf32, #tpu.memory_space<vmem>>) offsets(%dma_start3A_8 : memref<128xi32, #tpu.memory_space<vmem>>) semaphore(%arg7 : memref<!tpu.dma_semaphore, #tpu.memory_space<semaphore_mem>>)
    %dma_start3A_12 = arith.constant 1 : i32
    %dma_start3A_13 = arith.constant 128 : i32
    %dma_start3A_14 = arith.constant 0 : i32
    %dma_start3A_15 = tpu.memref_slice %arg6[%dma_start3A_13, %dma_start3A_14] : memref<512x128xf32, #tpu.memory_space<vmem>> -> memref<128x128xf32, #tpu.memory_space<vmem>>
    %dma_start3A_16 = arith.constant 0 : i32
    %dma_start3A_17 = tpu.memref_slice %arg5[%dma_start3A_12, %dma_start3A_16] : memref<16x128xi32, #tpu.memory_space<vmem>> -> memref<1x128xi32, #tpu.memory_space<vmem>>
    %dma_start3A_18 = tpu.memref_squeeze %dma_start3A_17 : memref<1x128xi32, #tpu.memory_space<vmem>> -> memref<128xi32, #tpu.memory_space<vmem>>
    %dma_start3A_19 = arith.constant 0 : i32
    %dma_start3A_20 = arith.constant 0 : i32
    %dma_start3A_21 = tpu.memref_slice %arg2[%dma_start3A_19, %dma_start3A_20] : memref<4096x128xf32, #tpu.memory_space<hbm>> -> memref<4096x128xf32, #tpu.memory_space<hbm>>
    tpu.enqueue_indirect_dma source(%dma_start3A_21 : memref<4096x128xf32, #tpu.memory_space<hbm>>) target(%dma_start3A_15 : memref<128x128xf32, #tpu.memory_space<vmem>>) offsets(%dma_start3A_18 : memref<128xi32, #tpu.memory_space<vmem>>) semaphore(%arg7 : memref<!tpu.dma_semaphore, #tpu.memory_space<semaphore_mem>>)
    %dma_start3A_22 = arith.constant 2 : i32
    %dma_start3A_23 = arith.constant 256 : i32
    %dma_start3A_24 = arith.constant 0 : i32
    %dma_start3A_25 = tpu.memref_slice %arg6[%dma_start3A_23, %dma_start3A_24] : memref<512x128xf32, #tpu.memory_space<vmem>> -> memref<128x128xf32, #tpu.memory_space<vmem>>
    %dma_start3A_26 = arith.constant 0 : i32
    %dma_start3A_27 = tpu.memref_slice %arg5[%dma_start3A_22, %dma_start3A_26] : memref<16x128xi32, #tpu.memory_space<vmem>> -> memref<1x128xi32, #tpu.memory_space<vmem>>
    %dma_start3A_28 = tpu.memref_squeeze %dma_start3A_27 : memref<1x128xi32, #tpu.memory_space<vmem>> -> memref<128xi32, #tpu.memory_space<vmem>>
    %dma_start3A_29 = arith.constant 0 : i32
    %dma_start3A_30 = arith.constant 0 : i32
    %dma_start3A_31 = tpu.memref_slice %arg2[%dma_start3A_29, %dma_start3A_30] : memref<4096x128xf32, #tpu.memory_space<hbm>> -> memref<4096x128xf32, #tpu.memory_space<hbm>>
    tpu.enqueue_indirect_dma source(%dma_start3A_31 : memref<4096x128xf32, #tpu.memory_space<hbm>>) target(%dma_start3A_25 : memref<128x128xf32, #tpu.memory_space<vmem>>) offsets(%dma_start3A_28 : memref<128xi32, #tpu.memory_space<vmem>>) semaphore(%arg7 : memref<!tpu.dma_semaphore, #tpu.memory_space<semaphore_mem>>)
    %dma_start3A_32 = arith.constant 3 : i32
    %dma_start3A_33 = arith.constant 384 : i32
    %dma_start3A_34 = arith.constant 0 : i32
    %dma_start3A_35 = tpu.memref_slice %arg6[%dma_start3A_33, %dma_start3A_34] : memref<512x128xf32, #tpu.memory_space<vmem>> -> memref<128x128xf32, #tpu.memory_space<vmem>>
    %dma_start3A_36 = arith.constant 0 : i32
    %dma_start3A_37 = tpu.memref_slice %arg5[%dma_start3A_32, %dma_start3A_36] : memref<16x128xi32, #tpu.memory_space<vmem>> -> memref<1x128xi32, #tpu.memory_space<vmem>>
    %dma_start3A_38 = tpu.memref_squeeze %dma_start3A_37 : memref<1x128xi32, #tpu.memory_space<vmem>> -> memref<128xi32, #tpu.memory_space<vmem>>
    %dma_start3A_39 = arith.constant 0 : i32
    %dma_start3A_40 = arith.constant 0 : i32
    %dma_start3A_41 = tpu.memref_slice %arg2[%dma_start3A_39, %dma_start3A_40] : memref<4096x128xf32, #tpu.memory_space<hbm>> -> memref<4096x128xf32, #tpu.memory_space<hbm>>
    tpu.enqueue_indirect_dma source(%dma_start3A_41 : memref<4096x128xf32, #tpu.memory_space<hbm>>) target(%dma_start3A_35 : memref<128x128xf32, #tpu.memory_space<vmem>>) offsets(%dma_start3A_38 : memref<128xi32, #tpu.memory_space<vmem>>) semaphore(%arg7 : memref<!tpu.dma_semaphore, #tpu.memory_space<semaphore_mem>>)
    %dma_wait3A = arith.constant 0 : i32
    %dma_wait3A_42 = arith.constant 0 : i32
    %dma_wait3A_43 = arith.constant 0 : i32
    %dma_wait3A_44 = tpu.memref_slice %arg6[%dma_wait3A_42, %dma_wait3A_43] : memref<512x128xf32, #tpu.memory_space<vmem>> -> memref<128x128xf32, #tpu.memory_space<vmem>>
    %dma_wait3A_45 = arith.constant 0 : i32
    %dma_wait3A_46 = tpu.memref_slice %arg5[%dma_wait3A, %dma_wait3A_45] : memref<16x128xi32, #tpu.memory_space<vmem>> -> memref<1x128xi32, #tpu.memory_space<vmem>>
    %dma_wait3A_47 = tpu.memref_squeeze %dma_wait3A_46 : memref<1x128xi32, #tpu.memory_space<vmem>> -> memref<128xi32, #tpu.memory_space<vmem>>
    %dma_wait3A_48 = arith.constant 0 : i32
    %dma_wait3A_49 = arith.constant 0 : i32
    %dma_wait3A_50 = tpu.memref_slice %arg2[%dma_wait3A_48, %dma_wait3A_49] : memref<4096x128xf32, #tpu.memory_space<hbm>> -> memref<4096x128xf32, #tpu.memory_space<hbm>>
    tpu.wait_indirect_dma semaphore(%arg7 : memref<!tpu.dma_semaphore, #tpu.memory_space<semaphore_mem>>) src(%dma_wait3A_50 : memref<4096x128xf32, #tpu.memory_space<hbm>>) dst(%dma_wait3A_44 : memref<128x128xf32, #tpu.memory_space<vmem>>)
    %dma_wait3A_51 = arith.constant 1 : i32
    %dma_wait3A_52 = arith.constant 128 : i32
    %dma_wait3A_53 = arith.constant 0 : i32
    %dma_wait3A_54 = tpu.memref_slice %arg6[%dma_wait3A_52, %dma_wait3A_53] : memref<512x128xf32, #tpu.memory_space<vmem>> -> memref<128x128xf32, #tpu.memory_space<vmem>>
    %dma_wait3A_55 = arith.constant 0 : i32
    %dma_wait3A_56 = tpu.memref_slice %arg5[%dma_wait3A_51, %dma_wait3A_55] : memref<16x128xi32, #tpu.memory_space<vmem>> -> memref<1x128xi32, #tpu.memory_space<vmem>>
    %dma_wait3A_57 = tpu.memref_squeeze %dma_wait3A_56 : memref<1x128xi32, #tpu.memory_space<vmem>> -> memref<128xi32, #tpu.memory_space<vmem>>
    %dma_wait3A_58 = arith.constant 0 : i32
    %dma_wait3A_59 = arith.constant 0 : i32
    %dma_wait3A_60 = tpu.memref_slice %arg2[%dma_wait3A_58, %dma_wait3A_59] : memref<4096x128xf32, #tpu.memory_space<hbm>> -> memref<4096x128xf32, #tpu.memory_space<hbm>>
    tpu.wait_indirect_dma semaphore(%arg7 : memref<!tpu.dma_semaphore, #tpu.memory_space<semaphore_mem>>) src(%dma_wait3A_60 : memref<4096x128xf32, #tpu.memory_space<hbm>>) dst(%dma_wait3A_54 : memref<128x128xf32, #tpu.memory_space<vmem>>)
    %dma_wait3A_61 = arith.constant 2 : i32
    %dma_wait3A_62 = arith.constant 256 : i32
    %dma_wait3A_63 = arith.constant 0 : i32
    %dma_wait3A_64 = tpu.memref_slice %arg6[%dma_wait3A_62, %dma_wait3A_63] : memref<512x128xf32, #tpu.memory_space<vmem>> -> memref<128x128xf32, #tpu.memory_space<vmem>>
    %dma_wait3A_65 = arith.constant 0 : i32
    %dma_wait3A_66 = tpu.memref_slice %arg5[%dma_wait3A_61, %dma_wait3A_65] : memref<16x128xi32, #tpu.memory_space<vmem>> -> memref<1x128xi32, #tpu.memory_space<vmem>>
    %dma_wait3A_67 = tpu.memref_squeeze %dma_wait3A_66 : memref<1x128xi32, #tpu.memory_space<vmem>> -> memref<128xi32, #tpu.memory_space<vmem>>
    %dma_wait3A_68 = arith.constant 0 : i32
    %dma_wait3A_69 = arith.constant 0 : i32
    %dma_wait3A_70 = tpu.memref_slice %arg2[%dma_wait3A_68, %dma_wait3A_69] : memref<4096x128xf32, #tpu.memory_space<hbm>> -> memref<4096x128xf32, #tpu.memory_space<hbm>>
    tpu.wait_indirect_dma semaphore(%arg7 : memref<!tpu.dma_semaphore, #tpu.memory_space<semaphore_mem>>) src(%dma_wait3A_70 : memref<4096x128xf32, #tpu.memory_space<hbm>>) dst(%dma_wait3A_64 : memref<128x128xf32, #tpu.memory_space<vmem>>)
    %dma_wait3A_71 = arith.constant 3 : i32
    %dma_wait3A_72 = arith.constant 384 : i32
    %dma_wait3A_73 = arith.constant 0 : i32
    %dma_wait3A_74 = tpu.memref_slice %arg6[%dma_wait3A_72, %dma_wait3A_73] : memref<512x128xf32, #tpu.memory_space<vmem>> -> memref<128x128xf32, #tpu.memory_space<vmem>>
    %dma_wait3A_75 = arith.constant 0 : i32
    %dma_wait3A_76 = tpu.memref_slice %arg5[%dma_wait3A_71, %dma_wait3A_75] : memref<16x128xi32, #tpu.memory_space<vmem>> -> memref<1x128xi32, #tpu.memory_space<vmem>>
    %dma_wait3A_77 = tpu.memref_squeeze %dma_wait3A_76 : memref<1x128xi32, #tpu.memory_space<vmem>> -> memref<128xi32, #tpu.memory_space<vmem>>
    %dma_wait3A_78 = arith.constant 0 : i32
    %dma_wait3A_79 = arith.constant 0 : i32
    %dma_wait3A_80 = tpu.memref_slice %arg2[%dma_wait3A_78, %dma_wait3A_79] : memref<4096x128xf32, #tpu.memory_space<hbm>> -> memref<4096x128xf32, #tpu.memory_space<hbm>>
    tpu.wait_indirect_dma semaphore(%arg7 : memref<!tpu.dma_semaphore, #tpu.memory_space<semaphore_mem>>) src(%dma_wait3A_80 : memref<4096x128xf32, #tpu.memory_space<hbm>>) dst(%dma_wait3A_74 : memref<128x128xf32, #tpu.memory_space<vmem>>)
    %mul3A_81 = arith.constant 2048 : i32
    %mul3A_82 = arith.muli %add3A, %mul3A_81 : i32
    %add3A_83 = arith.constant 0 : i32
    %add3A_84 = arith.addi %mul3A_82, %add3A_83 : i32
    "tpu.region"() ({
      %run_scoped3A = tpu.sem_alloc : memref<!tpu.dma_semaphore, #tpu.memory_space<semaphore_mem>>
      %dma_start3A_337 = arith.constant 0 : i32
      %dma_start3A_338 = tpu.memref_slice %arg4[%add3A_84, %dma_start3A_337] : memref<65536x128xf32, #tpu.memory_space<hbm>> -> memref<512x128xf32, #tpu.memory_space<hbm>>
      %dma_start3A_339 = arith.constant 0 : i32
      %dma_start3A_340 = tpu.memref_slice %arg4[%add3A_84, %dma_start3A_339] : memref<65536x128xf32, #tpu.memory_space<hbm>> -> memref<512x128xf32, #tpu.memory_space<hbm>>
      tpu.enqueue_dma source(%arg6 : memref<512x128xf32, #tpu.memory_space<vmem>>) target(%dma_start3A_340 : memref<512x128xf32, #tpu.memory_space<hbm>>) target_semaphore(%run_scoped3A : memref<!tpu.dma_semaphore, #tpu.memory_space<semaphore_mem>>)
      %dma_wait3A_341 = arith.constant 0 : i32
      %dma_wait3A_342 = tpu.memref_slice %arg4[%add3A_84, %dma_wait3A_341] : memref<65536x128xf32, #tpu.memory_space<hbm>> -> memref<512x128xf32, #tpu.memory_space<hbm>>
      %dma_wait3A_343 = arith.constant 0 : i32
      %dma_wait3A_344 = tpu.memref_slice %arg4[%add3A_84, %dma_wait3A_343] : memref<65536x128xf32, #tpu.memory_space<hbm>> -> memref<512x128xf32, #tpu.memory_space<hbm>>
      tpu.wait_dma2 semaphore(%run_scoped3A : memref<!tpu.dma_semaphore, #tpu.memory_space<semaphore_mem>>) src(%arg6 : memref<512x128xf32, #tpu.memory_space<vmem>>) dst(%dma_wait3A_344 : memref<512x128xf32, #tpu.memory_space<hbm>>)
      tpu.yield
    }) : () -> ()
    %dma_start3A_85 = arith.constant 4 : i32
    %dma_start3A_86 = arith.constant 0 : i32
    %dma_start3A_87 = arith.constant 0 : i32
    %dma_start3A_88 = tpu.memref_slice %arg6[%dma_start3A_86, %dma_start3A_87] : memref<512x128xf32, #tpu.memory_space<vmem>> -> memref<128x128xf32, #tpu.memory_space<vmem>>
    %dma_start3A_89 = arith.constant 0 : i32
    %dma_start3A_90 = tpu.memref_slice %arg5[%dma_start3A_85, %dma_start3A_89] : memref<16x128xi32, #tpu.memory_space<vmem>> -> memref<1x128xi32, #tpu.memory_space<vmem>>
    %dma_start3A_91 = tpu.memref_squeeze %dma_start3A_90 : memref<1x128xi32, #tpu.memory_space<vmem>> -> memref<128xi32, #tpu.memory_space<vmem>>
    %dma_start3A_92 = arith.constant 0 : i32
    %dma_start3A_93 = arith.constant 0 : i32
    %dma_start3A_94 = tpu.memref_slice %arg2[%dma_start3A_92, %dma_start3A_93] : memref<4096x128xf32, #tpu.memory_space<hbm>> -> memref<4096x128xf32, #tpu.memory_space<hbm>>
    tpu.enqueue_indirect_dma source(%dma_start3A_94 : memref<4096x128xf32, #tpu.memory_space<hbm>>) target(%dma_start3A_88 : memref<128x128xf32, #tpu.memory_space<vmem>>) offsets(%dma_start3A_91 : memref<128xi32, #tpu.memory_space<vmem>>) semaphore(%arg7 : memref<!tpu.dma_semaphore, #tpu.memory_space<semaphore_mem>>)
    %dma_start3A_95 = arith.constant 5 : i32
    %dma_start3A_96 = arith.constant 128 : i32
    %dma_start3A_97 = arith.constant 0 : i32
    %dma_start3A_98 = tpu.memref_slice %arg6[%dma_start3A_96, %dma_start3A_97] : memref<512x128xf32, #tpu.memory_space<vmem>> -> memref<128x128xf32, #tpu.memory_space<vmem>>
    %dma_start3A_99 = arith.constant 0 : i32
    %dma_start3A_100 = tpu.memref_slice %arg5[%dma_start3A_95, %dma_start3A_99] : memref<16x128xi32, #tpu.memory_space<vmem>> -> memref<1x128xi32, #tpu.memory_space<vmem>>
    %dma_start3A_101 = tpu.memref_squeeze %dma_start3A_100 : memref<1x128xi32, #tpu.memory_space<vmem>> -> memref<128xi32, #tpu.memory_space<vmem>>
    %dma_start3A_102 = arith.constant 0 : i32
    %dma_start3A_103 = arith.constant 0 : i32
    %dma_start3A_104 = tpu.memref_slice %arg2[%dma_start3A_102, %dma_start3A_103] : memref<4096x128xf32, #tpu.memory_space<hbm>> -> memref<4096x128xf32, #tpu.memory_space<hbm>>
    tpu.enqueue_indirect_dma source(%dma_start3A_104 : memref<4096x128xf32, #tpu.memory_space<hbm>>) target(%dma_start3A_98 : memref<128x128xf32, #tpu.memory_space<vmem>>) offsets(%dma_start3A_101 : memref<128xi32, #tpu.memory_space<vmem>>) semaphore(%arg7 : memref<!tpu.dma_semaphore, #tpu.memory_space<semaphore_mem>>)
    %dma_start3A_105 = arith.constant 6 : i32
    %dma_start3A_106 = arith.constant 256 : i32
    %dma_start3A_107 = arith.constant 0 : i32
    %dma_start3A_108 = tpu.memref_slice %arg6[%dma_start3A_106, %dma_start3A_107] : memref<512x128xf32, #tpu.memory_space<vmem>> -> memref<128x128xf32, #tpu.memory_space<vmem>>
    %dma_start3A_109 = arith.constant 0 : i32
    %dma_start3A_110 = tpu.memref_slice %arg5[%dma_start3A_105, %dma_start3A_109] : memref<16x128xi32, #tpu.memory_space<vmem>> -> memref<1x128xi32, #tpu.memory_space<vmem>>
    %dma_start3A_111 = tpu.memref_squeeze %dma_start3A_110 : memref<1x128xi32, #tpu.memory_space<vmem>> -> memref<128xi32, #tpu.memory_space<vmem>>
    %dma_start3A_112 = arith.constant 0 : i32
    %dma_start3A_113 = arith.constant 0 : i32
    %dma_start3A_114 = tpu.memref_slice %arg2[%dma_start3A_112, %dma_start3A_113] : memref<4096x128xf32, #tpu.memory_space<hbm>> -> memref<4096x128xf32, #tpu.memory_space<hbm>>
    tpu.enqueue_indirect_dma source(%dma_start3A_114 : memref<4096x128xf32, #tpu.memory_space<hbm>>) target(%dma_start3A_108 : memref<128x128xf32, #tpu.memory_space<vmem>>) offsets(%dma_start3A_111 : memref<128xi32, #tpu.memory_space<vmem>>) semaphore(%arg7 : memref<!tpu.dma_semaphore, #tpu.memory_space<semaphore_mem>>)
    %dma_start3A_115 = arith.constant 7 : i32
    %dma_start3A_116 = arith.constant 384 : i32
    %dma_start3A_117 = arith.constant 0 : i32
    %dma_start3A_118 = tpu.memref_slice %arg6[%dma_start3A_116, %dma_start3A_117] : memref<512x128xf32, #tpu.memory_space<vmem>> -> memref<128x128xf32, #tpu.memory_space<vmem>>
    %dma_start3A_119 = arith.constant 0 : i32
    %dma_start3A_120 = tpu.memref_slice %arg5[%dma_start3A_115, %dma_start3A_119] : memref<16x128xi32, #tpu.memory_space<vmem>> -> memref<1x128xi32, #tpu.memory_space<vmem>>
    %dma_start3A_121 = tpu.memref_squeeze %dma_start3A_120 : memref<1x128xi32, #tpu.memory_space<vmem>> -> memref<128xi32, #tpu.memory_space<vmem>>
    %dma_start3A_122 = arith.constant 0 : i32
    %dma_start3A_123 = arith.constant 0 : i32
    %dma_start3A_124 = tpu.memref_slice %arg2[%dma_start3A_122, %dma_start3A_123] : memref<4096x128xf32, #tpu.memory_space<hbm>> -> memref<4096x128xf32, #tpu.memory_space<hbm>>
    tpu.enqueue_indirect_dma source(%dma_start3A_124 : memref<4096x128xf32, #tpu.memory_space<hbm>>) target(%dma_start3A_118 : memref<128x128xf32, #tpu.memory_space<vmem>>) offsets(%dma_start3A_121 : memref<128xi32, #tpu.memory_space<vmem>>) semaphore(%arg7 : memref<!tpu.dma_semaphore, #tpu.memory_space<semaphore_mem>>)
    %dma_wait3A_125 = arith.constant 4 : i32
    %dma_wait3A_126 = arith.constant 0 : i32
    %dma_wait3A_127 = arith.constant 0 : i32
    %dma_wait3A_128 = tpu.memref_slice %arg6[%dma_wait3A_126, %dma_wait3A_127] : memref<512x128xf32, #tpu.memory_space<vmem>> -> memref<128x128xf32, #tpu.memory_space<vmem>>
    %dma_wait3A_129 = arith.constant 0 : i32
    %dma_wait3A_130 = tpu.memref_slice %arg5[%dma_wait3A_125, %dma_wait3A_129] : memref<16x128xi32, #tpu.memory_space<vmem>> -> memref<1x128xi32, #tpu.memory_space<vmem>>
    %dma_wait3A_131 = tpu.memref_squeeze %dma_wait3A_130 : memref<1x128xi32, #tpu.memory_space<vmem>> -> memref<128xi32, #tpu.memory_space<vmem>>
    %dma_wait3A_132 = arith.constant 0 : i32
    %dma_wait3A_133 = arith.constant 0 : i32
    %dma_wait3A_134 = tpu.memref_slice %arg2[%dma_wait3A_132, %dma_wait3A_133] : memref<4096x128xf32, #tpu.memory_space<hbm>> -> memref<4096x128xf32, #tpu.memory_space<hbm>>
    tpu.wait_indirect_dma semaphore(%arg7 : memref<!tpu.dma_semaphore, #tpu.memory_space<semaphore_mem>>) src(%dma_wait3A_134 : memref<4096x128xf32, #tpu.memory_space<hbm>>) dst(%dma_wait3A_128 : memref<128x128xf32, #tpu.memory_space<vmem>>)
    %dma_wait3A_135 = arith.constant 5 : i32
    %dma_wait3A_136 = arith.constant 128 : i32
    %dma_wait3A_137 = arith.constant 0 : i32
    %dma_wait3A_138 = tpu.memref_slice %arg6[%dma_wait3A_136, %dma_wait3A_137] : memref<512x128xf32, #tpu.memory_space<vmem>> -> memref<128x128xf32, #tpu.memory_space<vmem>>
    %dma_wait3A_139 = arith.constant 0 : i32
    %dma_wait3A_140 = tpu.memref_slice %arg5[%dma_wait3A_135, %dma_wait3A_139] : memref<16x128xi32, #tpu.memory_space<vmem>> -> memref<1x128xi32, #tpu.memory_space<vmem>>
    %dma_wait3A_141 = tpu.memref_squeeze %dma_wait3A_140 : memref<1x128xi32, #tpu.memory_space<vmem>> -> memref<128xi32, #tpu.memory_space<vmem>>
    %dma_wait3A_142 = arith.constant 0 : i32
    %dma_wait3A_143 = arith.constant 0 : i32
    %dma_wait3A_144 = tpu.memref_slice %arg2[%dma_wait3A_142, %dma_wait3A_143] : memref<4096x128xf32, #tpu.memory_space<hbm>> -> memref<4096x128xf32, #tpu.memory_space<hbm>>
    tpu.wait_indirect_dma semaphore(%arg7 : memref<!tpu.dma_semaphore, #tpu.memory_space<semaphore_mem>>) src(%dma_wait3A_144 : memref<4096x128xf32, #tpu.memory_space<hbm>>) dst(%dma_wait3A_138 : memref<128x128xf32, #tpu.memory_space<vmem>>)
    %dma_wait3A_145 = arith.constant 6 : i32
    %dma_wait3A_146 = arith.constant 256 : i32
    %dma_wait3A_147 = arith.constant 0 : i32
    %dma_wait3A_148 = tpu.memref_slice %arg6[%dma_wait3A_146, %dma_wait3A_147] : memref<512x128xf32, #tpu.memory_space<vmem>> -> memref<128x128xf32, #tpu.memory_space<vmem>>
    %dma_wait3A_149 = arith.constant 0 : i32
    %dma_wait3A_150 = tpu.memref_slice %arg5[%dma_wait3A_145, %dma_wait3A_149] : memref<16x128xi32, #tpu.memory_space<vmem>> -> memref<1x128xi32, #tpu.memory_space<vmem>>
    %dma_wait3A_151 = tpu.memref_squeeze %dma_wait3A_150 : memref<1x128xi32, #tpu.memory_space<vmem>> -> memref<128xi32, #tpu.memory_space<vmem>>
    %dma_wait3A_152 = arith.constant 0 : i32
    %dma_wait3A_153 = arith.constant 0 : i32
    %dma_wait3A_154 = tpu.memref_slice %arg2[%dma_wait3A_152, %dma_wait3A_153] : memref<4096x128xf32, #tpu.memory_space<hbm>> -> memref<4096x128xf32, #tpu.memory_space<hbm>>
    tpu.wait_indirect_dma semaphore(%arg7 : memref<!tpu.dma_semaphore, #tpu.memory_space<semaphore_mem>>) src(%dma_wait3A_154 : memref<4096x128xf32, #tpu.memory_space<hbm>>) dst(%dma_wait3A_148 : memref<128x128xf32, #tpu.memory_space<vmem>>)
    %dma_wait3A_155 = arith.constant 7 : i32
    %dma_wait3A_156 = arith.constant 384 : i32
    %dma_wait3A_157 = arith.constant 0 : i32
    %dma_wait3A_158 = tpu.memref_slice %arg6[%dma_wait3A_156, %dma_wait3A_157] : memref<512x128xf32, #tpu.memory_space<vmem>> -> memref<128x128xf32, #tpu.memory_space<vmem>>
    %dma_wait3A_159 = arith.constant 0 : i32
    %dma_wait3A_160 = tpu.memref_slice %arg5[%dma_wait3A_155, %dma_wait3A_159] : memref<16x128xi32, #tpu.memory_space<vmem>> -> memref<1x128xi32, #tpu.memory_space<vmem>>
    %dma_wait3A_161 = tpu.memref_squeeze %dma_wait3A_160 : memref<1x128xi32, #tpu.memory_space<vmem>> -> memref<128xi32, #tpu.memory_space<vmem>>
    %dma_wait3A_162 = arith.constant 0 : i32
    %dma_wait3A_163 = arith.constant 0 : i32
    %dma_wait3A_164 = tpu.memref_slice %arg2[%dma_wait3A_162, %dma_wait3A_163] : memref<4096x128xf32, #tpu.memory_space<hbm>> -> memref<4096x128xf32, #tpu.memory_space<hbm>>
    tpu.wait_indirect_dma semaphore(%arg7 : memref<!tpu.dma_semaphore, #tpu.memory_space<semaphore_mem>>) src(%dma_wait3A_164 : memref<4096x128xf32, #tpu.memory_space<hbm>>) dst(%dma_wait3A_158 : memref<128x128xf32, #tpu.memory_space<vmem>>)
    %mul3A_165 = arith.constant 2048 : i32
    %mul3A_166 = arith.muli %add3A, %mul3A_165 : i32
    %add3A_167 = arith.constant 512 : i32
    %add3A_168 = arith.addi %mul3A_166, %add3A_167 : i32
    "tpu.region"() ({
      %run_scoped3A = tpu.sem_alloc : memref<!tpu.dma_semaphore, #tpu.memory_space<semaphore_mem>>
      %dma_start3A_337 = arith.constant 0 : i32
      %dma_start3A_338 = tpu.memref_slice %arg4[%add3A_168, %dma_start3A_337] : memref<65536x128xf32, #tpu.memory_space<hbm>> -> memref<512x128xf32, #tpu.memory_space<hbm>>
      %dma_start3A_339 = arith.constant 0 : i32
      %dma_start3A_340 = tpu.memref_slice %arg4[%add3A_168, %dma_start3A_339] : memref<65536x128xf32, #tpu.memory_space<hbm>> -> memref<512x128xf32, #tpu.memory_space<hbm>>
      tpu.enqueue_dma source(%arg6 : memref<512x128xf32, #tpu.memory_space<vmem>>) target(%dma_start3A_340 : memref<512x128xf32, #tpu.memory_space<hbm>>) target_semaphore(%run_scoped3A : memref<!tpu.dma_semaphore, #tpu.memory_space<semaphore_mem>>)
      %dma_wait3A_341 = arith.constant 0 : i32
      %dma_wait3A_342 = tpu.memref_slice %arg4[%add3A_168, %dma_wait3A_341] : memref<65536x128xf32, #tpu.memory_space<hbm>> -> memref<512x128xf32, #tpu.memory_space<hbm>>
      %dma_wait3A_343 = arith.constant 0 : i32
      %dma_wait3A_344 = tpu.memref_slice %arg4[%add3A_168, %dma_wait3A_343] : memref<65536x128xf32, #tpu.memory_space<hbm>> -> memref<512x128xf32, #tpu.memory_space<hbm>>
      tpu.wait_dma2 semaphore(%run_scoped3A : memref<!tpu.dma_semaphore, #tpu.memory_space<semaphore_mem>>) src(%arg6 : memref<512x128xf32, #tpu.memory_space<vmem>>) dst(%dma_wait3A_344 : memref<512x128xf32, #tpu.memory_space<hbm>>)
      tpu.yield
    }) : () -> ()
    %dma_start3A_169 = arith.constant 8 : i32
    %dma_start3A_170 = arith.constant 0 : i32
    %dma_start3A_171 = arith.constant 0 : i32
    %dma_start3A_172 = tpu.memref_slice %arg6[%dma_start3A_170, %dma_start3A_171] : memref<512x128xf32, #tpu.memory_space<vmem>> -> memref<128x128xf32, #tpu.memory_space<vmem>>
    %dma_start3A_173 = arith.constant 0 : i32
    %dma_start3A_174 = tpu.memref_slice %arg5[%dma_start3A_169, %dma_start3A_173] : memref<16x128xi32, #tpu.memory_space<vmem>> -> memref<1x128xi32, #tpu.memory_space<vmem>>
    %dma_start3A_175 = tpu.memref_squeeze %dma_start3A_174 : memref<1x128xi32, #tpu.memory_space<vmem>> -> memref<128xi32, #tpu.memory_space<vmem>>
    %dma_start3A_176 = arith.constant 0 : i32
    %dma_start3A_177 = arith.constant 0 : i32
    %dma_start3A_178 = tpu.memref_slice %arg2[%dma_start3A_176, %dma_start3A_177] : memref<4096x128xf32, #tpu.memory_space<hbm>> -> memref<4096x128xf32, #tpu.memory_space<hbm>>
    tpu.enqueue_indirect_dma source(%dma_start3A_178 : memref<4096x128xf32, #tpu.memory_space<hbm>>) target(%dma_start3A_172 : memref<128x128xf32, #tpu.memory_space<vmem>>) offsets(%dma_start3A_175 : memref<128xi32, #tpu.memory_space<vmem>>) semaphore(%arg7 : memref<!tpu.dma_semaphore, #tpu.memory_space<semaphore_mem>>)
    %dma_start3A_179 = arith.constant 9 : i32
    %dma_start3A_180 = arith.constant 128 : i32
    %dma_start3A_181 = arith.constant 0 : i32
    %dma_start3A_182 = tpu.memref_slice %arg6[%dma_start3A_180, %dma_start3A_181] : memref<512x128xf32, #tpu.memory_space<vmem>> -> memref<128x128xf32, #tpu.memory_space<vmem>>
    %dma_start3A_183 = arith.constant 0 : i32
    %dma_start3A_184 = tpu.memref_slice %arg5[%dma_start3A_179, %dma_start3A_183] : memref<16x128xi32, #tpu.memory_space<vmem>> -> memref<1x128xi32, #tpu.memory_space<vmem>>
    %dma_start3A_185 = tpu.memref_squeeze %dma_start3A_184 : memref<1x128xi32, #tpu.memory_space<vmem>> -> memref<128xi32, #tpu.memory_space<vmem>>
    %dma_start3A_186 = arith.constant 0 : i32
    %dma_start3A_187 = arith.constant 0 : i32
    %dma_start3A_188 = tpu.memref_slice %arg2[%dma_start3A_186, %dma_start3A_187] : memref<4096x128xf32, #tpu.memory_space<hbm>> -> memref<4096x128xf32, #tpu.memory_space<hbm>>
    tpu.enqueue_indirect_dma source(%dma_start3A_188 : memref<4096x128xf32, #tpu.memory_space<hbm>>) target(%dma_start3A_182 : memref<128x128xf32, #tpu.memory_space<vmem>>) offsets(%dma_start3A_185 : memref<128xi32, #tpu.memory_space<vmem>>) semaphore(%arg7 : memref<!tpu.dma_semaphore, #tpu.memory_space<semaphore_mem>>)
    %dma_start3A_189 = arith.constant 10 : i32
    %dma_start3A_190 = arith.constant 256 : i32
    %dma_start3A_191 = arith.constant 0 : i32
    %dma_start3A_192 = tpu.memref_slice %arg6[%dma_start3A_190, %dma_start3A_191] : memref<512x128xf32, #tpu.memory_space<vmem>> -> memref<128x128xf32, #tpu.memory_space<vmem>>
    %dma_start3A_193 = arith.constant 0 : i32
    %dma_start3A_194 = tpu.memref_slice %arg5[%dma_start3A_189, %dma_start3A_193] : memref<16x128xi32, #tpu.memory_space<vmem>> -> memref<1x128xi32, #tpu.memory_space<vmem>>
    %dma_start3A_195 = tpu.memref_squeeze %dma_start3A_194 : memref<1x128xi32, #tpu.memory_space<vmem>> -> memref<128xi32, #tpu.memory_space<vmem>>
    %dma_start3A_196 = arith.constant 0 : i32
    %dma_start3A_197 = arith.constant 0 : i32
    %dma_start3A_198 = tpu.memref_slice %arg2[%dma_start3A_196, %dma_start3A_197] : memref<4096x128xf32, #tpu.memory_space<hbm>> -> memref<4096x128xf32, #tpu.memory_space<hbm>>
    tpu.enqueue_indirect_dma source(%dma_start3A_198 : memref<4096x128xf32, #tpu.memory_space<hbm>>) target(%dma_start3A_192 : memref<128x128xf32, #tpu.memory_space<vmem>>) offsets(%dma_start3A_195 : memref<128xi32, #tpu.memory_space<vmem>>) semaphore(%arg7 : memref<!tpu.dma_semaphore, #tpu.memory_space<semaphore_mem>>)
    %dma_start3A_199 = arith.constant 11 : i32
    %dma_start3A_200 = arith.constant 384 : i32
    %dma_start3A_201 = arith.constant 0 : i32
    %dma_start3A_202 = tpu.memref_slice %arg6[%dma_start3A_200, %dma_start3A_201] : memref<512x128xf32, #tpu.memory_space<vmem>> -> memref<128x128xf32, #tpu.memory_space<vmem>>
    %dma_start3A_203 = arith.constant 0 : i32
    %dma_start3A_204 = tpu.memref_slice %arg5[%dma_start3A_199, %dma_start3A_203] : memref<16x128xi32, #tpu.memory_space<vmem>> -> memref<1x128xi32, #tpu.memory_space<vmem>>
    %dma_start3A_205 = tpu.memref_squeeze %dma_start3A_204 : memref<1x128xi32, #tpu.memory_space<vmem>> -> memref<128xi32, #tpu.memory_space<vmem>>
    %dma_start3A_206 = arith.constant 0 : i32
    %dma_start3A_207 = arith.constant 0 : i32
    %dma_start3A_208 = tpu.memref_slice %arg2[%dma_start3A_206, %dma_start3A_207] : memref<4096x128xf32, #tpu.memory_space<hbm>> -> memref<4096x128xf32, #tpu.memory_space<hbm>>
    tpu.enqueue_indirect_dma source(%dma_start3A_208 : memref<4096x128xf32, #tpu.memory_space<hbm>>) target(%dma_start3A_202 : memref<128x128xf32, #tpu.memory_space<vmem>>) offsets(%dma_start3A_205 : memref<128xi32, #tpu.memory_space<vmem>>) semaphore(%arg7 : memref<!tpu.dma_semaphore, #tpu.memory_space<semaphore_mem>>)
    %dma_wait3A_209 = arith.constant 8 : i32
    %dma_wait3A_210 = arith.constant 0 : i32
    %dma_wait3A_211 = arith.constant 0 : i32
    %dma_wait3A_212 = tpu.memref_slice %arg6[%dma_wait3A_210, %dma_wait3A_211] : memref<512x128xf32, #tpu.memory_space<vmem>> -> memref<128x128xf32, #tpu.memory_space<vmem>>
    %dma_wait3A_213 = arith.constant 0 : i32
    %dma_wait3A_214 = tpu.memref_slice %arg5[%dma_wait3A_209, %dma_wait3A_213] : memref<16x128xi32, #tpu.memory_space<vmem>> -> memref<1x128xi32, #tpu.memory_space<vmem>>
    %dma_wait3A_215 = tpu.memref_squeeze %dma_wait3A_214 : memref<1x128xi32, #tpu.memory_space<vmem>> -> memref<128xi32, #tpu.memory_space<vmem>>
    %dma_wait3A_216 = arith.constant 0 : i32
    %dma_wait3A_217 = arith.constant 0 : i32
    %dma_wait3A_218 = tpu.memref_slice %arg2[%dma_wait3A_216, %dma_wait3A_217] : memref<4096x128xf32, #tpu.memory_space<hbm>> -> memref<4096x128xf32, #tpu.memory_space<hbm>>
    tpu.wait_indirect_dma semaphore(%arg7 : memref<!tpu.dma_semaphore, #tpu.memory_space<semaphore_mem>>) src(%dma_wait3A_218 : memref<4096x128xf32, #tpu.memory_space<hbm>>) dst(%dma_wait3A_212 : memref<128x128xf32, #tpu.memory_space<vmem>>)
    %dma_wait3A_219 = arith.constant 9 : i32
    %dma_wait3A_220 = arith.constant 128 : i32
    %dma_wait3A_221 = arith.constant 0 : i32
    %dma_wait3A_222 = tpu.memref_slice %arg6[%dma_wait3A_220, %dma_wait3A_221] : memref<512x128xf32, #tpu.memory_space<vmem>> -> memref<128x128xf32, #tpu.memory_space<vmem>>
    %dma_wait3A_223 = arith.constant 0 : i32
    %dma_wait3A_224 = tpu.memref_slice %arg5[%dma_wait3A_219, %dma_wait3A_223] : memref<16x128xi32, #tpu.memory_space<vmem>> -> memref<1x128xi32, #tpu.memory_space<vmem>>
    %dma_wait3A_225 = tpu.memref_squeeze %dma_wait3A_224 : memref<1x128xi32, #tpu.memory_space<vmem>> -> memref<128xi32, #tpu.memory_space<vmem>>
    %dma_wait3A_226 = arith.constant 0 : i32
    %dma_wait3A_227 = arith.constant 0 : i32
    %dma_wait3A_228 = tpu.memref_slice %arg2[%dma_wait3A_226, %dma_wait3A_227] : memref<4096x128xf32, #tpu.memory_space<hbm>> -> memref<4096x128xf32, #tpu.memory_space<hbm>>
    tpu.wait_indirect_dma semaphore(%arg7 : memref<!tpu.dma_semaphore, #tpu.memory_space<semaphore_mem>>) src(%dma_wait3A_228 : memref<4096x128xf32, #tpu.memory_space<hbm>>) dst(%dma_wait3A_222 : memref<128x128xf32, #tpu.memory_space<vmem>>)
    %dma_wait3A_229 = arith.constant 10 : i32
    %dma_wait3A_230 = arith.constant 256 : i32
    %dma_wait3A_231 = arith.constant 0 : i32
    %dma_wait3A_232 = tpu.memref_slice %arg6[%dma_wait3A_230, %dma_wait3A_231] : memref<512x128xf32, #tpu.memory_space<vmem>> -> memref<128x128xf32, #tpu.memory_space<vmem>>
    %dma_wait3A_233 = arith.constant 0 : i32
    %dma_wait3A_234 = tpu.memref_slice %arg5[%dma_wait3A_229, %dma_wait3A_233] : memref<16x128xi32, #tpu.memory_space<vmem>> -> memref<1x128xi32, #tpu.memory_space<vmem>>
    %dma_wait3A_235 = tpu.memref_squeeze %dma_wait3A_234 : memref<1x128xi32, #tpu.memory_space<vmem>> -> memref<128xi32, #tpu.memory_space<vmem>>
    %dma_wait3A_236 = arith.constant 0 : i32
    %dma_wait3A_237 = arith.constant 0 : i32
    %dma_wait3A_238 = tpu.memref_slice %arg2[%dma_wait3A_236, %dma_wait3A_237] : memref<4096x128xf32, #tpu.memory_space<hbm>> -> memref<4096x128xf32, #tpu.memory_space<hbm>>
    tpu.wait_indirect_dma semaphore(%arg7 : memref<!tpu.dma_semaphore, #tpu.memory_space<semaphore_mem>>) src(%dma_wait3A_238 : memref<4096x128xf32, #tpu.memory_space<hbm>>) dst(%dma_wait3A_232 : memref<128x128xf32, #tpu.memory_space<vmem>>)
    %dma_wait3A_239 = arith.constant 11 : i32
    %dma_wait3A_240 = arith.constant 384 : i32
    %dma_wait3A_241 = arith.constant 0 : i32
    %dma_wait3A_242 = tpu.memref_slice %arg6[%dma_wait3A_240, %dma_wait3A_241] : memref<512x128xf32, #tpu.memory_space<vmem>> -> memref<128x128xf32, #tpu.memory_space<vmem>>
    %dma_wait3A_243 = arith.constant 0 : i32
    %dma_wait3A_244 = tpu.memref_slice %arg5[%dma_wait3A_239, %dma_wait3A_243] : memref<16x128xi32, #tpu.memory_space<vmem>> -> memref<1x128xi32, #tpu.memory_space<vmem>>
    %dma_wait3A_245 = tpu.memref_squeeze %dma_wait3A_244 : memref<1x128xi32, #tpu.memory_space<vmem>> -> memref<128xi32, #tpu.memory_space<vmem>>
    %dma_wait3A_246 = arith.constant 0 : i32
    %dma_wait3A_247 = arith.constant 0 : i32
    %dma_wait3A_248 = tpu.memref_slice %arg2[%dma_wait3A_246, %dma_wait3A_247] : memref<4096x128xf32, #tpu.memory_space<hbm>> -> memref<4096x128xf32, #tpu.memory_space<hbm>>
    tpu.wait_indirect_dma semaphore(%arg7 : memref<!tpu.dma_semaphore, #tpu.memory_space<semaphore_mem>>) src(%dma_wait3A_248 : memref<4096x128xf32, #tpu.memory_space<hbm>>) dst(%dma_wait3A_242 : memref<128x128xf32, #tpu.memory_space<vmem>>)
    %mul3A_249 = arith.constant 2048 : i32
    %mul3A_250 = arith.muli %add3A, %mul3A_249 : i32
    %add3A_251 = arith.constant 1024 : i32
    %add3A_252 = arith.addi %mul3A_250, %add3A_251 : i32
    "tpu.region"() ({
      %run_scoped3A = tpu.sem_alloc : memref<!tpu.dma_semaphore, #tpu.memory_space<semaphore_mem>>
      %dma_start3A_337 = arith.constant 0 : i32
      %dma_start3A_338 = tpu.memref_slice %arg4[%add3A_252, %dma_start3A_337] : memref<65536x128xf32, #tpu.memory_space<hbm>> -> memref<512x128xf32, #tpu.memory_space<hbm>>
      %dma_start3A_339 = arith.constant 0 : i32
      %dma_start3A_340 = tpu.memref_slice %arg4[%add3A_252, %dma_start3A_339] : memref<65536x128xf32, #tpu.memory_space<hbm>> -> memref<512x128xf32, #tpu.memory_space<hbm>>
      tpu.enqueue_dma source(%arg6 : memref<512x128xf32, #tpu.memory_space<vmem>>) target(%dma_start3A_340 : memref<512x128xf32, #tpu.memory_space<hbm>>) target_semaphore(%run_scoped3A : memref<!tpu.dma_semaphore, #tpu.memory_space<semaphore_mem>>)
      %dma_wait3A_341 = arith.constant 0 : i32
      %dma_wait3A_342 = tpu.memref_slice %arg4[%add3A_252, %dma_wait3A_341] : memref<65536x128xf32, #tpu.memory_space<hbm>> -> memref<512x128xf32, #tpu.memory_space<hbm>>
      %dma_wait3A_343 = arith.constant 0 : i32
      %dma_wait3A_344 = tpu.memref_slice %arg4[%add3A_252, %dma_wait3A_343] : memref<65536x128xf32, #tpu.memory_space<hbm>> -> memref<512x128xf32, #tpu.memory_space<hbm>>
      tpu.wait_dma2 semaphore(%run_scoped3A : memref<!tpu.dma_semaphore, #tpu.memory_space<semaphore_mem>>) src(%arg6 : memref<512x128xf32, #tpu.memory_space<vmem>>) dst(%dma_wait3A_344 : memref<512x128xf32, #tpu.memory_space<hbm>>)
      tpu.yield
    }) : () -> ()
    %dma_start3A_253 = arith.constant 12 : i32
    %dma_start3A_254 = arith.constant 0 : i32
    %dma_start3A_255 = arith.constant 0 : i32
    %dma_start3A_256 = tpu.memref_slice %arg6[%dma_start3A_254, %dma_start3A_255] : memref<512x128xf32, #tpu.memory_space<vmem>> -> memref<128x128xf32, #tpu.memory_space<vmem>>
    %dma_start3A_257 = arith.constant 0 : i32
    %dma_start3A_258 = tpu.memref_slice %arg5[%dma_start3A_253, %dma_start3A_257] : memref<16x128xi32, #tpu.memory_space<vmem>> -> memref<1x128xi32, #tpu.memory_space<vmem>>
    %dma_start3A_259 = tpu.memref_squeeze %dma_start3A_258 : memref<1x128xi32, #tpu.memory_space<vmem>> -> memref<128xi32, #tpu.memory_space<vmem>>
    %dma_start3A_260 = arith.constant 0 : i32
    %dma_start3A_261 = arith.constant 0 : i32
    %dma_start3A_262 = tpu.memref_slice %arg2[%dma_start3A_260, %dma_start3A_261] : memref<4096x128xf32, #tpu.memory_space<hbm>> -> memref<4096x128xf32, #tpu.memory_space<hbm>>
    tpu.enqueue_indirect_dma source(%dma_start3A_262 : memref<4096x128xf32, #tpu.memory_space<hbm>>) target(%dma_start3A_256 : memref<128x128xf32, #tpu.memory_space<vmem>>) offsets(%dma_start3A_259 : memref<128xi32, #tpu.memory_space<vmem>>) semaphore(%arg7 : memref<!tpu.dma_semaphore, #tpu.memory_space<semaphore_mem>>)
    %dma_start3A_263 = arith.constant 13 : i32
    %dma_start3A_264 = arith.constant 128 : i32
    %dma_start3A_265 = arith.constant 0 : i32
    %dma_start3A_266 = tpu.memref_slice %arg6[%dma_start3A_264, %dma_start3A_265] : memref<512x128xf32, #tpu.memory_space<vmem>> -> memref<128x128xf32, #tpu.memory_space<vmem>>
    %dma_start3A_267 = arith.constant 0 : i32
    %dma_start3A_268 = tpu.memref_slice %arg5[%dma_start3A_263, %dma_start3A_267] : memref<16x128xi32, #tpu.memory_space<vmem>> -> memref<1x128xi32, #tpu.memory_space<vmem>>
    %dma_start3A_269 = tpu.memref_squeeze %dma_start3A_268 : memref<1x128xi32, #tpu.memory_space<vmem>> -> memref<128xi32, #tpu.memory_space<vmem>>
    %dma_start3A_270 = arith.constant 0 : i32
    %dma_start3A_271 = arith.constant 0 : i32
    %dma_start3A_272 = tpu.memref_slice %arg2[%dma_start3A_270, %dma_start3A_271] : memref<4096x128xf32, #tpu.memory_space<hbm>> -> memref<4096x128xf32, #tpu.memory_space<hbm>>
    tpu.enqueue_indirect_dma source(%dma_start3A_272 : memref<4096x128xf32, #tpu.memory_space<hbm>>) target(%dma_start3A_266 : memref<128x128xf32, #tpu.memory_space<vmem>>) offsets(%dma_start3A_269 : memref<128xi32, #tpu.memory_space<vmem>>) semaphore(%arg7 : memref<!tpu.dma_semaphore, #tpu.memory_space<semaphore_mem>>)
    %dma_start3A_273 = arith.constant 14 : i32
    %dma_start3A_274 = arith.constant 256 : i32
    %dma_start3A_275 = arith.constant 0 : i32
    %dma_start3A_276 = tpu.memref_slice %arg6[%dma_start3A_274, %dma_start3A_275] : memref<512x128xf32, #tpu.memory_space<vmem>> -> memref<128x128xf32, #tpu.memory_space<vmem>>
    %dma_start3A_277 = arith.constant 0 : i32
    %dma_start3A_278 = tpu.memref_slice %arg5[%dma_start3A_273, %dma_start3A_277] : memref<16x128xi32, #tpu.memory_space<vmem>> -> memref<1x128xi32, #tpu.memory_space<vmem>>
    %dma_start3A_279 = tpu.memref_squeeze %dma_start3A_278 : memref<1x128xi32, #tpu.memory_space<vmem>> -> memref<128xi32, #tpu.memory_space<vmem>>
    %dma_start3A_280 = arith.constant 0 : i32
    %dma_start3A_281 = arith.constant 0 : i32
    %dma_start3A_282 = tpu.memref_slice %arg2[%dma_start3A_280, %dma_start3A_281] : memref<4096x128xf32, #tpu.memory_space<hbm>> -> memref<4096x128xf32, #tpu.memory_space<hbm>>
    tpu.enqueue_indirect_dma source(%dma_start3A_282 : memref<4096x128xf32, #tpu.memory_space<hbm>>) target(%dma_start3A_276 : memref<128x128xf32, #tpu.memory_space<vmem>>) offsets(%dma_start3A_279 : memref<128xi32, #tpu.memory_space<vmem>>) semaphore(%arg7 : memref<!tpu.dma_semaphore, #tpu.memory_space<semaphore_mem>>)
    %dma_start3A_283 = arith.constant 15 : i32
    %dma_start3A_284 = arith.constant 384 : i32
    %dma_start3A_285 = arith.constant 0 : i32
    %dma_start3A_286 = tpu.memref_slice %arg6[%dma_start3A_284, %dma_start3A_285] : memref<512x128xf32, #tpu.memory_space<vmem>> -> memref<128x128xf32, #tpu.memory_space<vmem>>
    %dma_start3A_287 = arith.constant 0 : i32
    %dma_start3A_288 = tpu.memref_slice %arg5[%dma_start3A_283, %dma_start3A_287] : memref<16x128xi32, #tpu.memory_space<vmem>> -> memref<1x128xi32, #tpu.memory_space<vmem>>
    %dma_start3A_289 = tpu.memref_squeeze %dma_start3A_288 : memref<1x128xi32, #tpu.memory_space<vmem>> -> memref<128xi32, #tpu.memory_space<vmem>>
    %dma_start3A_290 = arith.constant 0 : i32
    %dma_start3A_291 = arith.constant 0 : i32
    %dma_start3A_292 = tpu.memref_slice %arg2[%dma_start3A_290, %dma_start3A_291] : memref<4096x128xf32, #tpu.memory_space<hbm>> -> memref<4096x128xf32, #tpu.memory_space<hbm>>
    tpu.enqueue_indirect_dma source(%dma_start3A_292 : memref<4096x128xf32, #tpu.memory_space<hbm>>) target(%dma_start3A_286 : memref<128x128xf32, #tpu.memory_space<vmem>>) offsets(%dma_start3A_289 : memref<128xi32, #tpu.memory_space<vmem>>) semaphore(%arg7 : memref<!tpu.dma_semaphore, #tpu.memory_space<semaphore_mem>>)
    %dma_wait3A_293 = arith.constant 12 : i32
    %dma_wait3A_294 = arith.constant 0 : i32
    %dma_wait3A_295 = arith.constant 0 : i32
    %dma_wait3A_296 = tpu.memref_slice %arg6[%dma_wait3A_294, %dma_wait3A_295] : memref<512x128xf32, #tpu.memory_space<vmem>> -> memref<128x128xf32, #tpu.memory_space<vmem>>
    %dma_wait3A_297 = arith.constant 0 : i32
    %dma_wait3A_298 = tpu.memref_slice %arg5[%dma_wait3A_293, %dma_wait3A_297] : memref<16x128xi32, #tpu.memory_space<vmem>> -> memref<1x128xi32, #tpu.memory_space<vmem>>
    %dma_wait3A_299 = tpu.memref_squeeze %dma_wait3A_298 : memref<1x128xi32, #tpu.memory_space<vmem>> -> memref<128xi32, #tpu.memory_space<vmem>>
    %dma_wait3A_300 = arith.constant 0 : i32
    %dma_wait3A_301 = arith.constant 0 : i32
    %dma_wait3A_302 = tpu.memref_slice %arg2[%dma_wait3A_300, %dma_wait3A_301] : memref<4096x128xf32, #tpu.memory_space<hbm>> -> memref<4096x128xf32, #tpu.memory_space<hbm>>
    tpu.wait_indirect_dma semaphore(%arg7 : memref<!tpu.dma_semaphore, #tpu.memory_space<semaphore_mem>>) src(%dma_wait3A_302 : memref<4096x128xf32, #tpu.memory_space<hbm>>) dst(%dma_wait3A_296 : memref<128x128xf32, #tpu.memory_space<vmem>>)
    %dma_wait3A_303 = arith.constant 13 : i32
    %dma_wait3A_304 = arith.constant 128 : i32
    %dma_wait3A_305 = arith.constant 0 : i32
    %dma_wait3A_306 = tpu.memref_slice %arg6[%dma_wait3A_304, %dma_wait3A_305] : memref<512x128xf32, #tpu.memory_space<vmem>> -> memref<128x128xf32, #tpu.memory_space<vmem>>
    %dma_wait3A_307 = arith.constant 0 : i32
    %dma_wait3A_308 = tpu.memref_slice %arg5[%dma_wait3A_303, %dma_wait3A_307] : memref<16x128xi32, #tpu.memory_space<vmem>> -> memref<1x128xi32, #tpu.memory_space<vmem>>
    %dma_wait3A_309 = tpu.memref_squeeze %dma_wait3A_308 : memref<1x128xi32, #tpu.memory_space<vmem>> -> memref<128xi32, #tpu.memory_space<vmem>>
    %dma_wait3A_310 = arith.constant 0 : i32
    %dma_wait3A_311 = arith.constant 0 : i32
    %dma_wait3A_312 = tpu.memref_slice %arg2[%dma_wait3A_310, %dma_wait3A_311] : memref<4096x128xf32, #tpu.memory_space<hbm>> -> memref<4096x128xf32, #tpu.memory_space<hbm>>
    tpu.wait_indirect_dma semaphore(%arg7 : memref<!tpu.dma_semaphore, #tpu.memory_space<semaphore_mem>>) src(%dma_wait3A_312 : memref<4096x128xf32, #tpu.memory_space<hbm>>) dst(%dma_wait3A_306 : memref<128x128xf32, #tpu.memory_space<vmem>>)
    %dma_wait3A_313 = arith.constant 14 : i32
    %dma_wait3A_314 = arith.constant 256 : i32
    %dma_wait3A_315 = arith.constant 0 : i32
    %dma_wait3A_316 = tpu.memref_slice %arg6[%dma_wait3A_314, %dma_wait3A_315] : memref<512x128xf32, #tpu.memory_space<vmem>> -> memref<128x128xf32, #tpu.memory_space<vmem>>
    %dma_wait3A_317 = arith.constant 0 : i32
    %dma_wait3A_318 = tpu.memref_slice %arg5[%dma_wait3A_313, %dma_wait3A_317] : memref<16x128xi32, #tpu.memory_space<vmem>> -> memref<1x128xi32, #tpu.memory_space<vmem>>
    %dma_wait3A_319 = tpu.memref_squeeze %dma_wait3A_318 : memref<1x128xi32, #tpu.memory_space<vmem>> -> memref<128xi32, #tpu.memory_space<vmem>>
    %dma_wait3A_320 = arith.constant 0 : i32
    %dma_wait3A_321 = arith.constant 0 : i32
    %dma_wait3A_322 = tpu.memref_slice %arg2[%dma_wait3A_320, %dma_wait3A_321] : memref<4096x128xf32, #tpu.memory_space<hbm>> -> memref<4096x128xf32, #tpu.memory_space<hbm>>
    tpu.wait_indirect_dma semaphore(%arg7 : memref<!tpu.dma_semaphore, #tpu.memory_space<semaphore_mem>>) src(%dma_wait3A_322 : memref<4096x128xf32, #tpu.memory_space<hbm>>) dst(%dma_wait3A_316 : memref<128x128xf32, #tpu.memory_space<vmem>>)
    %dma_wait3A_323 = arith.constant 15 : i32
    %dma_wait3A_324 = arith.constant 384 : i32
    %dma_wait3A_325 = arith.constant 0 : i32
    %dma_wait3A_326 = tpu.memref_slice %arg6[%dma_wait3A_324, %dma_wait3A_325] : memref<512x128xf32, #tpu.memory_space<vmem>> -> memref<128x128xf32, #tpu.memory_space<vmem>>
    %dma_wait3A_327 = arith.constant 0 : i32
    %dma_wait3A_328 = tpu.memref_slice %arg5[%dma_wait3A_323, %dma_wait3A_327] : memref<16x128xi32, #tpu.memory_space<vmem>> -> memref<1x128xi32, #tpu.memory_space<vmem>>
    %dma_wait3A_329 = tpu.memref_squeeze %dma_wait3A_328 : memref<1x128xi32, #tpu.memory_space<vmem>> -> memref<128xi32, #tpu.memory_space<vmem>>
    %dma_wait3A_330 = arith.constant 0 : i32
    %dma_wait3A_331 = arith.constant 0 : i32
    %dma_wait3A_332 = tpu.memref_slice %arg2[%dma_wait3A_330, %dma_wait3A_331] : memref<4096x128xf32, #tpu.memory_space<hbm>> -> memref<4096x128xf32, #tpu.memory_space<hbm>>
    tpu.wait_indirect_dma semaphore(%arg7 : memref<!tpu.dma_semaphore, #tpu.memory_space<semaphore_mem>>) src(%dma_wait3A_332 : memref<4096x128xf32, #tpu.memory_space<hbm>>) dst(%dma_wait3A_326 : memref<128x128xf32, #tpu.memory_space<vmem>>)
    %mul3A_333 = arith.constant 2048 : i32
    %mul3A_334 = arith.muli %add3A, %mul3A_333 : i32
    %add3A_335 = arith.constant 1536 : i32
    %add3A_336 = arith.addi %mul3A_334, %add3A_335 : i32
    "tpu.region"() ({
      %run_scoped3A = tpu.sem_alloc : memref<!tpu.dma_semaphore, #tpu.memory_space<semaphore_mem>>
      %dma_start3A_337 = arith.constant 0 : i32
      %dma_start3A_338 = tpu.memref_slice %arg4[%add3A_336, %dma_start3A_337] : memref<65536x128xf32, #tpu.memory_space<hbm>> -> memref<512x128xf32, #tpu.memory_space<hbm>>
      %dma_start3A_339 = arith.constant 0 : i32
      %dma_start3A_340 = tpu.memref_slice %arg4[%add3A_336, %dma_start3A_339] : memref<65536x128xf32, #tpu.memory_space<hbm>> -> memref<512x128xf32, #tpu.memory_space<hbm>>
      tpu.enqueue_dma source(%arg6 : memref<512x128xf32, #tpu.memory_space<vmem>>) target(%dma_start3A_340 : memref<512x128xf32, #tpu.memory_space<hbm>>) target_semaphore(%run_scoped3A : memref<!tpu.dma_semaphore, #tpu.memory_space<semaphore_mem>>)
      %dma_wait3A_341 = arith.constant 0 : i32
      %dma_wait3A_342 = tpu.memref_slice %arg4[%add3A_336, %dma_wait3A_341] : memref<65536x128xf32, #tpu.memory_space<hbm>> -> memref<512x128xf32, #tpu.memory_space<hbm>>
      %dma_wait3A_343 = arith.constant 0 : i32
      %dma_wait3A_344 = tpu.memref_slice %arg4[%add3A_336, %dma_wait3A_343] : memref<65536x128xf32, #tpu.memory_space<hbm>> -> memref<512x128xf32, #tpu.memory_space<hbm>>
      tpu.wait_dma2 semaphore(%run_scoped3A : memref<!tpu.dma_semaphore, #tpu.memory_space<semaphore_mem>>) src(%arg6 : memref<512x128xf32, #tpu.memory_space<vmem>>) dst(%dma_wait3A_344 : memref<512x128xf32, #tpu.memory_space<hbm>>)
      tpu.yield
    }) : () -> ()
    return
  }
}

#map = affine_map<(d0, d1) -> (0, 0)>
module attributes {stable_mosaic.version = 14 : i64} {
  func.func @gather_k(%arg0: i32, %arg1: i32, %arg2: memref<4096x128xf32, #tpu.memory_space<hbm>>, %arg3: memref<512x128xi32, #tpu.memory_space<hbm>>, %arg4: memref<65536x128xf32, #tpu.memory_space<hbm>>, %arg5: memref<16x128xi32, #tpu.memory_space<vmem>>, %arg6: memref<512x128xf32, #tpu.memory_space<vmem>>, %arg7: memref<!tpu.dma_semaphore, #tpu.memory_space<semaphore_mem>>) attributes {dimension_semantics = [#tpu.dimension_semantics<core_parallel>, #tpu.dimension_semantics<subcore_parallel>], iteration_bounds = array<i64: 2, 16>, scalar_prefetch = 0 : i64, scratch_operands = 3 : i64, tpu.core_type = #tpu.core_type<sc_vector_subcore>, window_params = [{transform_indices = #map}, {transform_indices = #map}, {transform_indices = #map}]} {
    %mul3A = arith.constant 2 : i32
    %mul3A_0 = arith.muli %arg1, %mul3A : i32
    %add3A = arith.addi %mul3A_0, %arg0 : i32
    %mul3A_1 = arith.constant 16 : i32
    %mul3A_2 = arith.muli %add3A, %mul3A_1 : i32
    "tpu.region"() ({
      %run_scoped3A = tpu.sem_alloc : memref<!tpu.dma_semaphore, #tpu.memory_space<semaphore_mem>>
      %dma_start3A_337 = arith.constant 0 : i32
      %dma_start3A_338 = tpu.memref_slice %arg3[%mul3A_2, %dma_start3A_337] : memref<512x128xi32, #tpu.memory_space<hbm>> -> memref<16x128xi32, #tpu.memory_space<hbm>>
      %dma_start3A_339 = arith.constant 0 : i32
      %dma_start3A_340 = tpu.memref_slice %arg3[%mul3A_2, %dma_start3A_339] : memref<512x128xi32, #tpu.memory_space<hbm>> -> memref<16x128xi32, #tpu.memory_space<hbm>>
      tpu.enqueue_dma source(%dma_start3A_340 : memref<16x128xi32, #tpu.memory_space<hbm>>) target(%arg5 : memref<16x128xi32, #tpu.memory_space<vmem>>) target_semaphore(%run_scoped3A : memref<!tpu.dma_semaphore, #tpu.memory_space<semaphore_mem>>)
      %dma_wait3A_341 = arith.constant 0 : i32
      %dma_wait3A_342 = tpu.memref_slice %arg3[%mul3A_2, %dma_wait3A_341] : memref<512x128xi32, #tpu.memory_space<hbm>> -> memref<16x128xi32, #tpu.memory_space<hbm>>
      %dma_wait3A_343 = arith.constant 0 : i32
      %dma_wait3A_344 = tpu.memref_slice %arg3[%mul3A_2, %dma_wait3A_343] : memref<512x128xi32, #tpu.memory_space<hbm>> -> memref<16x128xi32, #tpu.memory_space<hbm>>
      tpu.wait_dma2 semaphore(%run_scoped3A : memref<!tpu.dma_semaphore, #tpu.memory_space<semaphore_mem>>) src(%dma_wait3A_344 : memref<16x128xi32, #tpu.memory_space<hbm>>) dst(%arg5 : memref<16x128xi32, #tpu.memory_space<vmem>>)
      tpu.yield
    }) : () -> ()
    %dma_start3A = arith.constant 0 : i32
    %dma_start3A_3 = arith.constant 0 : i32
    %dma_start3A_4 = arith.constant 0 : i32
    %dma_start3A_5 = tpu.memref_slice %arg6[%dma_start3A_3, %dma_start3A_4] : memref<512x128xf32, #tpu.memory_space<vmem>> -> memref<128x128xf32, #tpu.memory_space<vmem>>
    %dma_start3A_6 = arith.constant 0 : i32
    %dma_start3A_7 = tpu.memref_slice %arg5[%dma_start3A, %dma_start3A_6] : memref<16x128xi32, #tpu.memory_space<vmem>> -> memref<1x128xi32, #tpu.memory_space<vmem>>
    %dma_start3A_8 = tpu.memref_squeeze %dma_start3A_7 : memref<1x128xi32, #tpu.memory_space<vmem>> -> memref<128xi32, #tpu.memory_space<vmem>>
    %dma_start3A_9 = arith.constant 0 : i32
    %dma_start3A_10 = arith.constant 0 : i32
    %dma_start3A_11 = tpu.memref_slice %arg2[%dma_start3A_9, %dma_start3A_10] : memref<4096x128xf32, #tpu.memory_space<hbm>> -> memref<4096x128xf32, #tpu.memory_space<hbm>>
    tpu.enqueue_indirect_dma source(%dma_start3A_11 : memref<4096x128xf32, #tpu.memory_space<hbm>>) target(%dma_start3A_5 : memref<128x128xf32, #tpu.memory_space<vmem>>) offsets(%dma_start3A_8 : memref<128xi32, #tpu.memory_space<vmem>>) semaphore(%arg7 : memref<!tpu.dma_semaphore, #tpu.memory_space<semaphore_mem>>)
    %dma_start3A_12 = arith.constant 1 : i32
    %dma_start3A_13 = arith.constant 128 : i32
    %dma_start3A_14 = arith.constant 0 : i32
    %dma_start3A_15 = tpu.memref_slice %arg6[%dma_start3A_13, %dma_start3A_14] : memref<512x128xf32, #tpu.memory_space<vmem>> -> memref<128x128xf32, #tpu.memory_space<vmem>>
    %dma_start3A_16 = arith.constant 0 : i32
    %dma_start3A_17 = tpu.memref_slice %arg5[%dma_start3A_12, %dma_start3A_16] : memref<16x128xi32, #tpu.memory_space<vmem>> -> memref<1x128xi32, #tpu.memory_space<vmem>>
    %dma_start3A_18 = tpu.memref_squeeze %dma_start3A_17 : memref<1x128xi32, #tpu.memory_space<vmem>> -> memref<128xi32, #tpu.memory_space<vmem>>
    %dma_start3A_19 = arith.constant 0 : i32
    %dma_start3A_20 = arith.constant 0 : i32
    %dma_start3A_21 = tpu.memref_slice %arg2[%dma_start3A_19, %dma_start3A_20] : memref<4096x128xf32, #tpu.memory_space<hbm>> -> memref<4096x128xf32, #tpu.memory_space<hbm>>
    tpu.enqueue_indirect_dma source(%dma_start3A_21 : memref<4096x128xf32, #tpu.memory_space<hbm>>) target(%dma_start3A_15 : memref<128x128xf32, #tpu.memory_space<vmem>>) offsets(%dma_start3A_18 : memref<128xi32, #tpu.memory_space<vmem>>) semaphore(%arg7 : memref<!tpu.dma_semaphore, #tpu.memory_space<semaphore_mem>>)
    %dma_start3A_22 = arith.constant 2 : i32
    %dma_start3A_23 = arith.constant 256 : i32
    %dma_start3A_24 = arith.constant 0 : i32
    %dma_start3A_25 = tpu.memref_slice %arg6[%dma_start3A_23, %dma_start3A_24] : memref<512x128xf32, #tpu.memory_space<vmem>> -> memref<128x128xf32, #tpu.memory_space<vmem>>
    %dma_start3A_26 = arith.constant 0 : i32
    %dma_start3A_27 = tpu.memref_slice %arg5[%dma_start3A_22, %dma_start3A_26] : memref<16x128xi32, #tpu.memory_space<vmem>> -> memref<1x128xi32, #tpu.memory_space<vmem>>
    %dma_start3A_28 = tpu.memref_squeeze %dma_start3A_27 : memref<1x128xi32, #tpu.memory_space<vmem>> -> memref<128xi32, #tpu.memory_space<vmem>>
    %dma_start3A_29 = arith.constant 0 : i32
    %dma_start3A_30 = arith.constant 0 : i32
    %dma_start3A_31 = tpu.memref_slice %arg2[%dma_start3A_29, %dma_start3A_30] : memref<4096x128xf32, #tpu.memory_space<hbm>> -> memref<4096x128xf32, #tpu.memory_space<hbm>>
    tpu.enqueue_indirect_dma source(%dma_start3A_31 : memref<4096x128xf32, #tpu.memory_space<hbm>>) target(%dma_start3A_25 : memref<128x128xf32, #tpu.memory_space<vmem>>) offsets(%dma_start3A_28 : memref<128xi32, #tpu.memory_space<vmem>>) semaphore(%arg7 : memref<!tpu.dma_semaphore, #tpu.memory_space<semaphore_mem>>)
    %dma_start3A_32 = arith.constant 3 : i32
    %dma_start3A_33 = arith.constant 384 : i32
    %dma_start3A_34 = arith.constant 0 : i32
    %dma_start3A_35 = tpu.memref_slice %arg6[%dma_start3A_33, %dma_start3A_34] : memref<512x128xf32, #tpu.memory_space<vmem>> -> memref<128x128xf32, #tpu.memory_space<vmem>>
    %dma_start3A_36 = arith.constant 0 : i32
    %dma_start3A_37 = tpu.memref_slice %arg5[%dma_start3A_32, %dma_start3A_36] : memref<16x128xi32, #tpu.memory_space<vmem>> -> memref<1x128xi32, #tpu.memory_space<vmem>>
    %dma_start3A_38 = tpu.memref_squeeze %dma_start3A_37 : memref<1x128xi32, #tpu.memory_space<vmem>> -> memref<128xi32, #tpu.memory_space<vmem>>
    %dma_start3A_39 = arith.constant 0 : i32
    %dma_start3A_40 = arith.constant 0 : i32
    %dma_start3A_41 = tpu.memref_slice %arg2[%dma_start3A_39, %dma_start3A_40] : memref<4096x128xf32, #tpu.memory_space<hbm>> -> memref<4096x128xf32, #tpu.memory_space<hbm>>
    tpu.enqueue_indirect_dma source(%dma_start3A_41 : memref<4096x128xf32, #tpu.memory_space<hbm>>) target(%dma_start3A_35 : memref<128x128xf32, #tpu.memory_space<vmem>>) offsets(%dma_start3A_38 : memref<128xi32, #tpu.memory_space<vmem>>) semaphore(%arg7 : memref<!tpu.dma_semaphore, #tpu.memory_space<semaphore_mem>>)
    %dma_wait3A = arith.constant 0 : i32
    %dma_wait3A_42 = arith.constant 0 : i32
    %dma_wait3A_43 = arith.constant 0 : i32
    %dma_wait3A_44 = tpu.memref_slice %arg6[%dma_wait3A_42, %dma_wait3A_43] : memref<512x128xf32, #tpu.memory_space<vmem>> -> memref<128x128xf32, #tpu.memory_space<vmem>>
    %dma_wait3A_45 = arith.constant 0 : i32
    %dma_wait3A_46 = tpu.memref_slice %arg5[%dma_wait3A, %dma_wait3A_45] : memref<16x128xi32, #tpu.memory_space<vmem>> -> memref<1x128xi32, #tpu.memory_space<vmem>>
    %dma_wait3A_47 = tpu.memref_squeeze %dma_wait3A_46 : memref<1x128xi32, #tpu.memory_space<vmem>> -> memref<128xi32, #tpu.memory_space<vmem>>
    %dma_wait3A_48 = arith.constant 0 : i32
    %dma_wait3A_49 = arith.constant 0 : i32
    %dma_wait3A_50 = tpu.memref_slice %arg2[%dma_wait3A_48, %dma_wait3A_49] : memref<4096x128xf32, #tpu.memory_space<hbm>> -> memref<4096x128xf32, #tpu.memory_space<hbm>>
    tpu.wait_indirect_dma semaphore(%arg7 : memref<!tpu.dma_semaphore, #tpu.memory_space<semaphore_mem>>) src(%dma_wait3A_50 : memref<4096x128xf32, #tpu.memory_space<hbm>>) dst(%dma_wait3A_44 : memref<128x128xf32, #tpu.memory_space<vmem>>)
    %dma_wait3A_51 = arith.constant 1 : i32
    %dma_wait3A_52 = arith.constant 128 : i32
    %dma_wait3A_53 = arith.constant 0 : i32
    %dma_wait3A_54 = tpu.memref_slice %arg6[%dma_wait3A_52, %dma_wait3A_53] : memref<512x128xf32, #tpu.memory_space<vmem>> -> memref<128x128xf32, #tpu.memory_space<vmem>>
    %dma_wait3A_55 = arith.constant 0 : i32
    %dma_wait3A_56 = tpu.memref_slice %arg5[%dma_wait3A_51, %dma_wait3A_55] : memref<16x128xi32, #tpu.memory_space<vmem>> -> memref<1x128xi32, #tpu.memory_space<vmem>>
    %dma_wait3A_57 = tpu.memref_squeeze %dma_wait3A_56 : memref<1x128xi32, #tpu.memory_space<vmem>> -> memref<128xi32, #tpu.memory_space<vmem>>
    %dma_wait3A_58 = arith.constant 0 : i32
    %dma_wait3A_59 = arith.constant 0 : i32
    %dma_wait3A_60 = tpu.memref_slice %arg2[%dma_wait3A_58, %dma_wait3A_59] : memref<4096x128xf32, #tpu.memory_space<hbm>> -> memref<4096x128xf32, #tpu.memory_space<hbm>>
    tpu.wait_indirect_dma semaphore(%arg7 : memref<!tpu.dma_semaphore, #tpu.memory_space<semaphore_mem>>) src(%dma_wait3A_60 : memref<4096x128xf32, #tpu.memory_space<hbm>>) dst(%dma_wait3A_54 : memref<128x128xf32, #tpu.memory_space<vmem>>)
    %dma_wait3A_61 = arith.constant 2 : i32
    %dma_wait3A_62 = arith.constant 256 : i32
    %dma_wait3A_63 = arith.constant 0 : i32
    %dma_wait3A_64 = tpu.memref_slice %arg6[%dma_wait3A_62, %dma_wait3A_63] : memref<512x128xf32, #tpu.memory_space<vmem>> -> memref<128x128xf32, #tpu.memory_space<vmem>>
    %dma_wait3A_65 = arith.constant 0 : i32
    %dma_wait3A_66 = tpu.memref_slice %arg5[%dma_wait3A_61, %dma_wait3A_65] : memref<16x128xi32, #tpu.memory_space<vmem>> -> memref<1x128xi32, #tpu.memory_space<vmem>>
    %dma_wait3A_67 = tpu.memref_squeeze %dma_wait3A_66 : memref<1x128xi32, #tpu.memory_space<vmem>> -> memref<128xi32, #tpu.memory_space<vmem>>
    %dma_wait3A_68 = arith.constant 0 : i32
    %dma_wait3A_69 = arith.constant 0 : i32
    %dma_wait3A_70 = tpu.memref_slice %arg2[%dma_wait3A_68, %dma_wait3A_69] : memref<4096x128xf32, #tpu.memory_space<hbm>> -> memref<4096x128xf32, #tpu.memory_space<hbm>>
    tpu.wait_indirect_dma semaphore(%arg7 : memref<!tpu.dma_semaphore, #tpu.memory_space<semaphore_mem>>) src(%dma_wait3A_70 : memref<4096x128xf32, #tpu.memory_space<hbm>>) dst(%dma_wait3A_64 : memref<128x128xf32, #tpu.memory_space<vmem>>)
    %dma_wait3A_71 = arith.constant 3 : i32
    %dma_wait3A_72 = arith.constant 384 : i32
    %dma_wait3A_73 = arith.constant 0 : i32
    %dma_wait3A_74 = tpu.memref_slice %arg6[%dma_wait3A_72, %dma_wait3A_73] : memref<512x128xf32, #tpu.memory_space<vmem>> -> memref<128x128xf32, #tpu.memory_space<vmem>>
    %dma_wait3A_75 = arith.constant 0 : i32
    %dma_wait3A_76 = tpu.memref_slice %arg5[%dma_wait3A_71, %dma_wait3A_75] : memref<16x128xi32, #tpu.memory_space<vmem>> -> memref<1x128xi32, #tpu.memory_space<vmem>>
    %dma_wait3A_77 = tpu.memref_squeeze %dma_wait3A_76 : memref<1x128xi32, #tpu.memory_space<vmem>> -> memref<128xi32, #tpu.memory_space<vmem>>
    %dma_wait3A_78 = arith.constant 0 : i32
    %dma_wait3A_79 = arith.constant 0 : i32
    %dma_wait3A_80 = tpu.memref_slice %arg2[%dma_wait3A_78, %dma_wait3A_79] : memref<4096x128xf32, #tpu.memory_space<hbm>> -> memref<4096x128xf32, #tpu.memory_space<hbm>>
    tpu.wait_indirect_dma semaphore(%arg7 : memref<!tpu.dma_semaphore, #tpu.memory_space<semaphore_mem>>) src(%dma_wait3A_80 : memref<4096x128xf32, #tpu.memory_space<hbm>>) dst(%dma_wait3A_74 : memref<128x128xf32, #tpu.memory_space<vmem>>)
    %mul3A_81 = arith.constant 2048 : i32
    %mul3A_82 = arith.muli %add3A, %mul3A_81 : i32
    %add3A_83 = arith.constant 0 : i32
    %add3A_84 = arith.addi %mul3A_82, %add3A_83 : i32
    "tpu.region"() ({
      %run_scoped3A = tpu.sem_alloc : memref<!tpu.dma_semaphore, #tpu.memory_space<semaphore_mem>>
      %dma_start3A_337 = arith.constant 0 : i32
      %dma_start3A_338 = tpu.memref_slice %arg4[%add3A_84, %dma_start3A_337] : memref<65536x128xf32, #tpu.memory_space<hbm>> -> memref<512x128xf32, #tpu.memory_space<hbm>>
      %dma_start3A_339 = arith.constant 0 : i32
      %dma_start3A_340 = tpu.memref_slice %arg4[%add3A_84, %dma_start3A_339] : memref<65536x128xf32, #tpu.memory_space<hbm>> -> memref<512x128xf32, #tpu.memory_space<hbm>>
      tpu.enqueue_dma source(%arg6 : memref<512x128xf32, #tpu.memory_space<vmem>>) target(%dma_start3A_340 : memref<512x128xf32, #tpu.memory_space<hbm>>) target_semaphore(%run_scoped3A : memref<!tpu.dma_semaphore, #tpu.memory_space<semaphore_mem>>)
      %dma_wait3A_341 = arith.constant 0 : i32
      %dma_wait3A_342 = tpu.memref_slice %arg4[%add3A_84, %dma_wait3A_341] : memref<65536x128xf32, #tpu.memory_space<hbm>> -> memref<512x128xf32, #tpu.memory_space<hbm>>
      %dma_wait3A_343 = arith.constant 0 : i32
      %dma_wait3A_344 = tpu.memref_slice %arg4[%add3A_84, %dma_wait3A_343] : memref<65536x128xf32, #tpu.memory_space<hbm>> -> memref<512x128xf32, #tpu.memory_space<hbm>>
      tpu.wait_dma2 semaphore(%run_scoped3A : memref<!tpu.dma_semaphore, #tpu.memory_space<semaphore_mem>>) src(%arg6 : memref<512x128xf32, #tpu.memory_space<vmem>>) dst(%dma_wait3A_344 : memref<512x128xf32, #tpu.memory_space<hbm>>)
      tpu.yield
    }) : () -> ()
    %dma_start3A_85 = arith.constant 4 : i32
    %dma_start3A_86 = arith.constant 0 : i32
    %dma_start3A_87 = arith.constant 0 : i32
    %dma_start3A_88 = tpu.memref_slice %arg6[%dma_start3A_86, %dma_start3A_87] : memref<512x128xf32, #tpu.memory_space<vmem>> -> memref<128x128xf32, #tpu.memory_space<vmem>>
    %dma_start3A_89 = arith.constant 0 : i32
    %dma_start3A_90 = tpu.memref_slice %arg5[%dma_start3A_85, %dma_start3A_89] : memref<16x128xi32, #tpu.memory_space<vmem>> -> memref<1x128xi32, #tpu.memory_space<vmem>>
    %dma_start3A_91 = tpu.memref_squeeze %dma_start3A_90 : memref<1x128xi32, #tpu.memory_space<vmem>> -> memref<128xi32, #tpu.memory_space<vmem>>
    %dma_start3A_92 = arith.constant 0 : i32
    %dma_start3A_93 = arith.constant 0 : i32
    %dma_start3A_94 = tpu.memref_slice %arg2[%dma_start3A_92, %dma_start3A_93] : memref<4096x128xf32, #tpu.memory_space<hbm>> -> memref<4096x128xf32, #tpu.memory_space<hbm>>
    tpu.enqueue_indirect_dma source(%dma_start3A_94 : memref<4096x128xf32, #tpu.memory_space<hbm>>) target(%dma_start3A_88 : memref<128x128xf32, #tpu.memory_space<vmem>>) offsets(%dma_start3A_91 : memref<128xi32, #tpu.memory_space<vmem>>) semaphore(%arg7 : memref<!tpu.dma_semaphore, #tpu.memory_space<semaphore_mem>>)
    %dma_start3A_95 = arith.constant 5 : i32
    %dma_start3A_96 = arith.constant 128 : i32
    %dma_start3A_97 = arith.constant 0 : i32
    %dma_start3A_98 = tpu.memref_slice %arg6[%dma_start3A_96, %dma_start3A_97] : memref<512x128xf32, #tpu.memory_space<vmem>> -> memref<128x128xf32, #tpu.memory_space<vmem>>
    %dma_start3A_99 = arith.constant 0 : i32
    %dma_start3A_100 = tpu.memref_slice %arg5[%dma_start3A_95, %dma_start3A_99] : memref<16x128xi32, #tpu.memory_space<vmem>> -> memref<1x128xi32, #tpu.memory_space<vmem>>
    %dma_start3A_101 = tpu.memref_squeeze %dma_start3A_100 : memref<1x128xi32, #tpu.memory_space<vmem>> -> memref<128xi32, #tpu.memory_space<vmem>>
    %dma_start3A_102 = arith.constant 0 : i32
    %dma_start3A_103 = arith.constant 0 : i32
    %dma_start3A_104 = tpu.memref_slice %arg2[%dma_start3A_102, %dma_start3A_103] : memref<4096x128xf32, #tpu.memory_space<hbm>> -> memref<4096x128xf32, #tpu.memory_space<hbm>>
    tpu.enqueue_indirect_dma source(%dma_start3A_104 : memref<4096x128xf32, #tpu.memory_space<hbm>>) target(%dma_start3A_98 : memref<128x128xf32, #tpu.memory_space<vmem>>) offsets(%dma_start3A_101 : memref<128xi32, #tpu.memory_space<vmem>>) semaphore(%arg7 : memref<!tpu.dma_semaphore, #tpu.memory_space<semaphore_mem>>)
    %dma_start3A_105 = arith.constant 6 : i32
    %dma_start3A_106 = arith.constant 256 : i32
    %dma_start3A_107 = arith.constant 0 : i32
    %dma_start3A_108 = tpu.memref_slice %arg6[%dma_start3A_106, %dma_start3A_107] : memref<512x128xf32, #tpu.memory_space<vmem>> -> memref<128x128xf32, #tpu.memory_space<vmem>>
    %dma_start3A_109 = arith.constant 0 : i32
    %dma_start3A_110 = tpu.memref_slice %arg5[%dma_start3A_105, %dma_start3A_109] : memref<16x128xi32, #tpu.memory_space<vmem>> -> memref<1x128xi32, #tpu.memory_space<vmem>>
    %dma_start3A_111 = tpu.memref_squeeze %dma_start3A_110 : memref<1x128xi32, #tpu.memory_space<vmem>> -> memref<128xi32, #tpu.memory_space<vmem>>
    %dma_start3A_112 = arith.constant 0 : i32
    %dma_start3A_113 = arith.constant 0 : i32
    %dma_start3A_114 = tpu.memref_slice %arg2[%dma_start3A_112, %dma_start3A_113] : memref<4096x128xf32, #tpu.memory_space<hbm>> -> memref<4096x128xf32, #tpu.memory_space<hbm>>
    tpu.enqueue_indirect_dma source(%dma_start3A_114 : memref<4096x128xf32, #tpu.memory_space<hbm>>) target(%dma_start3A_108 : memref<128x128xf32, #tpu.memory_space<vmem>>) offsets(%dma_start3A_111 : memref<128xi32, #tpu.memory_space<vmem>>) semaphore(%arg7 : memref<!tpu.dma_semaphore, #tpu.memory_space<semaphore_mem>>)
    %dma_start3A_115 = arith.constant 7 : i32
    %dma_start3A_116 = arith.constant 384 : i32
    %dma_start3A_117 = arith.constant 0 : i32
    %dma_start3A_118 = tpu.memref_slice %arg6[%dma_start3A_116, %dma_start3A_117] : memref<512x128xf32, #tpu.memory_space<vmem>> -> memref<128x128xf32, #tpu.memory_space<vmem>>
    %dma_start3A_119 = arith.constant 0 : i32
    %dma_start3A_120 = tpu.memref_slice %arg5[%dma_start3A_115, %dma_start3A_119] : memref<16x128xi32, #tpu.memory_space<vmem>> -> memref<1x128xi32, #tpu.memory_space<vmem>>
    %dma_start3A_121 = tpu.memref_squeeze %dma_start3A_120 : memref<1x128xi32, #tpu.memory_space<vmem>> -> memref<128xi32, #tpu.memory_space<vmem>>
    %dma_start3A_122 = arith.constant 0 : i32
    %dma_start3A_123 = arith.constant 0 : i32
    %dma_start3A_124 = tpu.memref_slice %arg2[%dma_start3A_122, %dma_start3A_123] : memref<4096x128xf32, #tpu.memory_space<hbm>> -> memref<4096x128xf32, #tpu.memory_space<hbm>>
    tpu.enqueue_indirect_dma source(%dma_start3A_124 : memref<4096x128xf32, #tpu.memory_space<hbm>>) target(%dma_start3A_118 : memref<128x128xf32, #tpu.memory_space<vmem>>) offsets(%dma_start3A_121 : memref<128xi32, #tpu.memory_space<vmem>>) semaphore(%arg7 : memref<!tpu.dma_semaphore, #tpu.memory_space<semaphore_mem>>)
    %dma_wait3A_125 = arith.constant 4 : i32
    %dma_wait3A_126 = arith.constant 0 : i32
    %dma_wait3A_127 = arith.constant 0 : i32
    %dma_wait3A_128 = tpu.memref_slice %arg6[%dma_wait3A_126, %dma_wait3A_127] : memref<512x128xf32, #tpu.memory_space<vmem>> -> memref<128x128xf32, #tpu.memory_space<vmem>>
    %dma_wait3A_129 = arith.constant 0 : i32
    %dma_wait3A_130 = tpu.memref_slice %arg5[%dma_wait3A_125, %dma_wait3A_129] : memref<16x128xi32, #tpu.memory_space<vmem>> -> memref<1x128xi32, #tpu.memory_space<vmem>>
    %dma_wait3A_131 = tpu.memref_squeeze %dma_wait3A_130 : memref<1x128xi32, #tpu.memory_space<vmem>> -> memref<128xi32, #tpu.memory_space<vmem>>
    %dma_wait3A_132 = arith.constant 0 : i32
    %dma_wait3A_133 = arith.constant 0 : i32
    %dma_wait3A_134 = tpu.memref_slice %arg2[%dma_wait3A_132, %dma_wait3A_133] : memref<4096x128xf32, #tpu.memory_space<hbm>> -> memref<4096x128xf32, #tpu.memory_space<hbm>>
    tpu.wait_indirect_dma semaphore(%arg7 : memref<!tpu.dma_semaphore, #tpu.memory_space<semaphore_mem>>) src(%dma_wait3A_134 : memref<4096x128xf32, #tpu.memory_space<hbm>>) dst(%dma_wait3A_128 : memref<128x128xf32, #tpu.memory_space<vmem>>)
    %dma_wait3A_135 = arith.constant 5 : i32
    %dma_wait3A_136 = arith.constant 128 : i32
    %dma_wait3A_137 = arith.constant 0 : i32
    %dma_wait3A_138 = tpu.memref_slice %arg6[%dma_wait3A_136, %dma_wait3A_137] : memref<512x128xf32, #tpu.memory_space<vmem>> -> memref<128x128xf32, #tpu.memory_space<vmem>>
    %dma_wait3A_139 = arith.constant 0 : i32
    %dma_wait3A_140 = tpu.memref_slice %arg5[%dma_wait3A_135, %dma_wait3A_139] : memref<16x128xi32, #tpu.memory_space<vmem>> -> memref<1x128xi32, #tpu.memory_space<vmem>>
    %dma_wait3A_141 = tpu.memref_squeeze %dma_wait3A_140 : memref<1x128xi32, #tpu.memory_space<vmem>> -> memref<128xi32, #tpu.memory_space<vmem>>
    %dma_wait3A_142 = arith.constant 0 : i32
    %dma_wait3A_143 = arith.constant 0 : i32
    %dma_wait3A_144 = tpu.memref_slice %arg2[%dma_wait3A_142, %dma_wait3A_143] : memref<4096x128xf32, #tpu.memory_space<hbm>> -> memref<4096x128xf32, #tpu.memory_space<hbm>>
    tpu.wait_indirect_dma semaphore(%arg7 : memref<!tpu.dma_semaphore, #tpu.memory_space<semaphore_mem>>) src(%dma_wait3A_144 : memref<4096x128xf32, #tpu.memory_space<hbm>>) dst(%dma_wait3A_138 : memref<128x128xf32, #tpu.memory_space<vmem>>)
    %dma_wait3A_145 = arith.constant 6 : i32
    %dma_wait3A_146 = arith.constant 256 : i32
    %dma_wait3A_147 = arith.constant 0 : i32
    %dma_wait3A_148 = tpu.memref_slice %arg6[%dma_wait3A_146, %dma_wait3A_147] : memref<512x128xf32, #tpu.memory_space<vmem>> -> memref<128x128xf32, #tpu.memory_space<vmem>>
    %dma_wait3A_149 = arith.constant 0 : i32
    %dma_wait3A_150 = tpu.memref_slice %arg5[%dma_wait3A_145, %dma_wait3A_149] : memref<16x128xi32, #tpu.memory_space<vmem>> -> memref<1x128xi32, #tpu.memory_space<vmem>>
    %dma_wait3A_151 = tpu.memref_squeeze %dma_wait3A_150 : memref<1x128xi32, #tpu.memory_space<vmem>> -> memref<128xi32, #tpu.memory_space<vmem>>
    %dma_wait3A_152 = arith.constant 0 : i32
    %dma_wait3A_153 = arith.constant 0 : i32
    %dma_wait3A_154 = tpu.memref_slice %arg2[%dma_wait3A_152, %dma_wait3A_153] : memref<4096x128xf32, #tpu.memory_space<hbm>> -> memref<4096x128xf32, #tpu.memory_space<hbm>>
    tpu.wait_indirect_dma semaphore(%arg7 : memref<!tpu.dma_semaphore, #tpu.memory_space<semaphore_mem>>) src(%dma_wait3A_154 : memref<4096x128xf32, #tpu.memory_space<hbm>>) dst(%dma_wait3A_148 : memref<128x128xf32, #tpu.memory_space<vmem>>)
    %dma_wait3A_155 = arith.constant 7 : i32
    %dma_wait3A_156 = arith.constant 384 : i32
    %dma_wait3A_157 = arith.constant 0 : i32
    %dma_wait3A_158 = tpu.memref_slice %arg6[%dma_wait3A_156, %dma_wait3A_157] : memref<512x128xf32, #tpu.memory_space<vmem>> -> memref<128x128xf32, #tpu.memory_space<vmem>>
    %dma_wait3A_159 = arith.constant 0 : i32
    %dma_wait3A_160 = tpu.memref_slice %arg5[%dma_wait3A_155, %dma_wait3A_159] : memref<16x128xi32, #tpu.memory_space<vmem>> -> memref<1x128xi32, #tpu.memory_space<vmem>>
    %dma_wait3A_161 = tpu.memref_squeeze %dma_wait3A_160 : memref<1x128xi32, #tpu.memory_space<vmem>> -> memref<128xi32, #tpu.memory_space<vmem>>
    %dma_wait3A_162 = arith.constant 0 : i32
    %dma_wait3A_163 = arith.constant 0 : i32
    %dma_wait3A_164 = tpu.memref_slice %arg2[%dma_wait3A_162, %dma_wait3A_163] : memref<4096x128xf32, #tpu.memory_space<hbm>> -> memref<4096x128xf32, #tpu.memory_space<hbm>>
    tpu.wait_indirect_dma semaphore(%arg7 : memref<!tpu.dma_semaphore, #tpu.memory_space<semaphore_mem>>) src(%dma_wait3A_164 : memref<4096x128xf32, #tpu.memory_space<hbm>>) dst(%dma_wait3A_158 : memref<128x128xf32, #tpu.memory_space<vmem>>)
    %mul3A_165 = arith.constant 2048 : i32
    %mul3A_166 = arith.muli %add3A, %mul3A_165 : i32
    %add3A_167 = arith.constant 512 : i32
    %add3A_168 = arith.addi %mul3A_166, %add3A_167 : i32
    "tpu.region"() ({
      %run_scoped3A = tpu.sem_alloc : memref<!tpu.dma_semaphore, #tpu.memory_space<semaphore_mem>>
      %dma_start3A_337 = arith.constant 0 : i32
      %dma_start3A_338 = tpu.memref_slice %arg4[%add3A_168, %dma_start3A_337] : memref<65536x128xf32, #tpu.memory_space<hbm>> -> memref<512x128xf32, #tpu.memory_space<hbm>>
      %dma_start3A_339 = arith.constant 0 : i32
      %dma_start3A_340 = tpu.memref_slice %arg4[%add3A_168, %dma_start3A_339] : memref<65536x128xf32, #tpu.memory_space<hbm>> -> memref<512x128xf32, #tpu.memory_space<hbm>>
      tpu.enqueue_dma source(%arg6 : memref<512x128xf32, #tpu.memory_space<vmem>>) target(%dma_start3A_340 : memref<512x128xf32, #tpu.memory_space<hbm>>) target_semaphore(%run_scoped3A : memref<!tpu.dma_semaphore, #tpu.memory_space<semaphore_mem>>)
      %dma_wait3A_341 = arith.constant 0 : i32
      %dma_wait3A_342 = tpu.memref_slice %arg4[%add3A_168, %dma_wait3A_341] : memref<65536x128xf32, #tpu.memory_space<hbm>> -> memref<512x128xf32, #tpu.memory_space<hbm>>
      %dma_wait3A_343 = arith.constant 0 : i32
      %dma_wait3A_344 = tpu.memref_slice %arg4[%add3A_168, %dma_wait3A_343] : memref<65536x128xf32, #tpu.memory_space<hbm>> -> memref<512x128xf32, #tpu.memory_space<hbm>>
      tpu.wait_dma2 semaphore(%run_scoped3A : memref<!tpu.dma_semaphore, #tpu.memory_space<semaphore_mem>>) src(%arg6 : memref<512x128xf32, #tpu.memory_space<vmem>>) dst(%dma_wait3A_344 : memref<512x128xf32, #tpu.memory_space<hbm>>)
      tpu.yield
    }) : () -> ()
    %dma_start3A_169 = arith.constant 8 : i32
    %dma_start3A_170 = arith.constant 0 : i32
    %dma_start3A_171 = arith.constant 0 : i32
    %dma_start3A_172 = tpu.memref_slice %arg6[%dma_start3A_170, %dma_start3A_171] : memref<512x128xf32, #tpu.memory_space<vmem>> -> memref<128x128xf32, #tpu.memory_space<vmem>>
    %dma_start3A_173 = arith.constant 0 : i32
    %dma_start3A_174 = tpu.memref_slice %arg5[%dma_start3A_169, %dma_start3A_173] : memref<16x128xi32, #tpu.memory_space<vmem>> -> memref<1x128xi32, #tpu.memory_space<vmem>>
    %dma_start3A_175 = tpu.memref_squeeze %dma_start3A_174 : memref<1x128xi32, #tpu.memory_space<vmem>> -> memref<128xi32, #tpu.memory_space<vmem>>
    %dma_start3A_176 = arith.constant 0 : i32
    %dma_start3A_177 = arith.constant 0 : i32
    %dma_start3A_178 = tpu.memref_slice %arg2[%dma_start3A_176, %dma_start3A_177] : memref<4096x128xf32, #tpu.memory_space<hbm>> -> memref<4096x128xf32, #tpu.memory_space<hbm>>
    tpu.enqueue_indirect_dma source(%dma_start3A_178 : memref<4096x128xf32, #tpu.memory_space<hbm>>) target(%dma_start3A_172 : memref<128x128xf32, #tpu.memory_space<vmem>>) offsets(%dma_start3A_175 : memref<128xi32, #tpu.memory_space<vmem>>) semaphore(%arg7 : memref<!tpu.dma_semaphore, #tpu.memory_space<semaphore_mem>>)
    %dma_start3A_179 = arith.constant 9 : i32
    %dma_start3A_180 = arith.constant 128 : i32
    %dma_start3A_181 = arith.constant 0 : i32
    %dma_start3A_182 = tpu.memref_slice %arg6[%dma_start3A_180, %dma_start3A_181] : memref<512x128xf32, #tpu.memory_space<vmem>> -> memref<128x128xf32, #tpu.memory_space<vmem>>
    %dma_start3A_183 = arith.constant 0 : i32
    %dma_start3A_184 = tpu.memref_slice %arg5[%dma_start3A_179, %dma_start3A_183] : memref<16x128xi32, #tpu.memory_space<vmem>> -> memref<1x128xi32, #tpu.memory_space<vmem>>
    %dma_start3A_185 = tpu.memref_squeeze %dma_start3A_184 : memref<1x128xi32, #tpu.memory_space<vmem>> -> memref<128xi32, #tpu.memory_space<vmem>>
    %dma_start3A_186 = arith.constant 0 : i32
    %dma_start3A_187 = arith.constant 0 : i32
    %dma_start3A_188 = tpu.memref_slice %arg2[%dma_start3A_186, %dma_start3A_187] : memref<4096x128xf32, #tpu.memory_space<hbm>> -> memref<4096x128xf32, #tpu.memory_space<hbm>>
    tpu.enqueue_indirect_dma source(%dma_start3A_188 : memref<4096x128xf32, #tpu.memory_space<hbm>>) target(%dma_start3A_182 : memref<128x128xf32, #tpu.memory_space<vmem>>) offsets(%dma_start3A_185 : memref<128xi32, #tpu.memory_space<vmem>>) semaphore(%arg7 : memref<!tpu.dma_semaphore, #tpu.memory_space<semaphore_mem>>)
    %dma_start3A_189 = arith.constant 10 : i32
    %dma_start3A_190 = arith.constant 256 : i32
    %dma_start3A_191 = arith.constant 0 : i32
    %dma_start3A_192 = tpu.memref_slice %arg6[%dma_start3A_190, %dma_start3A_191] : memref<512x128xf32, #tpu.memory_space<vmem>> -> memref<128x128xf32, #tpu.memory_space<vmem>>
    %dma_start3A_193 = arith.constant 0 : i32
    %dma_start3A_194 = tpu.memref_slice %arg5[%dma_start3A_189, %dma_start3A_193] : memref<16x128xi32, #tpu.memory_space<vmem>> -> memref<1x128xi32, #tpu.memory_space<vmem>>
    %dma_start3A_195 = tpu.memref_squeeze %dma_start3A_194 : memref<1x128xi32, #tpu.memory_space<vmem>> -> memref<128xi32, #tpu.memory_space<vmem>>
    %dma_start3A_196 = arith.constant 0 : i32
    %dma_start3A_197 = arith.constant 0 : i32
    %dma_start3A_198 = tpu.memref_slice %arg2[%dma_start3A_196, %dma_start3A_197] : memref<4096x128xf32, #tpu.memory_space<hbm>> -> memref<4096x128xf32, #tpu.memory_space<hbm>>
    tpu.enqueue_indirect_dma source(%dma_start3A_198 : memref<4096x128xf32, #tpu.memory_space<hbm>>) target(%dma_start3A_192 : memref<128x128xf32, #tpu.memory_space<vmem>>) offsets(%dma_start3A_195 : memref<128xi32, #tpu.memory_space<vmem>>) semaphore(%arg7 : memref<!tpu.dma_semaphore, #tpu.memory_space<semaphore_mem>>)
    %dma_start3A_199 = arith.constant 11 : i32
    %dma_start3A_200 = arith.constant 384 : i32
    %dma_start3A_201 = arith.constant 0 : i32
    %dma_start3A_202 = tpu.memref_slice %arg6[%dma_start3A_200, %dma_start3A_201] : memref<512x128xf32, #tpu.memory_space<vmem>> -> memref<128x128xf32, #tpu.memory_space<vmem>>
    %dma_start3A_203 = arith.constant 0 : i32
    %dma_start3A_204 = tpu.memref_slice %arg5[%dma_start3A_199, %dma_start3A_203] : memref<16x128xi32, #tpu.memory_space<vmem>> -> memref<1x128xi32, #tpu.memory_space<vmem>>
    %dma_start3A_205 = tpu.memref_squeeze %dma_start3A_204 : memref<1x128xi32, #tpu.memory_space<vmem>> -> memref<128xi32, #tpu.memory_space<vmem>>
    %dma_start3A_206 = arith.constant 0 : i32
    %dma_start3A_207 = arith.constant 0 : i32
    %dma_start3A_208 = tpu.memref_slice %arg2[%dma_start3A_206, %dma_start3A_207] : memref<4096x128xf32, #tpu.memory_space<hbm>> -> memref<4096x128xf32, #tpu.memory_space<hbm>>
    tpu.enqueue_indirect_dma source(%dma_start3A_208 : memref<4096x128xf32, #tpu.memory_space<hbm>>) target(%dma_start3A_202 : memref<128x128xf32, #tpu.memory_space<vmem>>) offsets(%dma_start3A_205 : memref<128xi32, #tpu.memory_space<vmem>>) semaphore(%arg7 : memref<!tpu.dma_semaphore, #tpu.memory_space<semaphore_mem>>)
    %dma_wait3A_209 = arith.constant 8 : i32
    %dma_wait3A_210 = arith.constant 0 : i32
    %dma_wait3A_211 = arith.constant 0 : i32
    %dma_wait3A_212 = tpu.memref_slice %arg6[%dma_wait3A_210, %dma_wait3A_211] : memref<512x128xf32, #tpu.memory_space<vmem>> -> memref<128x128xf32, #tpu.memory_space<vmem>>
    %dma_wait3A_213 = arith.constant 0 : i32
    %dma_wait3A_214 = tpu.memref_slice %arg5[%dma_wait3A_209, %dma_wait3A_213] : memref<16x128xi32, #tpu.memory_space<vmem>> -> memref<1x128xi32, #tpu.memory_space<vmem>>
    %dma_wait3A_215 = tpu.memref_squeeze %dma_wait3A_214 : memref<1x128xi32, #tpu.memory_space<vmem>> -> memref<128xi32, #tpu.memory_space<vmem>>
    %dma_wait3A_216 = arith.constant 0 : i32
    %dma_wait3A_217 = arith.constant 0 : i32
    %dma_wait3A_218 = tpu.memref_slice %arg2[%dma_wait3A_216, %dma_wait3A_217] : memref<4096x128xf32, #tpu.memory_space<hbm>> -> memref<4096x128xf32, #tpu.memory_space<hbm>>
    tpu.wait_indirect_dma semaphore(%arg7 : memref<!tpu.dma_semaphore, #tpu.memory_space<semaphore_mem>>) src(%dma_wait3A_218 : memref<4096x128xf32, #tpu.memory_space<hbm>>) dst(%dma_wait3A_212 : memref<128x128xf32, #tpu.memory_space<vmem>>)
    %dma_wait3A_219 = arith.constant 9 : i32
    %dma_wait3A_220 = arith.constant 128 : i32
    %dma_wait3A_221 = arith.constant 0 : i32
    %dma_wait3A_222 = tpu.memref_slice %arg6[%dma_wait3A_220, %dma_wait3A_221] : memref<512x128xf32, #tpu.memory_space<vmem>> -> memref<128x128xf32, #tpu.memory_space<vmem>>
    %dma_wait3A_223 = arith.constant 0 : i32
    %dma_wait3A_224 = tpu.memref_slice %arg5[%dma_wait3A_219, %dma_wait3A_223] : memref<16x128xi32, #tpu.memory_space<vmem>> -> memref<1x128xi32, #tpu.memory_space<vmem>>
    %dma_wait3A_225 = tpu.memref_squeeze %dma_wait3A_224 : memref<1x128xi32, #tpu.memory_space<vmem>> -> memref<128xi32, #tpu.memory_space<vmem>>
    %dma_wait3A_226 = arith.constant 0 : i32
    %dma_wait3A_227 = arith.constant 0 : i32
    %dma_wait3A_228 = tpu.memref_slice %arg2[%dma_wait3A_226, %dma_wait3A_227] : memref<4096x128xf32, #tpu.memory_space<hbm>> -> memref<4096x128xf32, #tpu.memory_space<hbm>>
    tpu.wait_indirect_dma semaphore(%arg7 : memref<!tpu.dma_semaphore, #tpu.memory_space<semaphore_mem>>) src(%dma_wait3A_228 : memref<4096x128xf32, #tpu.memory_space<hbm>>) dst(%dma_wait3A_222 : memref<128x128xf32, #tpu.memory_space<vmem>>)
    %dma_wait3A_229 = arith.constant 10 : i32
    %dma_wait3A_230 = arith.constant 256 : i32
    %dma_wait3A_231 = arith.constant 0 : i32
    %dma_wait3A_232 = tpu.memref_slice %arg6[%dma_wait3A_230, %dma_wait3A_231] : memref<512x128xf32, #tpu.memory_space<vmem>> -> memref<128x128xf32, #tpu.memory_space<vmem>>
    %dma_wait3A_233 = arith.constant 0 : i32
    %dma_wait3A_234 = tpu.memref_slice %arg5[%dma_wait3A_229, %dma_wait3A_233] : memref<16x128xi32, #tpu.memory_space<vmem>> -> memref<1x128xi32, #tpu.memory_space<vmem>>
    %dma_wait3A_235 = tpu.memref_squeeze %dma_wait3A_234 : memref<1x128xi32, #tpu.memory_space<vmem>> -> memref<128xi32, #tpu.memory_space<vmem>>
    %dma_wait3A_236 = arith.constant 0 : i32
    %dma_wait3A_237 = arith.constant 0 : i32
    %dma_wait3A_238 = tpu.memref_slice %arg2[%dma_wait3A_236, %dma_wait3A_237] : memref<4096x128xf32, #tpu.memory_space<hbm>> -> memref<4096x128xf32, #tpu.memory_space<hbm>>
    tpu.wait_indirect_dma semaphore(%arg7 : memref<!tpu.dma_semaphore, #tpu.memory_space<semaphore_mem>>) src(%dma_wait3A_238 : memref<4096x128xf32, #tpu.memory_space<hbm>>) dst(%dma_wait3A_232 : memref<128x128xf32, #tpu.memory_space<vmem>>)
    %dma_wait3A_239 = arith.constant 11 : i32
    %dma_wait3A_240 = arith.constant 384 : i32
    %dma_wait3A_241 = arith.constant 0 : i32
    %dma_wait3A_242 = tpu.memref_slice %arg6[%dma_wait3A_240, %dma_wait3A_241] : memref<512x128xf32, #tpu.memory_space<vmem>> -> memref<128x128xf32, #tpu.memory_space<vmem>>
    %dma_wait3A_243 = arith.constant 0 : i32
    %dma_wait3A_244 = tpu.memref_slice %arg5[%dma_wait3A_239, %dma_wait3A_243] : memref<16x128xi32, #tpu.memory_space<vmem>> -> memref<1x128xi32, #tpu.memory_space<vmem>>
    %dma_wait3A_245 = tpu.memref_squeeze %dma_wait3A_244 : memref<1x128xi32, #tpu.memory_space<vmem>> -> memref<128xi32, #tpu.memory_space<vmem>>
    %dma_wait3A_246 = arith.constant 0 : i32
    %dma_wait3A_247 = arith.constant 0 : i32
    %dma_wait3A_248 = tpu.memref_slice %arg2[%dma_wait3A_246, %dma_wait3A_247] : memref<4096x128xf32, #tpu.memory_space<hbm>> -> memref<4096x128xf32, #tpu.memory_space<hbm>>
    tpu.wait_indirect_dma semaphore(%arg7 : memref<!tpu.dma_semaphore, #tpu.memory_space<semaphore_mem>>) src(%dma_wait3A_248 : memref<4096x128xf32, #tpu.memory_space<hbm>>) dst(%dma_wait3A_242 : memref<128x128xf32, #tpu.memory_space<vmem>>)
    %mul3A_249 = arith.constant 2048 : i32
    %mul3A_250 = arith.muli %add3A, %mul3A_249 : i32
    %add3A_251 = arith.constant 1024 : i32
    %add3A_252 = arith.addi %mul3A_250, %add3A_251 : i32
    "tpu.region"() ({
      %run_scoped3A = tpu.sem_alloc : memref<!tpu.dma_semaphore, #tpu.memory_space<semaphore_mem>>
      %dma_start3A_337 = arith.constant 0 : i32
      %dma_start3A_338 = tpu.memref_slice %arg4[%add3A_252, %dma_start3A_337] : memref<65536x128xf32, #tpu.memory_space<hbm>> -> memref<512x128xf32, #tpu.memory_space<hbm>>
      %dma_start3A_339 = arith.constant 0 : i32
      %dma_start3A_340 = tpu.memref_slice %arg4[%add3A_252, %dma_start3A_339] : memref<65536x128xf32, #tpu.memory_space<hbm>> -> memref<512x128xf32, #tpu.memory_space<hbm>>
      tpu.enqueue_dma source(%arg6 : memref<512x128xf32, #tpu.memory_space<vmem>>) target(%dma_start3A_340 : memref<512x128xf32, #tpu.memory_space<hbm>>) target_semaphore(%run_scoped3A : memref<!tpu.dma_semaphore, #tpu.memory_space<semaphore_mem>>)
      %dma_wait3A_341 = arith.constant 0 : i32
      %dma_wait3A_342 = tpu.memref_slice %arg4[%add3A_252, %dma_wait3A_341] : memref<65536x128xf32, #tpu.memory_space<hbm>> -> memref<512x128xf32, #tpu.memory_space<hbm>>
      %dma_wait3A_343 = arith.constant 0 : i32
      %dma_wait3A_344 = tpu.memref_slice %arg4[%add3A_252, %dma_wait3A_343] : memref<65536x128xf32, #tpu.memory_space<hbm>> -> memref<512x128xf32, #tpu.memory_space<hbm>>
      tpu.wait_dma2 semaphore(%run_scoped3A : memref<!tpu.dma_semaphore, #tpu.memory_space<semaphore_mem>>) src(%arg6 : memref<512x128xf32, #tpu.memory_space<vmem>>) dst(%dma_wait3A_344 : memref<512x128xf32, #tpu.memory_space<hbm>>)
      tpu.yield
    }) : () -> ()
    %dma_start3A_253 = arith.constant 12 : i32
    %dma_start3A_254 = arith.constant 0 : i32
    %dma_start3A_255 = arith.constant 0 : i32
    %dma_start3A_256 = tpu.memref_slice %arg6[%dma_start3A_254, %dma_start3A_255] : memref<512x128xf32, #tpu.memory_space<vmem>> -> memref<128x128xf32, #tpu.memory_space<vmem>>
    %dma_start3A_257 = arith.constant 0 : i32
    %dma_start3A_258 = tpu.memref_slice %arg5[%dma_start3A_253, %dma_start3A_257] : memref<16x128xi32, #tpu.memory_space<vmem>> -> memref<1x128xi32, #tpu.memory_space<vmem>>
    %dma_start3A_259 = tpu.memref_squeeze %dma_start3A_258 : memref<1x128xi32, #tpu.memory_space<vmem>> -> memref<128xi32, #tpu.memory_space<vmem>>
    %dma_start3A_260 = arith.constant 0 : i32
    %dma_start3A_261 = arith.constant 0 : i32
    %dma_start3A_262 = tpu.memref_slice %arg2[%dma_start3A_260, %dma_start3A_261] : memref<4096x128xf32, #tpu.memory_space<hbm>> -> memref<4096x128xf32, #tpu.memory_space<hbm>>
    tpu.enqueue_indirect_dma source(%dma_start3A_262 : memref<4096x128xf32, #tpu.memory_space<hbm>>) target(%dma_start3A_256 : memref<128x128xf32, #tpu.memory_space<vmem>>) offsets(%dma_start3A_259 : memref<128xi32, #tpu.memory_space<vmem>>) semaphore(%arg7 : memref<!tpu.dma_semaphore, #tpu.memory_space<semaphore_mem>>)
    %dma_start3A_263 = arith.constant 13 : i32
    %dma_start3A_264 = arith.constant 128 : i32
    %dma_start3A_265 = arith.constant 0 : i32
    %dma_start3A_266 = tpu.memref_slice %arg6[%dma_start3A_264, %dma_start3A_265] : memref<512x128xf32, #tpu.memory_space<vmem>> -> memref<128x128xf32, #tpu.memory_space<vmem>>
    %dma_start3A_267 = arith.constant 0 : i32
    %dma_start3A_268 = tpu.memref_slice %arg5[%dma_start3A_263, %dma_start3A_267] : memref<16x128xi32, #tpu.memory_space<vmem>> -> memref<1x128xi32, #tpu.memory_space<vmem>>
    %dma_start3A_269 = tpu.memref_squeeze %dma_start3A_268 : memref<1x128xi32, #tpu.memory_space<vmem>> -> memref<128xi32, #tpu.memory_space<vmem>>
    %dma_start3A_270 = arith.constant 0 : i32
    %dma_start3A_271 = arith.constant 0 : i32
    %dma_start3A_272 = tpu.memref_slice %arg2[%dma_start3A_270, %dma_start3A_271] : memref<4096x128xf32, #tpu.memory_space<hbm>> -> memref<4096x128xf32, #tpu.memory_space<hbm>>
    tpu.enqueue_indirect_dma source(%dma_start3A_272 : memref<4096x128xf32, #tpu.memory_space<hbm>>) target(%dma_start3A_266 : memref<128x128xf32, #tpu.memory_space<vmem>>) offsets(%dma_start3A_269 : memref<128xi32, #tpu.memory_space<vmem>>) semaphore(%arg7 : memref<!tpu.dma_semaphore, #tpu.memory_space<semaphore_mem>>)
    %dma_start3A_273 = arith.constant 14 : i32
    %dma_start3A_274 = arith.constant 256 : i32
    %dma_start3A_275 = arith.constant 0 : i32
    %dma_start3A_276 = tpu.memref_slice %arg6[%dma_start3A_274, %dma_start3A_275] : memref<512x128xf32, #tpu.memory_space<vmem>> -> memref<128x128xf32, #tpu.memory_space<vmem>>
    %dma_start3A_277 = arith.constant 0 : i32
    %dma_start3A_278 = tpu.memref_slice %arg5[%dma_start3A_273, %dma_start3A_277] : memref<16x128xi32, #tpu.memory_space<vmem>> -> memref<1x128xi32, #tpu.memory_space<vmem>>
    %dma_start3A_279 = tpu.memref_squeeze %dma_start3A_278 : memref<1x128xi32, #tpu.memory_space<vmem>> -> memref<128xi32, #tpu.memory_space<vmem>>
    %dma_start3A_280 = arith.constant 0 : i32
    %dma_start3A_281 = arith.constant 0 : i32
    %dma_start3A_282 = tpu.memref_slice %arg2[%dma_start3A_280, %dma_start3A_281] : memref<4096x128xf32, #tpu.memory_space<hbm>> -> memref<4096x128xf32, #tpu.memory_space<hbm>>
    tpu.enqueue_indirect_dma source(%dma_start3A_282 : memref<4096x128xf32, #tpu.memory_space<hbm>>) target(%dma_start3A_276 : memref<128x128xf32, #tpu.memory_space<vmem>>) offsets(%dma_start3A_279 : memref<128xi32, #tpu.memory_space<vmem>>) semaphore(%arg7 : memref<!tpu.dma_semaphore, #tpu.memory_space<semaphore_mem>>)
    %dma_start3A_283 = arith.constant 15 : i32
    %dma_start3A_284 = arith.constant 384 : i32
    %dma_start3A_285 = arith.constant 0 : i32
    %dma_start3A_286 = tpu.memref_slice %arg6[%dma_start3A_284, %dma_start3A_285] : memref<512x128xf32, #tpu.memory_space<vmem>> -> memref<128x128xf32, #tpu.memory_space<vmem>>
    %dma_start3A_287 = arith.constant 0 : i32
    %dma_start3A_288 = tpu.memref_slice %arg5[%dma_start3A_283, %dma_start3A_287] : memref<16x128xi32, #tpu.memory_space<vmem>> -> memref<1x128xi32, #tpu.memory_space<vmem>>
    %dma_start3A_289 = tpu.memref_squeeze %dma_start3A_288 : memref<1x128xi32, #tpu.memory_space<vmem>> -> memref<128xi32, #tpu.memory_space<vmem>>
    %dma_start3A_290 = arith.constant 0 : i32
    %dma_start3A_291 = arith.constant 0 : i32
    %dma_start3A_292 = tpu.memref_slice %arg2[%dma_start3A_290, %dma_start3A_291] : memref<4096x128xf32, #tpu.memory_space<hbm>> -> memref<4096x128xf32, #tpu.memory_space<hbm>>
    tpu.enqueue_indirect_dma source(%dma_start3A_292 : memref<4096x128xf32, #tpu.memory_space<hbm>>) target(%dma_start3A_286 : memref<128x128xf32, #tpu.memory_space<vmem>>) offsets(%dma_start3A_289 : memref<128xi32, #tpu.memory_space<vmem>>) semaphore(%arg7 : memref<!tpu.dma_semaphore, #tpu.memory_space<semaphore_mem>>)
    %dma_wait3A_293 = arith.constant 12 : i32
    %dma_wait3A_294 = arith.constant 0 : i32
    %dma_wait3A_295 = arith.constant 0 : i32
    %dma_wait3A_296 = tpu.memref_slice %arg6[%dma_wait3A_294, %dma_wait3A_295] : memref<512x128xf32, #tpu.memory_space<vmem>> -> memref<128x128xf32, #tpu.memory_space<vmem>>
    %dma_wait3A_297 = arith.constant 0 : i32
    %dma_wait3A_298 = tpu.memref_slice %arg5[%dma_wait3A_293, %dma_wait3A_297] : memref<16x128xi32, #tpu.memory_space<vmem>> -> memref<1x128xi32, #tpu.memory_space<vmem>>
    %dma_wait3A_299 = tpu.memref_squeeze %dma_wait3A_298 : memref<1x128xi32, #tpu.memory_space<vmem>> -> memref<128xi32, #tpu.memory_space<vmem>>
    %dma_wait3A_300 = arith.constant 0 : i32
    %dma_wait3A_301 = arith.constant 0 : i32
    %dma_wait3A_302 = tpu.memref_slice %arg2[%dma_wait3A_300, %dma_wait3A_301] : memref<4096x128xf32, #tpu.memory_space<hbm>> -> memref<4096x128xf32, #tpu.memory_space<hbm>>
    tpu.wait_indirect_dma semaphore(%arg7 : memref<!tpu.dma_semaphore, #tpu.memory_space<semaphore_mem>>) src(%dma_wait3A_302 : memref<4096x128xf32, #tpu.memory_space<hbm>>) dst(%dma_wait3A_296 : memref<128x128xf32, #tpu.memory_space<vmem>>)
    %dma_wait3A_303 = arith.constant 13 : i32
    %dma_wait3A_304 = arith.constant 128 : i32
    %dma_wait3A_305 = arith.constant 0 : i32
    %dma_wait3A_306 = tpu.memref_slice %arg6[%dma_wait3A_304, %dma_wait3A_305] : memref<512x128xf32, #tpu.memory_space<vmem>> -> memref<128x128xf32, #tpu.memory_space<vmem>>
    %dma_wait3A_307 = arith.constant 0 : i32
    %dma_wait3A_308 = tpu.memref_slice %arg5[%dma_wait3A_303, %dma_wait3A_307] : memref<16x128xi32, #tpu.memory_space<vmem>> -> memref<1x128xi32, #tpu.memory_space<vmem>>
    %dma_wait3A_309 = tpu.memref_squeeze %dma_wait3A_308 : memref<1x128xi32, #tpu.memory_space<vmem>> -> memref<128xi32, #tpu.memory_space<vmem>>
    %dma_wait3A_310 = arith.constant 0 : i32
    %dma_wait3A_311 = arith.constant 0 : i32
    %dma_wait3A_312 = tpu.memref_slice %arg2[%dma_wait3A_310, %dma_wait3A_311] : memref<4096x128xf32, #tpu.memory_space<hbm>> -> memref<4096x128xf32, #tpu.memory_space<hbm>>
    tpu.wait_indirect_dma semaphore(%arg7 : memref<!tpu.dma_semaphore, #tpu.memory_space<semaphore_mem>>) src(%dma_wait3A_312 : memref<4096x128xf32, #tpu.memory_space<hbm>>) dst(%dma_wait3A_306 : memref<128x128xf32, #tpu.memory_space<vmem>>)
    %dma_wait3A_313 = arith.constant 14 : i32
    %dma_wait3A_314 = arith.constant 256 : i32
    %dma_wait3A_315 = arith.constant 0 : i32
    %dma_wait3A_316 = tpu.memref_slice %arg6[%dma_wait3A_314, %dma_wait3A_315] : memref<512x128xf32, #tpu.memory_space<vmem>> -> memref<128x128xf32, #tpu.memory_space<vmem>>
    %dma_wait3A_317 = arith.constant 0 : i32
    %dma_wait3A_318 = tpu.memref_slice %arg5[%dma_wait3A_313, %dma_wait3A_317] : memref<16x128xi32, #tpu.memory_space<vmem>> -> memref<1x128xi32, #tpu.memory_space<vmem>>
    %dma_wait3A_319 = tpu.memref_squeeze %dma_wait3A_318 : memref<1x128xi32, #tpu.memory_space<vmem>> -> memref<128xi32, #tpu.memory_space<vmem>>
    %dma_wait3A_320 = arith.constant 0 : i32
    %dma_wait3A_321 = arith.constant 0 : i32
    %dma_wait3A_322 = tpu.memref_slice %arg2[%dma_wait3A_320, %dma_wait3A_321] : memref<4096x128xf32, #tpu.memory_space<hbm>> -> memref<4096x128xf32, #tpu.memory_space<hbm>>
    tpu.wait_indirect_dma semaphore(%arg7 : memref<!tpu.dma_semaphore, #tpu.memory_space<semaphore_mem>>) src(%dma_wait3A_322 : memref<4096x128xf32, #tpu.memory_space<hbm>>) dst(%dma_wait3A_316 : memref<128x128xf32, #tpu.memory_space<vmem>>)
    %dma_wait3A_323 = arith.constant 15 : i32
    %dma_wait3A_324 = arith.constant 384 : i32
    %dma_wait3A_325 = arith.constant 0 : i32
    %dma_wait3A_326 = tpu.memref_slice %arg6[%dma_wait3A_324, %dma_wait3A_325] : memref<512x128xf32, #tpu.memory_space<vmem>> -> memref<128x128xf32, #tpu.memory_space<vmem>>
    %dma_wait3A_327 = arith.constant 0 : i32
    %dma_wait3A_328 = tpu.memref_slice %arg5[%dma_wait3A_323, %dma_wait3A_327] : memref<16x128xi32, #tpu.memory_space<vmem>> -> memref<1x128xi32, #tpu.memory_space<vmem>>
    %dma_wait3A_329 = tpu.memref_squeeze %dma_wait3A_328 : memref<1x128xi32, #tpu.memory_space<vmem>> -> memref<128xi32, #tpu.memory_space<vmem>>
    %dma_wait3A_330 = arith.constant 0 : i32
    %dma_wait3A_331 = arith.constant 0 : i32
    %dma_wait3A_332 = tpu.memref_slice %arg2[%dma_wait3A_330, %dma_wait3A_331] : memref<4096x128xf32, #tpu.memory_space<hbm>> -> memref<4096x128xf32, #tpu.memory_space<hbm>>
    tpu.wait_indirect_dma semaphore(%arg7 : memref<!tpu.dma_semaphore, #tpu.memory_space<semaphore_mem>>) src(%dma_wait3A_332 : memref<4096x128xf32, #tpu.memory_space<hbm>>) dst(%dma_wait3A_326 : memref<128x128xf32, #tpu.memory_space<vmem>>)
    %mul3A_333 = arith.constant 2048 : i32
    %mul3A_334 = arith.muli %add3A, %mul3A_333 : i32
    %add3A_335 = arith.constant 1536 : i32
    %add3A_336 = arith.addi %mul3A_334, %add3A_335 : i32
    "tpu.region"() ({
      %run_scoped3A = tpu.sem_alloc : memref<!tpu.dma_semaphore, #tpu.memory_space<semaphore_mem>>
      %dma_start3A_337 = arith.constant 0 : i32
      %dma_start3A_338 = tpu.memref_slice %arg4[%add3A_336, %dma_start3A_337] : memref<65536x128xf32, #tpu.memory_space<hbm>> -> memref<512x128xf32, #tpu.memory_space<hbm>>
      %dma_start3A_339 = arith.constant 0 : i32
      %dma_start3A_340 = tpu.memref_slice %arg4[%add3A_336, %dma_start3A_339] : memref<65536x128xf32, #tpu.memory_space<hbm>> -> memref<512x128xf32, #tpu.memory_space<hbm>>
      tpu.enqueue_dma source(%arg6 : memref<512x128xf32, #tpu.memory_space<vmem>>) target(%dma_start3A_340 : memref<512x128xf32, #tpu.memory_space<hbm>>) target_semaphore(%run_scoped3A : memref<!tpu.dma_semaphore, #tpu.memory_space<semaphore_mem>>)
      %dma_wait3A_341 = arith.constant 0 : i32
      %dma_wait3A_342 = tpu.memref_slice %arg4[%add3A_336, %dma_wait3A_341] : memref<65536x128xf32, #tpu.memory_space<hbm>> -> memref<512x128xf32, #tpu.memory_space<hbm>>
      %dma_wait3A_343 = arith.constant 0 : i32
      %dma_wait3A_344 = tpu.memref_slice %arg4[%add3A_336, %dma_wait3A_343] : memref<65536x128xf32, #tpu.memory_space<hbm>> -> memref<512x128xf32, #tpu.memory_space<hbm>>
      tpu.wait_dma2 semaphore(%run_scoped3A : memref<!tpu.dma_semaphore, #tpu.memory_space<semaphore_mem>>) src(%arg6 : memref<512x128xf32, #tpu.memory_space<vmem>>) dst(%dma_wait3A_344 : memref<512x128xf32, #tpu.memory_space<hbm>>)
      tpu.yield
    }) : () -> ()
    return
  }
}

module attributes {stable_mosaic.version = 14 : i64} {
  func.func @_knn_proj_body(%arg0: i32, %arg1: memref<256x3xf32, #tpu.memory_space<vmem>>, %arg2: memref<3x4096xf32, #tpu.memory_space<vmem>>, %arg3: memref<256x1xf32, #tpu.memory_space<vmem>>, %arg4: memref<1x4096xf32, #tpu.memory_space<vmem>>, %arg5: memref<3x32xf32, #tpu.memory_space<vmem>>, %arg6: memref<3x32xf32, #tpu.memory_space<vmem>>, %arg7: memref<3x32xf32, #tpu.memory_space<vmem>>, %arg8: memref<256x16xi32, #tpu.memory_space<vmem>>, %arg9: memref<256x128xf32, #tpu.memory_space<vmem>>, %arg10: memref<256x32xf32, #tpu.memory_space<vmem>>, %arg11: memref<256x32xf32, #tpu.memory_space<vmem>>) attributes {dimension_semantics = [#tpu.dimension_semantics<arbitrary>], iteration_bounds = array<i64: 16>, scalar_prefetch = 0 : i64, scratch_operands = 0 : i64, tpu.core_type = #tpu.core_type<tc>, window_params = [{transform_indices = @transform_0, window_bounds = array<i64: 256, 3>}, {pipeline_mode = #tpu.pipeline_mode<synchronous>, transform_indices = @transform_1, window_bounds = array<i64: 3, 4096>}, {transform_indices = @transform_2, window_bounds = array<i64: 256, 1>}, {pipeline_mode = #tpu.pipeline_mode<synchronous>, transform_indices = @transform_3, window_bounds = array<i64: 1, 4096>}, {pipeline_mode = #tpu.pipeline_mode<synchronous>, transform_indices = @transform_4, window_bounds = array<i64: 3, 32>}, {pipeline_mode = #tpu.pipeline_mode<synchronous>, transform_indices = @transform_5, window_bounds = array<i64: 3, 32>}, {pipeline_mode = #tpu.pipeline_mode<synchronous>, transform_indices = @transform_6, window_bounds = array<i64: 3, 32>}, {transform_indices = @transform_7, window_bounds = array<i64: 256, 16>}, {transform_indices = @transform_8, window_bounds = array<i64: 256, 128>}, {transform_indices = @transform_9, window_bounds = array<i64: 256, 32>}, {transform_indices = @transform_10, window_bounds = array<i64: 256, 32>}]} {
    %get3A = arith.constant 0 : index
    %get3A_0 = arith.constant 0 : index
    %get3A_1 = vector.load %arg1[%get3A, %get3A_0] : memref<256x3xf32, #tpu.memory_space<vmem>>, vector<256x3xf32>
    %get3A_2 = arith.constant 0 : index
    %get3A_3 = arith.constant 0 : index
    %get3A_4 = vector.load %arg3[%get3A_2, %get3A_3] : memref<256x1xf32, #tpu.memory_space<vmem>>, vector<256x1xf32>
    %get3A_5 = arith.constant 0 : index
    %get3A_6 = arith.constant 0 : index
    %get3A_7 = vector.load %arg4[%get3A_5, %get3A_6] : memref<1x4096xf32, #tpu.memory_space<vmem>>, vector<1x4096xf32>
    %mul3A = arith.mulf %get3A_1, %get3A_1 : vector<256x3xf32>
    %reduce_sum3A = arith.constant dense<0.000000e+00> : vector<256xf32>
    %reduce_sum3A_8 = vector.multi_reduction <add>, %mul3A, %reduce_sum3A [1] : vector<256x3xf32> to vector<256xf32>
    %broadcast_in_dim3A = vector.shape_cast %reduce_sum3A_8 : vector<256xf32> to vector<256x1xf32>
    %iota3A = tpu.iota {dimensions = array<i32: 1>} : vector<1x4096xi32>
    %get3A_9 = arith.constant 0 : index
    %get3A_10 = arith.constant 0 : index
    %get3A_11 = vector.load %arg3[%get3A_9, %get3A_10] : memref<256x1xf32, #tpu.memory_space<vmem>>, vector<1x1xf32>
    %get3A_12 = vector.extract %get3A_11[0, 0] : f32 from vector<1x1xf32>
    %get3A_13 = arith.constant 255 : index
    %get3A_14 = arith.constant 0 : index
    %get3A_15 = vector.load %arg3[%get3A_13, %get3A_14] : memref<256x1xf32, #tpu.memory_space<vmem>>, vector<1x1xf32>
    %get3A_16 = vector.extract %get3A_15[0, 0] : f32 from vector<1x1xf32>
    %eq3A = vector.broadcast %get3A_12 : f32 to vector<1x4096xf32>
    %eq3A_17 = arith.cmpf oeq, %get3A_7, %eq3A : vector<1x4096xf32>
    %jit3A = arith.constant 4096 : i32
    %broadcast_in_dim3A_18 = vector.broadcast %jit3A : i32 to vector<1x4096xi32>
    %select_n3A = arith.select %eq3A_17, %iota3A, %broadcast_in_dim3A_18 : vector<1x4096xi1>, vector<1x4096xi32>
    %reduce_min3A = vector.shape_cast %select_n3A : vector<1x4096xi32> to vector<1x1x4096xi32>
    %reduce_min3A_19 = arith.constant dense<2147483647> : vector<1xi32>
    %reduce_min3A_20 = vector.multi_reduction <minsi>, %reduce_min3A, %reduce_min3A_19 [1, 2] : vector<1x1x4096xi32> to vector<1xi32>
    %reduce_min3A_21 = vector.shape_cast %reduce_min3A_20 : vector<1xi32> to vector<1x1x1xi32>
    %reduce_min3A_22 = vector.extract %reduce_min3A_21[0, 0, 0] : i32 from vector<1x1x1xi32>
    %eq3A_23 = vector.broadcast %get3A_16 : f32 to vector<1x4096xf32>
    %eq3A_24 = arith.cmpf oeq, %get3A_7, %eq3A_23 : vector<1x4096xf32>
    %jit3A_25 = arith.constant -1 : i32
    %broadcast_in_dim3A_26 = vector.broadcast %jit3A_25 : i32 to vector<1x4096xi32>
    %select_n3A_27 = arith.select %eq3A_24, %iota3A, %broadcast_in_dim3A_26 : vector<1x4096xi1>, vector<1x4096xi32>
    %reduce_max3A = vector.shape_cast %select_n3A_27 : vector<1x4096xi32> to vector<1x1x4096xi32>
    %reduce_max3A_28 = arith.constant dense<-2147483648> : vector<1xi32>
    %reduce_max3A_29 = vector.multi_reduction <maxsi>, %reduce_max3A, %reduce_max3A_28 [1, 2] : vector<1x1x4096xi32> to vector<1xi32>
    %reduce_max3A_30 = vector.shape_cast %reduce_max3A_29 : vector<1xi32> to vector<1x1x1xi32>
    %reduce_max3A_31 = vector.extract %reduce_max3A_30[0, 0, 0] : i32 from vector<1x1x1xi32>
    %add3A = arith.constant 1 : i32
    %add3A_32 = arith.addi %reduce_max3A_31, %add3A : i32
    %shift_right_arithmetic3A = arith.constant 7 : i32
    %shift_right_arithmetic3A_33 = arith.shrsi %reduce_min3A_22, %shift_right_arithmetic3A : i32
    %shift_left3A = arith.constant 7 : i32
    %shift_left3A_34 = arith.shli %shift_right_arithmetic3A_33, %shift_left3A : i32
    %min3A = arith.constant 2688 : i32
    %min3A_35 = arith.minsi %shift_left3A_34, %min3A : i32
    %multiple_of3A = tpu.assume_multiple %min3A_35, 128 : i32
    %sub3A = arith.subi %add3A_32, %multiple_of3A : i32
    %le3A = arith.constant 1408 : i32
    %le3A_36 = arith.cmpi sle, %sub3A, %le3A : i32
    %convert_element_type3A = arith.extui %le3A_36 : i1 to i32
    %cond3A = arith.constant 0 : i32
    %cond3A_37 = arith.cmpi ne, %convert_element_type3A, %cond3A : i32
    scf.if %cond3A_37 {
      %get3A_68 = arith.constant 0 : index
      %get3A_69 = arith.index_cast %multiple_of3A : i32 to index
      %get3A_70 = vector.load %arg2[%get3A_68, %get3A_69] : memref<3x4096xf32, #tpu.memory_space<vmem>>, vector<3x1408xf32>
      %dot_general3A_71 = arith.constant dense<0.000000e+00> : vector<256x1408xf32>
      %dot_general3A_72 = tpu.matmul %get3A_1, %get3A_70, %dot_general3A_71 {dimension_numbers = #tpu.dot_dimension_numbers<[1], [0], [0], [1], [0, 0, 1, 1], [], []>, transpose_lhs_hint = false} : vector<256x3xf32>, vector<3x1408xf32>, vector<256x1408xf32> -> vector<256x1408xf32>
      %mul3A_73 = arith.mulf %get3A_70, %get3A_70 : vector<3x1408xf32>
      %reduce_sum3A_74 = arith.constant dense<0.000000e+00> : vector<1408xf32>
      %reduce_sum3A_75 = vector.multi_reduction <add>, %mul3A_73, %reduce_sum3A_74 [0] : vector<3x1408xf32> to vector<1408xf32>
      %broadcast_in_dim3A_76 = vector.shape_cast %reduce_sum3A_75 : vector<1408xf32> to vector<1x1408xf32>
      %add3A_77 = vector.broadcast %broadcast_in_dim3A : vector<256x1xf32> to vector<256x1408xf32>
      %add3A_78 = vector.broadcast %broadcast_in_dim3A_76 : vector<1x1408xf32> to vector<256x1408xf32>
      %add3A_79 = arith.addf %add3A_77, %add3A_78 : vector<256x1408xf32>
      %mul3A_80 = arith.constant 2.000000e+00 : f32
      %mul3A_81 = vector.broadcast %mul3A_80 : f32 to vector<256x1408xf32>
      %mul3A_82 = arith.mulf %mul3A_81, %dot_general3A_72 : vector<256x1408xf32>
      %sub3A_83 = arith.subf %add3A_79, %mul3A_82 : vector<256x1408xf32>
      %get3A_84 = arith.constant 0 : index
      %get3A_85 = arith.index_cast %multiple_of3A : i32 to index
      %get3A_86 = vector.load %arg4[%get3A_84, %get3A_85] : memref<1x4096xf32, #tpu.memory_space<vmem>>, vector<1x1408xf32>
      %ne3A = vector.broadcast %get3A_4 : vector<256x1xf32> to vector<256x1408xf32>
      %ne3A_87 = vector.broadcast %get3A_86 : vector<1x1408xf32> to vector<256x1408xf32>
      %ne3A_88 = arith.cmpf one, %ne3A, %ne3A_87 : vector<256x1408xf32>
      %jit3A_89 = arith.constant 1.000000e+30 : f32
      %broadcast_in_dim3A_90 = vector.broadcast %jit3A_89 : f32 to vector<256x1408xf32>
      %select_n3A_91 = arith.select %ne3A_88, %broadcast_in_dim3A_90, %sub3A_83 : vector<256x1408xi1>, vector<256x1408xf32>
      %iota3A_92 = tpu.iota {dimensions = array<i32: 1>} : vector<256x128xi32>
      %min3A_93 = arith.minsi %reduce_min3A_22, %multiple_of3A : i32
      %lt3A = vector.broadcast %min3A_93 : i32 to vector<256x128xi32>
      %lt3A_94 = arith.cmpi slt, %iota3A_92, %lt3A : vector<256x128xi32>
      %jit3A_95 = arith.constant 1.000000e+30 : f32
      %jit3A_96 = arith.constant 0x7F800000 : f32
      %broadcast_in_dim3A_97 = vector.broadcast %jit3A_95 : f32 to vector<256x128xf32>
      %broadcast_in_dim3A_98 = vector.broadcast %jit3A_96 : f32 to vector<256x128xf32>
      %select_n3A_99 = arith.select %lt3A_94, %broadcast_in_dim3A_97, %broadcast_in_dim3A_98 : vector<256x128xi1>, vector<256x128xf32>
      %concatenate3A_100 = tpu.concatenate %select_n3A_99, %select_n3A_91 in 1 : vector<256x128xf32>, vector<256x1408xf32> -> vector<256x1536xf32>
      %iota3A_101 = tpu.iota {dimensions = array<i32: 1>} : vector<256x1408xi32>
      %add3A_102 = vector.broadcast %multiple_of3A : i32 to vector<256x1408xi32>
      %add3A_103 = arith.addi %iota3A_101, %add3A_102 : vector<256x1408xi32>
      %concatenate3A_104 = tpu.concatenate %iota3A_92, %add3A_103 in 1 : vector<256x128xi32>, vector<256x1408xi32> -> vector<256x1536xi32>
      %reduce_min3A_105 = arith.constant dense<0x7F800000> : vector<256xf32>
      %reduce_min3A_106 = vector.multi_reduction <minimumf>, %concatenate3A_100, %reduce_min3A_105 [1] : vector<256x1536xf32> to vector<256xf32>
      %broadcast_in_dim3A_107 = vector.shape_cast %reduce_min3A_106 : vector<256xf32> to vector<256x1xf32>
      %eq3A_108 = vector.broadcast %broadcast_in_dim3A_107 : vector<256x1xf32> to vector<256x1536xf32>
      %eq3A_109 = arith.cmpf oeq, %concatenate3A_100, %eq3A_108 : vector<256x1536xf32>
      %jit3A_110 = arith.constant 1073741824 : i32
      %broadcast_in_dim3A_111 = vector.broadcast %jit3A_110 : i32 to vector<256x1536xi32>
      %select_n3A_112 = arith.select %eq3A_109, %concatenate3A_104, %broadcast_in_dim3A_111 : vector<256x1536xi1>, vector<256x1536xi32>
      %reduce_min3A_113 = arith.constant dense<2147483647> : vector<256xi32>
      %reduce_min3A_114 = vector.multi_reduction <minsi>, %select_n3A_112, %reduce_min3A_113 [1] : vector<256x1536xi32> to vector<256xi32>
      %broadcast_in_dim3A_115 = vector.shape_cast %reduce_min3A_114 : vector<256xi32> to vector<256x1xi32>
      %eq3A_116 = vector.broadcast %broadcast_in_dim3A_115 : vector<256x1xi32> to vector<256x1536xi32>
      %eq3A_117 = arith.cmpi eq, %concatenate3A_104, %eq3A_116 : vector<256x1536xi32>
      %and3A = arith.andi %eq3A_109, %eq3A_117 : vector<256x1536xi1>
      %jit3A_118 = arith.constant 0x7F800000 : f32
      %broadcast_in_dim3A_119 = vector.broadcast %jit3A_118 : f32 to vector<256x1536xf32>
      %select_n3A_120 = arith.select %and3A, %broadcast_in_dim3A_119, %concatenate3A_100 : vector<256x1536xi1>, vector<256x1536xf32>
      %reduce_min3A_121 = arith.constant dense<0x7F800000> : vector<256xf32>
      %reduce_min3A_122 = vector.multi_reduction <minimumf>, %select_n3A_120, %reduce_min3A_121 [1] : vector<256x1536xf32> to vector<256xf32>
      %broadcast_in_dim3A_123 = vector.shape_cast %reduce_min3A_122 : vector<256xf32> to vector<256x1xf32>
      %eq3A_124 = vector.broadcast %broadcast_in_dim3A_123 : vector<256x1xf32> to vector<256x1536xf32>
      %eq3A_125 = arith.cmpf oeq, %select_n3A_120, %eq3A_124 : vector<256x1536xf32>
      %jit3A_126 = arith.constant 1073741824 : i32
      %broadcast_in_dim3A_127 = vector.broadcast %jit3A_126 : i32 to vector<256x1536xi32>
      %select_n3A_128 = arith.select %eq3A_125, %concatenate3A_104, %broadcast_in_dim3A_127 : vector<256x1536xi1>, vector<256x1536xi32>
      %reduce_min3A_129 = arith.constant dense<2147483647> : vector<256xi32>
      %reduce_min3A_130 = vector.multi_reduction <minsi>, %select_n3A_128, %reduce_min3A_129 [1] : vector<256x1536xi32> to vector<256xi32>
      %broadcast_in_dim3A_131 = vector.shape_cast %reduce_min3A_130 : vector<256xi32> to vector<256x1xi32>
      %eq3A_132 = vector.broadcast %broadcast_in_dim3A_131 : vector<256x1xi32> to vector<256x1536xi32>
      %eq3A_133 = arith.cmpi eq, %concatenate3A_104, %eq3A_132 : vector<256x1536xi32>
      %and3A_134 = arith.andi %eq3A_125, %eq3A_133 : vector<256x1536xi1>
      %jit3A_135 = arith.constant 0x7F800000 : f32
      %broadcast_in_dim3A_136 = vector.broadcast %jit3A_135 : f32 to vector<256x1536xf32>
      %select_n3A_137 = arith.select %and3A_134, %broadcast_in_dim3A_136, %select_n3A_120 : vector<256x1536xi1>, vector<256x1536xf32>
      %reduce_min3A_138 = arith.constant dense<0x7F800000> : vector<256xf32>
      %reduce_min3A_139 = vector.multi_reduction <minimumf>, %select_n3A_137, %reduce_min3A_138 [1] : vector<256x1536xf32> to vector<256xf32>
      %broadcast_in_dim3A_140 = vector.shape_cast %reduce_min3A_139 : vector<256xf32> to vector<256x1xf32>
      %eq3A_141 = vector.broadcast %broadcast_in_dim3A_140 : vector<256x1xf32> to vector<256x1536xf32>
      %eq3A_142 = arith.cmpf oeq, %select_n3A_137, %eq3A_141 : vector<256x1536xf32>
      %jit3A_143 = arith.constant 1073741824 : i32
      %broadcast_in_dim3A_144 = vector.broadcast %jit3A_143 : i32 to vector<256x1536xi32>
      %select_n3A_145 = arith.select %eq3A_142, %concatenate3A_104, %broadcast_in_dim3A_144 : vector<256x1536xi1>, vector<256x1536xi32>
      %reduce_min3A_146 = arith.constant dense<2147483647> : vector<256xi32>
      %reduce_min3A_147 = vector.multi_reduction <minsi>, %select_n3A_145, %reduce_min3A_146 [1] : vector<256x1536xi32> to vector<256xi32>
      %broadcast_in_dim3A_148 = vector.shape_cast %reduce_min3A_147 : vector<256xi32> to vector<256x1xi32>
      %eq3A_149 = vector.broadcast %broadcast_in_dim3A_148 : vector<256x1xi32> to vector<256x1536xi32>
      %eq3A_150 = arith.cmpi eq, %concatenate3A_104, %eq3A_149 : vector<256x1536xi32>
      %and3A_151 = arith.andi %eq3A_142, %eq3A_150 : vector<256x1536xi1>
      %jit3A_152 = arith.constant 0x7F800000 : f32
      %broadcast_in_dim3A_153 = vector.broadcast %jit3A_152 : f32 to vector<256x1536xf32>
      %select_n3A_154 = arith.select %and3A_151, %broadcast_in_dim3A_153, %select_n3A_137 : vector<256x1536xi1>, vector<256x1536xf32>
      %reduce_min3A_155 = arith.constant dense<0x7F800000> : vector<256xf32>
      %reduce_min3A_156 = vector.multi_reduction <minimumf>, %select_n3A_154, %reduce_min3A_155 [1] : vector<256x1536xf32> to vector<256xf32>
      %broadcast_in_dim3A_157 = vector.shape_cast %reduce_min3A_156 : vector<256xf32> to vector<256x1xf32>
      %eq3A_158 = vector.broadcast %broadcast_in_dim3A_157 : vector<256x1xf32> to vector<256x1536xf32>
      %eq3A_159 = arith.cmpf oeq, %select_n3A_154, %eq3A_158 : vector<256x1536xf32>
      %jit3A_160 = arith.constant 1073741824 : i32
      %broadcast_in_dim3A_161 = vector.broadcast %jit3A_160 : i32 to vector<256x1536xi32>
      %select_n3A_162 = arith.select %eq3A_159, %concatenate3A_104, %broadcast_in_dim3A_161 : vector<256x1536xi1>, vector<256x1536xi32>
      %reduce_min3A_163 = arith.constant dense<2147483647> : vector<256xi32>
      %reduce_min3A_164 = vector.multi_reduction <minsi>, %select_n3A_162, %reduce_min3A_163 [1] : vector<256x1536xi32> to vector<256xi32>
      %broadcast_in_dim3A_165 = vector.shape_cast %reduce_min3A_164 : vector<256xi32> to vector<256x1xi32>
      %eq3A_166 = vector.broadcast %broadcast_in_dim3A_165 : vector<256x1xi32> to vector<256x1536xi32>
      %eq3A_167 = arith.cmpi eq, %concatenate3A_104, %eq3A_166 : vector<256x1536xi32>
      %and3A_168 = arith.andi %eq3A_159, %eq3A_167 : vector<256x1536xi1>
      %jit3A_169 = arith.constant 0x7F800000 : f32
      %broadcast_in_dim3A_170 = vector.broadcast %jit3A_169 : f32 to vector<256x1536xf32>
      %select_n3A_171 = arith.select %and3A_168, %broadcast_in_dim3A_170, %select_n3A_154 : vector<256x1536xi1>, vector<256x1536xf32>
      %reduce_min3A_172 = arith.constant dense<0x7F800000> : vector<256xf32>
      %reduce_min3A_173 = vector.multi_reduction <minimumf>, %select_n3A_171, %reduce_min3A_172 [1] : vector<256x1536xf32> to vector<256xf32>
      %broadcast_in_dim3A_174 = vector.shape_cast %reduce_min3A_173 : vector<256xf32> to vector<256x1xf32>
      %eq3A_175 = vector.broadcast %broadcast_in_dim3A_174 : vector<256x1xf32> to vector<256x1536xf32>
      %eq3A_176 = arith.cmpf oeq, %select_n3A_171, %eq3A_175 : vector<256x1536xf32>
      %jit3A_177 = arith.constant 1073741824 : i32
      %broadcast_in_dim3A_178 = vector.broadcast %jit3A_177 : i32 to vector<256x1536xi32>
      %select_n3A_179 = arith.select %eq3A_176, %concatenate3A_104, %broadcast_in_dim3A_178 : vector<256x1536xi1>, vector<256x1536xi32>
      %reduce_min3A_180 = arith.constant dense<2147483647> : vector<256xi32>
      %reduce_min3A_181 = vector.multi_reduction <minsi>, %select_n3A_179, %reduce_min3A_180 [1] : vector<256x1536xi32> to vector<256xi32>
      %broadcast_in_dim3A_182 = vector.shape_cast %reduce_min3A_181 : vector<256xi32> to vector<256x1xi32>
      %eq3A_183 = vector.broadcast %broadcast_in_dim3A_182 : vector<256x1xi32> to vector<256x1536xi32>
      %eq3A_184 = arith.cmpi eq, %concatenate3A_104, %eq3A_183 : vector<256x1536xi32>
      %and3A_185 = arith.andi %eq3A_176, %eq3A_184 : vector<256x1536xi1>
      %jit3A_186 = arith.constant 0x7F800000 : f32
      %broadcast_in_dim3A_187 = vector.broadcast %jit3A_186 : f32 to vector<256x1536xf32>
      %select_n3A_188 = arith.select %and3A_185, %broadcast_in_dim3A_187, %select_n3A_171 : vector<256x1536xi1>, vector<256x1536xf32>
      %reduce_min3A_189 = arith.constant dense<0x7F800000> : vector<256xf32>
      %reduce_min3A_190 = vector.multi_reduction <minimumf>, %select_n3A_188, %reduce_min3A_189 [1] : vector<256x1536xf32> to vector<256xf32>
      %broadcast_in_dim3A_191 = vector.shape_cast %reduce_min3A_190 : vector<256xf32> to vector<256x1xf32>
      %eq3A_192 = vector.broadcast %broadcast_in_dim3A_191 : vector<256x1xf32> to vector<256x1536xf32>
      %eq3A_193 = arith.cmpf oeq, %select_n3A_188, %eq3A_192 : vector<256x1536xf32>
      %jit3A_194 = arith.constant 1073741824 : i32
      %broadcast_in_dim3A_195 = vector.broadcast %jit3A_194 : i32 to vector<256x1536xi32>
      %select_n3A_196 = arith.select %eq3A_193, %concatenate3A_104, %broadcast_in_dim3A_195 : vector<256x1536xi1>, vector<256x1536xi32>
      %reduce_min3A_197 = arith.constant dense<2147483647> : vector<256xi32>
      %reduce_min3A_198 = vector.multi_reduction <minsi>, %select_n3A_196, %reduce_min3A_197 [1] : vector<256x1536xi32> to vector<256xi32>
      %broadcast_in_dim3A_199 = vector.shape_cast %reduce_min3A_198 : vector<256xi32> to vector<256x1xi32>
      %eq3A_200 = vector.broadcast %broadcast_in_dim3A_199 : vector<256x1xi32> to vector<256x1536xi32>
      %eq3A_201 = arith.cmpi eq, %concatenate3A_104, %eq3A_200 : vector<256x1536xi32>
      %and3A_202 = arith.andi %eq3A_193, %eq3A_201 : vector<256x1536xi1>
      %jit3A_203 = arith.constant 0x7F800000 : f32
      %broadcast_in_dim3A_204 = vector.broadcast %jit3A_203 : f32 to vector<256x1536xf32>
      %select_n3A_205 = arith.select %and3A_202, %broadcast_in_dim3A_204, %select_n3A_188 : vector<256x1536xi1>, vector<256x1536xf32>
      %reduce_min3A_206 = arith.constant dense<0x7F800000> : vector<256xf32>
      %reduce_min3A_207 = vector.multi_reduction <minimumf>, %select_n3A_205, %reduce_min3A_206 [1] : vector<256x1536xf32> to vector<256xf32>
      %broadcast_in_dim3A_208 = vector.shape_cast %reduce_min3A_207 : vector<256xf32> to vector<256x1xf32>
      %eq3A_209 = vector.broadcast %broadcast_in_dim3A_208 : vector<256x1xf32> to vector<256x1536xf32>
      %eq3A_210 = arith.cmpf oeq, %select_n3A_205, %eq3A_209 : vector<256x1536xf32>
      %jit3A_211 = arith.constant 1073741824 : i32
      %broadcast_in_dim3A_212 = vector.broadcast %jit3A_211 : i32 to vector<256x1536xi32>
      %select_n3A_213 = arith.select %eq3A_210, %concatenate3A_104, %broadcast_in_dim3A_212 : vector<256x1536xi1>, vector<256x1536xi32>
      %reduce_min3A_214 = arith.constant dense<2147483647> : vector<256xi32>
      %reduce_min3A_215 = vector.multi_reduction <minsi>, %select_n3A_213, %reduce_min3A_214 [1] : vector<256x1536xi32> to vector<256xi32>
      %broadcast_in_dim3A_216 = vector.shape_cast %reduce_min3A_215 : vector<256xi32> to vector<256x1xi32>
      %eq3A_217 = vector.broadcast %broadcast_in_dim3A_216 : vector<256x1xi32> to vector<256x1536xi32>
      %eq3A_218 = arith.cmpi eq, %concatenate3A_104, %eq3A_217 : vector<256x1536xi32>
      %and3A_219 = arith.andi %eq3A_210, %eq3A_218 : vector<256x1536xi1>
      %jit3A_220 = arith.constant 0x7F800000 : f32
      %broadcast_in_dim3A_221 = vector.broadcast %jit3A_220 : f32 to vector<256x1536xf32>
      %select_n3A_222 = arith.select %and3A_219, %broadcast_in_dim3A_221, %select_n3A_205 : vector<256x1536xi1>, vector<256x1536xf32>
      %reduce_min3A_223 = arith.constant dense<0x7F800000> : vector<256xf32>
      %reduce_min3A_224 = vector.multi_reduction <minimumf>, %select_n3A_222, %reduce_min3A_223 [1] : vector<256x1536xf32> to vector<256xf32>
      %broadcast_in_dim3A_225 = vector.shape_cast %reduce_min3A_224 : vector<256xf32> to vector<256x1xf32>
      %eq3A_226 = vector.broadcast %broadcast_in_dim3A_225 : vector<256x1xf32> to vector<256x1536xf32>
      %eq3A_227 = arith.cmpf oeq, %select_n3A_222, %eq3A_226 : vector<256x1536xf32>
      %jit3A_228 = arith.constant 1073741824 : i32
      %broadcast_in_dim3A_229 = vector.broadcast %jit3A_228 : i32 to vector<256x1536xi32>
      %select_n3A_230 = arith.select %eq3A_227, %concatenate3A_104, %broadcast_in_dim3A_229 : vector<256x1536xi1>, vector<256x1536xi32>
      %reduce_min3A_231 = arith.constant dense<2147483647> : vector<256xi32>
      %reduce_min3A_232 = vector.multi_reduction <minsi>, %select_n3A_230, %reduce_min3A_231 [1] : vector<256x1536xi32> to vector<256xi32>
      %broadcast_in_dim3A_233 = vector.shape_cast %reduce_min3A_232 : vector<256xi32> to vector<256x1xi32>
      %eq3A_234 = vector.broadcast %broadcast_in_dim3A_233 : vector<256x1xi32> to vector<256x1536xi32>
      %eq3A_235 = arith.cmpi eq, %concatenate3A_104, %eq3A_234 : vector<256x1536xi32>
      %and3A_236 = arith.andi %eq3A_227, %eq3A_235 : vector<256x1536xi1>
      %jit3A_237 = arith.constant 0x7F800000 : f32
      %broadcast_in_dim3A_238 = vector.broadcast %jit3A_237 : f32 to vector<256x1536xf32>
      %select_n3A_239 = arith.select %and3A_236, %broadcast_in_dim3A_238, %select_n3A_222 : vector<256x1536xi1>, vector<256x1536xf32>
      %reduce_min3A_240 = arith.constant dense<0x7F800000> : vector<256xf32>
      %reduce_min3A_241 = vector.multi_reduction <minimumf>, %select_n3A_239, %reduce_min3A_240 [1] : vector<256x1536xf32> to vector<256xf32>
      %broadcast_in_dim3A_242 = vector.shape_cast %reduce_min3A_241 : vector<256xf32> to vector<256x1xf32>
      %eq3A_243 = vector.broadcast %broadcast_in_dim3A_242 : vector<256x1xf32> to vector<256x1536xf32>
      %eq3A_244 = arith.cmpf oeq, %select_n3A_239, %eq3A_243 : vector<256x1536xf32>
      %jit3A_245 = arith.constant 1073741824 : i32
      %broadcast_in_dim3A_246 = vector.broadcast %jit3A_245 : i32 to vector<256x1536xi32>
      %select_n3A_247 = arith.select %eq3A_244, %concatenate3A_104, %broadcast_in_dim3A_246 : vector<256x1536xi1>, vector<256x1536xi32>
      %reduce_min3A_248 = arith.constant dense<2147483647> : vector<256xi32>
      %reduce_min3A_249 = vector.multi_reduction <minsi>, %select_n3A_247, %reduce_min3A_248 [1] : vector<256x1536xi32> to vector<256xi32>
      %broadcast_in_dim3A_250 = vector.shape_cast %reduce_min3A_249 : vector<256xi32> to vector<256x1xi32>
      %eq3A_251 = vector.broadcast %broadcast_in_dim3A_250 : vector<256x1xi32> to vector<256x1536xi32>
      %eq3A_252 = arith.cmpi eq, %concatenate3A_104, %eq3A_251 : vector<256x1536xi32>
      %and3A_253 = arith.andi %eq3A_244, %eq3A_252 : vector<256x1536xi1>
      %jit3A_254 = arith.constant 0x7F800000 : f32
      %broadcast_in_dim3A_255 = vector.broadcast %jit3A_254 : f32 to vector<256x1536xf32>
      %select_n3A_256 = arith.select %and3A_253, %broadcast_in_dim3A_255, %select_n3A_239 : vector<256x1536xi1>, vector<256x1536xf32>
      %reduce_min3A_257 = arith.constant dense<0x7F800000> : vector<256xf32>
      %reduce_min3A_258 = vector.multi_reduction <minimumf>, %select_n3A_256, %reduce_min3A_257 [1] : vector<256x1536xf32> to vector<256xf32>
      %broadcast_in_dim3A_259 = vector.shape_cast %reduce_min3A_258 : vector<256xf32> to vector<256x1xf32>
      %eq3A_260 = vector.broadcast %broadcast_in_dim3A_259 : vector<256x1xf32> to vector<256x1536xf32>
      %eq3A_261 = arith.cmpf oeq, %select_n3A_256, %eq3A_260 : vector<256x1536xf32>
      %jit3A_262 = arith.constant 1073741824 : i32
      %broadcast_in_dim3A_263 = vector.broadcast %jit3A_262 : i32 to vector<256x1536xi32>
      %select_n3A_264 = arith.select %eq3A_261, %concatenate3A_104, %broadcast_in_dim3A_263 : vector<256x1536xi1>, vector<256x1536xi32>
      %reduce_min3A_265 = arith.constant dense<2147483647> : vector<256xi32>
      %reduce_min3A_266 = vector.multi_reduction <minsi>, %select_n3A_264, %reduce_min3A_265 [1] : vector<256x1536xi32> to vector<256xi32>
      %broadcast_in_dim3A_267 = vector.shape_cast %reduce_min3A_266 : vector<256xi32> to vector<256x1xi32>
      %eq3A_268 = vector.broadcast %broadcast_in_dim3A_267 : vector<256x1xi32> to vector<256x1536xi32>
      %eq3A_269 = arith.cmpi eq, %concatenate3A_104, %eq3A_268 : vector<256x1536xi32>
      %and3A_270 = arith.andi %eq3A_261, %eq3A_269 : vector<256x1536xi1>
      %jit3A_271 = arith.constant 0x7F800000 : f32
      %broadcast_in_dim3A_272 = vector.broadcast %jit3A_271 : f32 to vector<256x1536xf32>
      %select_n3A_273 = arith.select %and3A_270, %broadcast_in_dim3A_272, %select_n3A_256 : vector<256x1536xi1>, vector<256x1536xf32>
      %reduce_min3A_274 = arith.constant dense<0x7F800000> : vector<256xf32>
      %reduce_min3A_275 = vector.multi_reduction <minimumf>, %select_n3A_273, %reduce_min3A_274 [1] : vector<256x1536xf32> to vector<256xf32>
      %broadcast_in_dim3A_276 = vector.shape_cast %reduce_min3A_275 : vector<256xf32> to vector<256x1xf32>
      %eq3A_277 = vector.broadcast %broadcast_in_dim3A_276 : vector<256x1xf32> to vector<256x1536xf32>
      %eq3A_278 = arith.cmpf oeq, %select_n3A_273, %eq3A_277 : vector<256x1536xf32>
      %jit3A_279 = arith.constant 1073741824 : i32
      %broadcast_in_dim3A_280 = vector.broadcast %jit3A_279 : i32 to vector<256x1536xi32>
      %select_n3A_281 = arith.select %eq3A_278, %concatenate3A_104, %broadcast_in_dim3A_280 : vector<256x1536xi1>, vector<256x1536xi32>
      %reduce_min3A_282 = arith.constant dense<2147483647> : vector<256xi32>
      %reduce_min3A_283 = vector.multi_reduction <minsi>, %select_n3A_281, %reduce_min3A_282 [1] : vector<256x1536xi32> to vector<256xi32>
      %broadcast_in_dim3A_284 = vector.shape_cast %reduce_min3A_283 : vector<256xi32> to vector<256x1xi32>
      %eq3A_285 = vector.broadcast %broadcast_in_dim3A_284 : vector<256x1xi32> to vector<256x1536xi32>
      %eq3A_286 = arith.cmpi eq, %concatenate3A_104, %eq3A_285 : vector<256x1536xi32>
      %and3A_287 = arith.andi %eq3A_278, %eq3A_286 : vector<256x1536xi1>
      %jit3A_288 = arith.constant 0x7F800000 : f32
      %broadcast_in_dim3A_289 = vector.broadcast %jit3A_288 : f32 to vector<256x1536xf32>
      %select_n3A_290 = arith.select %and3A_287, %broadcast_in_dim3A_289, %select_n3A_273 : vector<256x1536xi1>, vector<256x1536xf32>
      %reduce_min3A_291 = arith.constant dense<0x7F800000> : vector<256xf32>
      %reduce_min3A_292 = vector.multi_reduction <minimumf>, %select_n3A_290, %reduce_min3A_291 [1] : vector<256x1536xf32> to vector<256xf32>
      %broadcast_in_dim3A_293 = vector.shape_cast %reduce_min3A_292 : vector<256xf32> to vector<256x1xf32>
      %eq3A_294 = vector.broadcast %broadcast_in_dim3A_293 : vector<256x1xf32> to vector<256x1536xf32>
      %eq3A_295 = arith.cmpf oeq, %select_n3A_290, %eq3A_294 : vector<256x1536xf32>
      %jit3A_296 = arith.constant 1073741824 : i32
      %broadcast_in_dim3A_297 = vector.broadcast %jit3A_296 : i32 to vector<256x1536xi32>
      %select_n3A_298 = arith.select %eq3A_295, %concatenate3A_104, %broadcast_in_dim3A_297 : vector<256x1536xi1>, vector<256x1536xi32>
      %reduce_min3A_299 = arith.constant dense<2147483647> : vector<256xi32>
      %reduce_min3A_300 = vector.multi_reduction <minsi>, %select_n3A_298, %reduce_min3A_299 [1] : vector<256x1536xi32> to vector<256xi32>
      %broadcast_in_dim3A_301 = vector.shape_cast %reduce_min3A_300 : vector<256xi32> to vector<256x1xi32>
      %eq3A_302 = vector.broadcast %broadcast_in_dim3A_301 : vector<256x1xi32> to vector<256x1536xi32>
      %eq3A_303 = arith.cmpi eq, %concatenate3A_104, %eq3A_302 : vector<256x1536xi32>
      %and3A_304 = arith.andi %eq3A_295, %eq3A_303 : vector<256x1536xi1>
      %jit3A_305 = arith.constant 0x7F800000 : f32
      %broadcast_in_dim3A_306 = vector.broadcast %jit3A_305 : f32 to vector<256x1536xf32>
      %select_n3A_307 = arith.select %and3A_304, %broadcast_in_dim3A_306, %select_n3A_290 : vector<256x1536xi1>, vector<256x1536xf32>
      %reduce_min3A_308 = arith.constant dense<0x7F800000> : vector<256xf32>
      %reduce_min3A_309 = vector.multi_reduction <minimumf>, %select_n3A_307, %reduce_min3A_308 [1] : vector<256x1536xf32> to vector<256xf32>
      %broadcast_in_dim3A_310 = vector.shape_cast %reduce_min3A_309 : vector<256xf32> to vector<256x1xf32>
      %eq3A_311 = vector.broadcast %broadcast_in_dim3A_310 : vector<256x1xf32> to vector<256x1536xf32>
      %eq3A_312 = arith.cmpf oeq, %select_n3A_307, %eq3A_311 : vector<256x1536xf32>
      %jit3A_313 = arith.constant 1073741824 : i32
      %broadcast_in_dim3A_314 = vector.broadcast %jit3A_313 : i32 to vector<256x1536xi32>
      %select_n3A_315 = arith.select %eq3A_312, %concatenate3A_104, %broadcast_in_dim3A_314 : vector<256x1536xi1>, vector<256x1536xi32>
      %reduce_min3A_316 = arith.constant dense<2147483647> : vector<256xi32>
      %reduce_min3A_317 = vector.multi_reduction <minsi>, %select_n3A_315, %reduce_min3A_316 [1] : vector<256x1536xi32> to vector<256xi32>
      %broadcast_in_dim3A_318 = vector.shape_cast %reduce_min3A_317 : vector<256xi32> to vector<256x1xi32>
      %eq3A_319 = vector.broadcast %broadcast_in_dim3A_318 : vector<256x1xi32> to vector<256x1536xi32>
      %eq3A_320 = arith.cmpi eq, %concatenate3A_104, %eq3A_319 : vector<256x1536xi32>
      %and3A_321 = arith.andi %eq3A_312, %eq3A_320 : vector<256x1536xi1>
      %jit3A_322 = arith.constant 0x7F800000 : f32
      %broadcast_in_dim3A_323 = vector.broadcast %jit3A_322 : f32 to vector<256x1536xf32>
      %select_n3A_324 = arith.select %and3A_321, %broadcast_in_dim3A_323, %select_n3A_307 : vector<256x1536xi1>, vector<256x1536xf32>
      %reduce_min3A_325 = arith.constant dense<0x7F800000> : vector<256xf32>
      %reduce_min3A_326 = vector.multi_reduction <minimumf>, %select_n3A_324, %reduce_min3A_325 [1] : vector<256x1536xf32> to vector<256xf32>
      %broadcast_in_dim3A_327 = vector.shape_cast %reduce_min3A_326 : vector<256xf32> to vector<256x1xf32>
      %eq3A_328 = vector.broadcast %broadcast_in_dim3A_327 : vector<256x1xf32> to vector<256x1536xf32>
      %eq3A_329 = arith.cmpf oeq, %select_n3A_324, %eq3A_328 : vector<256x1536xf32>
      %jit3A_330 = arith.constant 1073741824 : i32
      %broadcast_in_dim3A_331 = vector.broadcast %jit3A_330 : i32 to vector<256x1536xi32>
      %select_n3A_332 = arith.select %eq3A_329, %concatenate3A_104, %broadcast_in_dim3A_331 : vector<256x1536xi1>, vector<256x1536xi32>
      %reduce_min3A_333 = arith.constant dense<2147483647> : vector<256xi32>
      %reduce_min3A_334 = vector.multi_reduction <minsi>, %select_n3A_332, %reduce_min3A_333 [1] : vector<256x1536xi32> to vector<256xi32>
      %broadcast_in_dim3A_335 = vector.shape_cast %reduce_min3A_334 : vector<256xi32> to vector<256x1xi32>
      %eq3A_336 = vector.broadcast %broadcast_in_dim3A_335 : vector<256x1xi32> to vector<256x1536xi32>
      %eq3A_337 = arith.cmpi eq, %concatenate3A_104, %eq3A_336 : vector<256x1536xi32>
      %and3A_338 = arith.andi %eq3A_329, %eq3A_337 : vector<256x1536xi1>
      %jit3A_339 = arith.constant 0x7F800000 : f32
      %broadcast_in_dim3A_340 = vector.broadcast %jit3A_339 : f32 to vector<256x1536xf32>
      %select_n3A_341 = arith.select %and3A_338, %broadcast_in_dim3A_340, %select_n3A_324 : vector<256x1536xi1>, vector<256x1536xf32>
      %reduce_min3A_342 = arith.constant dense<0x7F800000> : vector<256xf32>
      %reduce_min3A_343 = vector.multi_reduction <minimumf>, %select_n3A_341, %reduce_min3A_342 [1] : vector<256x1536xf32> to vector<256xf32>
      %broadcast_in_dim3A_344 = vector.shape_cast %reduce_min3A_343 : vector<256xf32> to vector<256x1xf32>
      %eq3A_345 = vector.broadcast %broadcast_in_dim3A_344 : vector<256x1xf32> to vector<256x1536xf32>
      %eq3A_346 = arith.cmpf oeq, %select_n3A_341, %eq3A_345 : vector<256x1536xf32>
      %jit3A_347 = arith.constant 1073741824 : i32
      %broadcast_in_dim3A_348 = vector.broadcast %jit3A_347 : i32 to vector<256x1536xi32>
      %select_n3A_349 = arith.select %eq3A_346, %concatenate3A_104, %broadcast_in_dim3A_348 : vector<256x1536xi1>, vector<256x1536xi32>
      %reduce_min3A_350 = arith.constant dense<2147483647> : vector<256xi32>
      %reduce_min3A_351 = vector.multi_reduction <minsi>, %select_n3A_349, %reduce_min3A_350 [1] : vector<256x1536xi32> to vector<256xi32>
      %broadcast_in_dim3A_352 = vector.shape_cast %reduce_min3A_351 : vector<256xi32> to vector<256x1xi32>
      %eq3A_353 = vector.broadcast %broadcast_in_dim3A_352 : vector<256x1xi32> to vector<256x1536xi32>
      %eq3A_354 = arith.cmpi eq, %concatenate3A_104, %eq3A_353 : vector<256x1536xi32>
      %and3A_355 = arith.andi %eq3A_346, %eq3A_354 : vector<256x1536xi1>
      %jit3A_356 = arith.constant 0x7F800000 : f32
      %broadcast_in_dim3A_357 = vector.broadcast %jit3A_356 : f32 to vector<256x1536xf32>
      %select_n3A_358 = arith.select %and3A_355, %broadcast_in_dim3A_357, %select_n3A_341 : vector<256x1536xi1>, vector<256x1536xf32>
      %reduce_min3A_359 = arith.constant dense<0x7F800000> : vector<256xf32>
      %reduce_min3A_360 = vector.multi_reduction <minimumf>, %select_n3A_358, %reduce_min3A_359 [1] : vector<256x1536xf32> to vector<256xf32>
      %broadcast_in_dim3A_361 = vector.shape_cast %reduce_min3A_360 : vector<256xf32> to vector<256x1xf32>
      %eq3A_362 = vector.broadcast %broadcast_in_dim3A_361 : vector<256x1xf32> to vector<256x1536xf32>
      %eq3A_363 = arith.cmpf oeq, %select_n3A_358, %eq3A_362 : vector<256x1536xf32>
      %jit3A_364 = arith.constant 1073741824 : i32
      %broadcast_in_dim3A_365 = vector.broadcast %jit3A_364 : i32 to vector<256x1536xi32>
      %select_n3A_366 = arith.select %eq3A_363, %concatenate3A_104, %broadcast_in_dim3A_365 : vector<256x1536xi1>, vector<256x1536xi32>
      %reduce_min3A_367 = arith.constant dense<2147483647> : vector<256xi32>
      %reduce_min3A_368 = vector.multi_reduction <minsi>, %select_n3A_366, %reduce_min3A_367 [1] : vector<256x1536xi32> to vector<256xi32>
      %broadcast_in_dim3A_369 = vector.shape_cast %reduce_min3A_368 : vector<256xi32> to vector<256x1xi32>
      %concatenate3A_370 = tpu.concatenate %broadcast_in_dim3A_115, %broadcast_in_dim3A_131, %broadcast_in_dim3A_148, %broadcast_in_dim3A_165, %broadcast_in_dim3A_182, %broadcast_in_dim3A_199, %broadcast_in_dim3A_216, %broadcast_in_dim3A_233, %broadcast_in_dim3A_250, %broadcast_in_dim3A_267, %broadcast_in_dim3A_284, %broadcast_in_dim3A_301, %broadcast_in_dim3A_318, %broadcast_in_dim3A_335, %broadcast_in_dim3A_352, %broadcast_in_dim3A_369 in 1 : vector<256x1xi32>, vector<256x1xi32>, vector<256x1xi32>, vector<256x1xi32>, vector<256x1xi32>, vector<256x1xi32>, vector<256x1xi32>, vector<256x1xi32>, vector<256x1xi32>, vector<256x1xi32>, vector<256x1xi32>, vector<256x1xi32>, vector<256x1xi32>, vector<256x1xi32>, vector<256x1xi32>, vector<256x1xi32> -> vector<256x16xi32>
      %swap3A_371 = arith.constant 0 : index
      %swap3A_372 = arith.constant 0 : index
      %swap3A_373 = vector.load %arg8[%swap3A_371, %swap3A_372] : memref<256x16xi32, #tpu.memory_space<vmem>>, vector<256x16xi32>
      tpu.vector_store %arg8[%swap3A_371, %swap3A_372], %concatenate3A_370 {strides = array<i32>} : memref<256x16xi32, #tpu.memory_space<vmem>>, vector<256x16xi32>,
    } else {
    }
    %sub3A_38 = arith.subi %add3A_32, %multiple_of3A : i32
    %gt3A = arith.constant 1408 : i32
    %gt3A_39 = arith.cmpi sgt, %sub3A_38, %gt3A : i32
    %convert_element_type3A_40 = arith.extui %gt3A_39 : i1 to i32
    %cond3A_41 = arith.constant 0 : i32
    %cond3A_42 = arith.cmpi ne, %convert_element_type3A_40, %cond3A_41 : i32
    scf.if %cond3A_42 {
      %get3A_68 = arith.constant 0 : index
      %get3A_69 = arith.constant 0 : index
      %get3A_70 = vector.load %arg2[%get3A_68, %get3A_69] : memref<3x4096xf32, #tpu.memory_space<vmem>>, vector<3x4096xf32>
      %dot_general3A_71 = arith.constant dense<0.000000e+00> : vector<256x4096xf32>
      %dot_general3A_72 = tpu.matmul %get3A_1, %get3A_70, %dot_general3A_71 {dimension_numbers = #tpu.dot_dimension_numbers<[1], [0], [0], [1], [0, 0, 1, 1], [], []>, transpose_lhs_hint = false} : vector<256x3xf32>, vector<3x4096xf32>, vector<256x4096xf32> -> vector<256x4096xf32>
      %mul3A_73 = arith.mulf %get3A_70, %get3A_70 : vector<3x4096xf32>
      %reduce_sum3A_74 = arith.constant dense<0.000000e+00> : vector<4096xf32>
      %reduce_sum3A_75 = vector.multi_reduction <add>, %mul3A_73, %reduce_sum3A_74 [0] : vector<3x4096xf32> to vector<4096xf32>
      %broadcast_in_dim3A_76 = vector.shape_cast %reduce_sum3A_75 : vector<4096xf32> to vector<1x4096xf32>
      %add3A_77 = vector.broadcast %broadcast_in_dim3A : vector<256x1xf32> to vector<256x4096xf32>
      %add3A_78 = vector.broadcast %broadcast_in_dim3A_76 : vector<1x4096xf32> to vector<256x4096xf32>
      %add3A_79 = arith.addf %add3A_77, %add3A_78 : vector<256x4096xf32>
      %mul3A_80 = arith.constant 2.000000e+00 : f32
      %mul3A_81 = vector.broadcast %mul3A_80 : f32 to vector<256x4096xf32>
      %mul3A_82 = arith.mulf %mul3A_81, %dot_general3A_72 : vector<256x4096xf32>
      %sub3A_83 = arith.subf %add3A_79, %mul3A_82 : vector<256x4096xf32>
      %ne3A = vector.broadcast %get3A_4 : vector<256x1xf32> to vector<256x4096xf32>
      %ne3A_84 = vector.broadcast %get3A_7 : vector<1x4096xf32> to vector<256x4096xf32>
      %ne3A_85 = arith.cmpf one, %ne3A, %ne3A_84 : vector<256x4096xf32>
      %jit3A_86 = arith.constant 1.000000e+30 : f32
      %broadcast_in_dim3A_87 = vector.broadcast %jit3A_86 : f32 to vector<256x4096xf32>
      %select_n3A_88 = arith.select %ne3A_85, %broadcast_in_dim3A_87, %sub3A_83 : vector<256x4096xi1>, vector<256x4096xf32>
      %iota3A_89 = tpu.iota {dimensions = array<i32: 1>} : vector<256x4096xi32>
      %reduce_min3A_90 = arith.constant dense<0x7F800000> : vector<256xf32>
      %reduce_min3A_91 = vector.multi_reduction <minimumf>, %select_n3A_88, %reduce_min3A_90 [1] : vector<256x4096xf32> to vector<256xf32>
      %broadcast_in_dim3A_92 = vector.shape_cast %reduce_min3A_91 : vector<256xf32> to vector<256x1xf32>
      %eq3A_93 = vector.broadcast %broadcast_in_dim3A_92 : vector<256x1xf32> to vector<256x4096xf32>
      %eq3A_94 = arith.cmpf oeq, %select_n3A_88, %eq3A_93 : vector<256x4096xf32>
      %jit3A_95 = arith.constant 4096 : i32
      %broadcast_in_dim3A_96 = vector.broadcast %jit3A_95 : i32 to vector<256x4096xi32>
      %select_n3A_97 = arith.select %eq3A_94, %iota3A_89, %broadcast_in_dim3A_96 : vector<256x4096xi1>, vector<256x4096xi32>
      %reduce_min3A_98 = arith.constant dense<2147483647> : vector<256xi32>
      %reduce_min3A_99 = vector.multi_reduction <minsi>, %select_n3A_97, %reduce_min3A_98 [1] : vector<256x4096xi32> to vector<256xi32>
      %broadcast_in_dim3A_100 = vector.shape_cast %reduce_min3A_99 : vector<256xi32> to vector<256x1xi32>
      %eq3A_101 = vector.broadcast %broadcast_in_dim3A_100 : vector<256x1xi32> to vector<256x4096xi32>
      %eq3A_102 = arith.cmpi eq, %iota3A_89, %eq3A_101 : vector<256x4096xi32>
      %jit3A_103 = arith.constant 0x7F800000 : f32
      %broadcast_in_dim3A_104 = vector.broadcast %jit3A_103 : f32 to vector<256x4096xf32>
      %select_n3A_105 = arith.select %eq3A_102, %broadcast_in_dim3A_104, %select_n3A_88 : vector<256x4096xi1>, vector<256x4096xf32>
      %reduce_min3A_106 = arith.constant dense<0x7F800000> : vector<256xf32>
      %reduce_min3A_107 = vector.multi_reduction <minimumf>, %select_n3A_105, %reduce_min3A_106 [1] : vector<256x4096xf32> to vector<256xf32>
      %broadcast_in_dim3A_108 = vector.shape_cast %reduce_min3A_107 : vector<256xf32> to vector<256x1xf32>
      %eq3A_109 = vector.broadcast %broadcast_in_dim3A_108 : vector<256x1xf32> to vector<256x4096xf32>
      %eq3A_110 = arith.cmpf oeq, %select_n3A_105, %eq3A_109 : vector<256x4096xf32>
      %jit3A_111 = arith.constant 4096 : i32
      %broadcast_in_dim3A_112 = vector.broadcast %jit3A_111 : i32 to vector<256x4096xi32>
      %select_n3A_113 = arith.select %eq3A_110, %iota3A_89, %broadcast_in_dim3A_112 : vector<256x4096xi1>, vector<256x4096xi32>
      %reduce_min3A_114 = arith.constant dense<2147483647> : vector<256xi32>
      %reduce_min3A_115 = vector.multi_reduction <minsi>, %select_n3A_113, %reduce_min3A_114 [1] : vector<256x4096xi32> to vector<256xi32>
      %broadcast_in_dim3A_116 = vector.shape_cast %reduce_min3A_115 : vector<256xi32> to vector<256x1xi32>
      %eq3A_117 = vector.broadcast %broadcast_in_dim3A_116 : vector<256x1xi32> to vector<256x4096xi32>
      %eq3A_118 = arith.cmpi eq, %iota3A_89, %eq3A_117 : vector<256x4096xi32>
      %jit3A_119 = arith.constant 0x7F800000 : f32
      %broadcast_in_dim3A_120 = vector.broadcast %jit3A_119 : f32 to vector<256x4096xf32>
      %select_n3A_121 = arith.select %eq3A_118, %broadcast_in_dim3A_120, %select_n3A_105 : vector<256x4096xi1>, vector<256x4096xf32>
      %reduce_min3A_122 = arith.constant dense<0x7F800000> : vector<256xf32>
      %reduce_min3A_123 = vector.multi_reduction <minimumf>, %select_n3A_121, %reduce_min3A_122 [1] : vector<256x4096xf32> to vector<256xf32>
      %broadcast_in_dim3A_124 = vector.shape_cast %reduce_min3A_123 : vector<256xf32> to vector<256x1xf32>
      %eq3A_125 = vector.broadcast %broadcast_in_dim3A_124 : vector<256x1xf32> to vector<256x4096xf32>
      %eq3A_126 = arith.cmpf oeq, %select_n3A_121, %eq3A_125 : vector<256x4096xf32>
      %jit3A_127 = arith.constant 4096 : i32
      %broadcast_in_dim3A_128 = vector.broadcast %jit3A_127 : i32 to vector<256x4096xi32>
      %select_n3A_129 = arith.select %eq3A_126, %iota3A_89, %broadcast_in_dim3A_128 : vector<256x4096xi1>, vector<256x4096xi32>
      %reduce_min3A_130 = arith.constant dense<2147483647> : vector<256xi32>
      %reduce_min3A_131 = vector.multi_reduction <minsi>, %select_n3A_129, %reduce_min3A_130 [1] : vector<256x4096xi32> to vector<256xi32>
      %broadcast_in_dim3A_132 = vector.shape_cast %reduce_min3A_131 : vector<256xi32> to vector<256x1xi32>
      %eq3A_133 = vector.broadcast %broadcast_in_dim3A_132 : vector<256x1xi32> to vector<256x4096xi32>
      %eq3A_134 = arith.cmpi eq, %iota3A_89, %eq3A_133 : vector<256x4096xi32>
      %jit3A_135 = arith.constant 0x7F800000 : f32
      %broadcast_in_dim3A_136 = vector.broadcast %jit3A_135 : f32 to vector<256x4096xf32>
      %select_n3A_137 = arith.select %eq3A_134, %broadcast_in_dim3A_136, %select_n3A_121 : vector<256x4096xi1>, vector<256x4096xf32>
      %reduce_min3A_138 = arith.constant dense<0x7F800000> : vector<256xf32>
      %reduce_min3A_139 = vector.multi_reduction <minimumf>, %select_n3A_137, %reduce_min3A_138 [1] : vector<256x4096xf32> to vector<256xf32>
      %broadcast_in_dim3A_140 = vector.shape_cast %reduce_min3A_139 : vector<256xf32> to vector<256x1xf32>
      %eq3A_141 = vector.broadcast %broadcast_in_dim3A_140 : vector<256x1xf32> to vector<256x4096xf32>
      %eq3A_142 = arith.cmpf oeq, %select_n3A_137, %eq3A_141 : vector<256x4096xf32>
      %jit3A_143 = arith.constant 4096 : i32
      %broadcast_in_dim3A_144 = vector.broadcast %jit3A_143 : i32 to vector<256x4096xi32>
      %select_n3A_145 = arith.select %eq3A_142, %iota3A_89, %broadcast_in_dim3A_144 : vector<256x4096xi1>, vector<256x4096xi32>
      %reduce_min3A_146 = arith.constant dense<2147483647> : vector<256xi32>
      %reduce_min3A_147 = vector.multi_reduction <minsi>, %select_n3A_145, %reduce_min3A_146 [1] : vector<256x4096xi32> to vector<256xi32>
      %broadcast_in_dim3A_148 = vector.shape_cast %reduce_min3A_147 : vector<256xi32> to vector<256x1xi32>
      %eq3A_149 = vector.broadcast %broadcast_in_dim3A_148 : vector<256x1xi32> to vector<256x4096xi32>
      %eq3A_150 = arith.cmpi eq, %iota3A_89, %eq3A_149 : vector<256x4096xi32>
      %jit3A_151 = arith.constant 0x7F800000 : f32
      %broadcast_in_dim3A_152 = vector.broadcast %jit3A_151 : f32 to vector<256x4096xf32>
      %select_n3A_153 = arith.select %eq3A_150, %broadcast_in_dim3A_152, %select_n3A_137 : vector<256x4096xi1>, vector<256x4096xf32>
      %reduce_min3A_154 = arith.constant dense<0x7F800000> : vector<256xf32>
      %reduce_min3A_155 = vector.multi_reduction <minimumf>, %select_n3A_153, %reduce_min3A_154 [1] : vector<256x4096xf32> to vector<256xf32>
      %broadcast_in_dim3A_156 = vector.shape_cast %reduce_min3A_155 : vector<256xf32> to vector<256x1xf32>
      %eq3A_157 = vector.broadcast %broadcast_in_dim3A_156 : vector<256x1xf32> to vector<256x4096xf32>
      %eq3A_158 = arith.cmpf oeq, %select_n3A_153, %eq3A_157 : vector<256x4096xf32>
      %jit3A_159 = arith.constant 4096 : i32
      %broadcast_in_dim3A_160 = vector.broadcast %jit3A_159 : i32 to vector<256x4096xi32>
      %select_n3A_161 = arith.select %eq3A_158, %iota3A_89, %broadcast_in_dim3A_160 : vector<256x4096xi1>, vector<256x4096xi32>
      %reduce_min3A_162 = arith.constant dense<2147483647> : vector<256xi32>
      %reduce_min3A_163 = vector.multi_reduction <minsi>, %select_n3A_161, %reduce_min3A_162 [1] : vector<256x4096xi32> to vector<256xi32>
      %broadcast_in_dim3A_164 = vector.shape_cast %reduce_min3A_163 : vector<256xi32> to vector<256x1xi32>
      %eq3A_165 = vector.broadcast %broadcast_in_dim3A_164 : vector<256x1xi32> to vector<256x4096xi32>
      %eq3A_166 = arith.cmpi eq, %iota3A_89, %eq3A_165 : vector<256x4096xi32>
      %jit3A_167 = arith.constant 0x7F800000 : f32
      %broadcast_in_dim3A_168 = vector.broadcast %jit3A_167 : f32 to vector<256x4096xf32>
      %select_n3A_169 = arith.select %eq3A_166, %broadcast_in_dim3A_168, %select_n3A_153 : vector<256x4096xi1>, vector<256x4096xf32>
      %reduce_min3A_170 = arith.constant dense<0x7F800000> : vector<256xf32>
      %reduce_min3A_171 = vector.multi_reduction <minimumf>, %select_n3A_169, %reduce_min3A_170 [1] : vector<256x4096xf32> to vector<256xf32>
      %broadcast_in_dim3A_172 = vector.shape_cast %reduce_min3A_171 : vector<256xf32> to vector<256x1xf32>
      %eq3A_173 = vector.broadcast %broadcast_in_dim3A_172 : vector<256x1xf32> to vector<256x4096xf32>
      %eq3A_174 = arith.cmpf oeq, %select_n3A_169, %eq3A_173 : vector<256x4096xf32>
      %jit3A_175 = arith.constant 4096 : i32
      %broadcast_in_dim3A_176 = vector.broadcast %jit3A_175 : i32 to vector<256x4096xi32>
      %select_n3A_177 = arith.select %eq3A_174, %iota3A_89, %broadcast_in_dim3A_176 : vector<256x4096xi1>, vector<256x4096xi32>
      %reduce_min3A_178 = arith.constant dense<2147483647> : vector<256xi32>
      %reduce_min3A_179 = vector.multi_reduction <minsi>, %select_n3A_177, %reduce_min3A_178 [1] : vector<256x4096xi32> to vector<256xi32>
      %broadcast_in_dim3A_180 = vector.shape_cast %reduce_min3A_179 : vector<256xi32> to vector<256x1xi32>
      %eq3A_181 = vector.broadcast %broadcast_in_dim3A_180 : vector<256x1xi32> to vector<256x4096xi32>
      %eq3A_182 = arith.cmpi eq, %iota3A_89, %eq3A_181 : vector<256x4096xi32>
      %jit3A_183 = arith.constant 0x7F800000 : f32
      %broadcast_in_dim3A_184 = vector.broadcast %jit3A_183 : f32 to vector<256x4096xf32>
      %select_n3A_185 = arith.select %eq3A_182, %broadcast_in_dim3A_184, %select_n3A_169 : vector<256x4096xi1>, vector<256x4096xf32>
      %reduce_min3A_186 = arith.constant dense<0x7F800000> : vector<256xf32>
      %reduce_min3A_187 = vector.multi_reduction <minimumf>, %select_n3A_185, %reduce_min3A_186 [1] : vector<256x4096xf32> to vector<256xf32>
      %broadcast_in_dim3A_188 = vector.shape_cast %reduce_min3A_187 : vector<256xf32> to vector<256x1xf32>
      %eq3A_189 = vector.broadcast %broadcast_in_dim3A_188 : vector<256x1xf32> to vector<256x4096xf32>
      %eq3A_190 = arith.cmpf oeq, %select_n3A_185, %eq3A_189 : vector<256x4096xf32>
      %jit3A_191 = arith.constant 4096 : i32
      %broadcast_in_dim3A_192 = vector.broadcast %jit3A_191 : i32 to vector<256x4096xi32>
      %select_n3A_193 = arith.select %eq3A_190, %iota3A_89, %broadcast_in_dim3A_192 : vector<256x4096xi1>, vector<256x4096xi32>
      %reduce_min3A_194 = arith.constant dense<2147483647> : vector<256xi32>
      %reduce_min3A_195 = vector.multi_reduction <minsi>, %select_n3A_193, %reduce_min3A_194 [1] : vector<256x4096xi32> to vector<256xi32>
      %broadcast_in_dim3A_196 = vector.shape_cast %reduce_min3A_195 : vector<256xi32> to vector<256x1xi32>
      %eq3A_197 = vector.broadcast %broadcast_in_dim3A_196 : vector<256x1xi32> to vector<256x4096xi32>
      %eq3A_198 = arith.cmpi eq, %iota3A_89, %eq3A_197 : vector<256x4096xi32>
      %jit3A_199 = arith.constant 0x7F800000 : f32
      %broadcast_in_dim3A_200 = vector.broadcast %jit3A_199 : f32 to vector<256x4096xf32>
      %select_n3A_201 = arith.select %eq3A_198, %broadcast_in_dim3A_200, %select_n3A_185 : vector<256x4096xi1>, vector<256x4096xf32>
      %reduce_min3A_202 = arith.constant dense<0x7F800000> : vector<256xf32>
      %reduce_min3A_203 = vector.multi_reduction <minimumf>, %select_n3A_201, %reduce_min3A_202 [1] : vector<256x4096xf32> to vector<256xf32>
      %broadcast_in_dim3A_204 = vector.shape_cast %reduce_min3A_203 : vector<256xf32> to vector<256x1xf32>
      %eq3A_205 = vector.broadcast %broadcast_in_dim3A_204 : vector<256x1xf32> to vector<256x4096xf32>
      %eq3A_206 = arith.cmpf oeq, %select_n3A_201, %eq3A_205 : vector<256x4096xf32>
      %jit3A_207 = arith.constant 4096 : i32
      %broadcast_in_dim3A_208 = vector.broadcast %jit3A_207 : i32 to vector<256x4096xi32>
      %select_n3A_209 = arith.select %eq3A_206, %iota3A_89, %broadcast_in_dim3A_208 : vector<256x4096xi1>, vector<256x4096xi32>
      %reduce_min3A_210 = arith.constant dense<2147483647> : vector<256xi32>
      %reduce_min3A_211 = vector.multi_reduction <minsi>, %select_n3A_209, %reduce_min3A_210 [1] : vector<256x4096xi32> to vector<256xi32>
      %broadcast_in_dim3A_212 = vector.shape_cast %reduce_min3A_211 : vector<256xi32> to vector<256x1xi32>
      %eq3A_213 = vector.broadcast %broadcast_in_dim3A_212 : vector<256x1xi32> to vector<256x4096xi32>
      %eq3A_214 = arith.cmpi eq, %iota3A_89, %eq3A_213 : vector<256x4096xi32>
      %jit3A_215 = arith.constant 0x7F800000 : f32
      %broadcast_in_dim3A_216 = vector.broadcast %jit3A_215 : f32 to vector<256x4096xf32>
      %select_n3A_217 = arith.select %eq3A_214, %broadcast_in_dim3A_216, %select_n3A_201 : vector<256x4096xi1>, vector<256x4096xf32>
      %reduce_min3A_218 = arith.constant dense<0x7F800000> : vector<256xf32>
      %reduce_min3A_219 = vector.multi_reduction <minimumf>, %select_n3A_217, %reduce_min3A_218 [1] : vector<256x4096xf32> to vector<256xf32>
      %broadcast_in_dim3A_220 = vector.shape_cast %reduce_min3A_219 : vector<256xf32> to vector<256x1xf32>
      %eq3A_221 = vector.broadcast %broadcast_in_dim3A_220 : vector<256x1xf32> to vector<256x4096xf32>
      %eq3A_222 = arith.cmpf oeq, %select_n3A_217, %eq3A_221 : vector<256x4096xf32>
      %jit3A_223 = arith.constant 4096 : i32
      %broadcast_in_dim3A_224 = vector.broadcast %jit3A_223 : i32 to vector<256x4096xi32>
      %select_n3A_225 = arith.select %eq3A_222, %iota3A_89, %broadcast_in_dim3A_224 : vector<256x4096xi1>, vector<256x4096xi32>
      %reduce_min3A_226 = arith.constant dense<2147483647> : vector<256xi32>
      %reduce_min3A_227 = vector.multi_reduction <minsi>, %select_n3A_225, %reduce_min3A_226 [1] : vector<256x4096xi32> to vector<256xi32>
      %broadcast_in_dim3A_228 = vector.shape_cast %reduce_min3A_227 : vector<256xi32> to vector<256x1xi32>
      %eq3A_229 = vector.broadcast %broadcast_in_dim3A_228 : vector<256x1xi32> to vector<256x4096xi32>
      %eq3A_230 = arith.cmpi eq, %iota3A_89, %eq3A_229 : vector<256x4096xi32>
      %jit3A_231 = arith.constant 0x7F800000 : f32
      %broadcast_in_dim3A_232 = vector.broadcast %jit3A_231 : f32 to vector<256x4096xf32>
      %select_n3A_233 = arith.select %eq3A_230, %broadcast_in_dim3A_232, %select_n3A_217 : vector<256x4096xi1>, vector<256x4096xf32>
      %reduce_min3A_234 = arith.constant dense<0x7F800000> : vector<256xf32>
      %reduce_min3A_235 = vector.multi_reduction <minimumf>, %select_n3A_233, %reduce_min3A_234 [1] : vector<256x4096xf32> to vector<256xf32>
      %broadcast_in_dim3A_236 = vector.shape_cast %reduce_min3A_235 : vector<256xf32> to vector<256x1xf32>
      %eq3A_237 = vector.broadcast %broadcast_in_dim3A_236 : vector<256x1xf32> to vector<256x4096xf32>
      %eq3A_238 = arith.cmpf oeq, %select_n3A_233, %eq3A_237 : vector<256x4096xf32>
      %jit3A_239 = arith.constant 4096 : i32
      %broadcast_in_dim3A_240 = vector.broadcast %jit3A_239 : i32 to vector<256x4096xi32>
      %select_n3A_241 = arith.select %eq3A_238, %iota3A_89, %broadcast_in_dim3A_240 : vector<256x4096xi1>, vector<256x4096xi32>
      %reduce_min3A_242 = arith.constant dense<2147483647> : vector<256xi32>
      %reduce_min3A_243 = vector.multi_reduction <minsi>, %select_n3A_241, %reduce_min3A_242 [1] : vector<256x4096xi32> to vector<256xi32>
      %broadcast_in_dim3A_244 = vector.shape_cast %reduce_min3A_243 : vector<256xi32> to vector<256x1xi32>
      %eq3A_245 = vector.broadcast %broadcast_in_dim3A_244 : vector<256x1xi32> to vector<256x4096xi32>
      %eq3A_246 = arith.cmpi eq, %iota3A_89, %eq3A_245 : vector<256x4096xi32>
      %jit3A_247 = arith.constant 0x7F800000 : f32
      %broadcast_in_dim3A_248 = vector.broadcast %jit3A_247 : f32 to vector<256x4096xf32>
      %select_n3A_249 = arith.select %eq3A_246, %broadcast_in_dim3A_248, %select_n3A_233 : vector<256x4096xi1>, vector<256x4096xf32>
      %reduce_min3A_250 = arith.constant dense<0x7F800000> : vector<256xf32>
      %reduce_min3A_251 = vector.multi_reduction <minimumf>, %select_n3A_249, %reduce_min3A_250 [1] : vector<256x4096xf32> to vector<256xf32>
      %broadcast_in_dim3A_252 = vector.shape_cast %reduce_min3A_251 : vector<256xf32> to vector<256x1xf32>
      %eq3A_253 = vector.broadcast %broadcast_in_dim3A_252 : vector<256x1xf32> to vector<256x4096xf32>
      %eq3A_254 = arith.cmpf oeq, %select_n3A_249, %eq3A_253 : vector<256x4096xf32>
      %jit3A_255 = arith.constant 4096 : i32
      %broadcast_in_dim3A_256 = vector.broadcast %jit3A_255 : i32 to vector<256x4096xi32>
      %select_n3A_257 = arith.select %eq3A_254, %iota3A_89, %broadcast_in_dim3A_256 : vector<256x4096xi1>, vector<256x4096xi32>
      %reduce_min3A_258 = arith.constant dense<2147483647> : vector<256xi32>
      %reduce_min3A_259 = vector.multi_reduction <minsi>, %select_n3A_257, %reduce_min3A_258 [1] : vector<256x4096xi32> to vector<256xi32>
      %broadcast_in_dim3A_260 = vector.shape_cast %reduce_min3A_259 : vector<256xi32> to vector<256x1xi32>
      %eq3A_261 = vector.broadcast %broadcast_in_dim3A_260 : vector<256x1xi32> to vector<256x4096xi32>
      %eq3A_262 = arith.cmpi eq, %iota3A_89, %eq3A_261 : vector<256x4096xi32>
      %jit3A_263 = arith.constant 0x7F800000 : f32
      %broadcast_in_dim3A_264 = vector.broadcast %jit3A_263 : f32 to vector<256x4096xf32>
      %select_n3A_265 = arith.select %eq3A_262, %broadcast_in_dim3A_264, %select_n3A_249 : vector<256x4096xi1>, vector<256x4096xf32>
      %reduce_min3A_266 = arith.constant dense<0x7F800000> : vector<256xf32>
      %reduce_min3A_267 = vector.multi_reduction <minimumf>, %select_n3A_265, %reduce_min3A_266 [1] : vector<256x4096xf32> to vector<256xf32>
      %broadcast_in_dim3A_268 = vector.shape_cast %reduce_min3A_267 : vector<256xf32> to vector<256x1xf32>
      %eq3A_269 = vector.broadcast %broadcast_in_dim3A_268 : vector<256x1xf32> to vector<256x4096xf32>
      %eq3A_270 = arith.cmpf oeq, %select_n3A_265, %eq3A_269 : vector<256x4096xf32>
      %jit3A_271 = arith.constant 4096 : i32
      %broadcast_in_dim3A_272 = vector.broadcast %jit3A_271 : i32 to vector<256x4096xi32>
      %select_n3A_273 = arith.select %eq3A_270, %iota3A_89, %broadcast_in_dim3A_272 : vector<256x4096xi1>, vector<256x4096xi32>
      %reduce_min3A_274 = arith.constant dense<2147483647> : vector<256xi32>
      %reduce_min3A_275 = vector.multi_reduction <minsi>, %select_n3A_273, %reduce_min3A_274 [1] : vector<256x4096xi32> to vector<256xi32>
      %broadcast_in_dim3A_276 = vector.shape_cast %reduce_min3A_275 : vector<256xi32> to vector<256x1xi32>
      %eq3A_277 = vector.broadcast %broadcast_in_dim3A_276 : vector<256x1xi32> to vector<256x4096xi32>
      %eq3A_278 = arith.cmpi eq, %iota3A_89, %eq3A_277 : vector<256x4096xi32>
      %jit3A_279 = arith.constant 0x7F800000 : f32
      %broadcast_in_dim3A_280 = vector.broadcast %jit3A_279 : f32 to vector<256x4096xf32>
      %select_n3A_281 = arith.select %eq3A_278, %broadcast_in_dim3A_280, %select_n3A_265 : vector<256x4096xi1>, vector<256x4096xf32>
      %reduce_min3A_282 = arith.constant dense<0x7F800000> : vector<256xf32>
      %reduce_min3A_283 = vector.multi_reduction <minimumf>, %select_n3A_281, %reduce_min3A_282 [1] : vector<256x4096xf32> to vector<256xf32>
      %broadcast_in_dim3A_284 = vector.shape_cast %reduce_min3A_283 : vector<256xf32> to vector<256x1xf32>
      %eq3A_285 = vector.broadcast %broadcast_in_dim3A_284 : vector<256x1xf32> to vector<256x4096xf32>
      %eq3A_286 = arith.cmpf oeq, %select_n3A_281, %eq3A_285 : vector<256x4096xf32>
      %jit3A_287 = arith.constant 4096 : i32
      %broadcast_in_dim3A_288 = vector.broadcast %jit3A_287 : i32 to vector<256x4096xi32>
      %select_n3A_289 = arith.select %eq3A_286, %iota3A_89, %broadcast_in_dim3A_288 : vector<256x4096xi1>, vector<256x4096xi32>
      %reduce_min3A_290 = arith.constant dense<2147483647> : vector<256xi32>
      %reduce_min3A_291 = vector.multi_reduction <minsi>, %select_n3A_289, %reduce_min3A_290 [1] : vector<256x4096xi32> to vector<256xi32>
      %broadcast_in_dim3A_292 = vector.shape_cast %reduce_min3A_291 : vector<256xi32> to vector<256x1xi32>
      %eq3A_293 = vector.broadcast %broadcast_in_dim3A_292 : vector<256x1xi32> to vector<256x4096xi32>
      %eq3A_294 = arith.cmpi eq, %iota3A_89, %eq3A_293 : vector<256x4096xi32>
      %jit3A_295 = arith.constant 0x7F800000 : f32
      %broadcast_in_dim3A_296 = vector.broadcast %jit3A_295 : f32 to vector<256x4096xf32>
      %select_n3A_297 = arith.select %eq3A_294, %broadcast_in_dim3A_296, %select_n3A_281 : vector<256x4096xi1>, vector<256x4096xf32>
      %reduce_min3A_298 = arith.constant dense<0x7F800000> : vector<256xf32>
      %reduce_min3A_299 = vector.multi_reduction <minimumf>, %select_n3A_297, %reduce_min3A_298 [1] : vector<256x4096xf32> to vector<256xf32>
      %broadcast_in_dim3A_300 = vector.shape_cast %reduce_min3A_299 : vector<256xf32> to vector<256x1xf32>
      %eq3A_301 = vector.broadcast %broadcast_in_dim3A_300 : vector<256x1xf32> to vector<256x4096xf32>
      %eq3A_302 = arith.cmpf oeq, %select_n3A_297, %eq3A_301 : vector<256x4096xf32>
      %jit3A_303 = arith.constant 4096 : i32
      %broadcast_in_dim3A_304 = vector.broadcast %jit3A_303 : i32 to vector<256x4096xi32>
      %select_n3A_305 = arith.select %eq3A_302, %iota3A_89, %broadcast_in_dim3A_304 : vector<256x4096xi1>, vector<256x4096xi32>
      %reduce_min3A_306 = arith.constant dense<2147483647> : vector<256xi32>
      %reduce_min3A_307 = vector.multi_reduction <minsi>, %select_n3A_305, %reduce_min3A_306 [1] : vector<256x4096xi32> to vector<256xi32>
      %broadcast_in_dim3A_308 = vector.shape_cast %reduce_min3A_307 : vector<256xi32> to vector<256x1xi32>
      %eq3A_309 = vector.broadcast %broadcast_in_dim3A_308 : vector<256x1xi32> to vector<256x4096xi32>
      %eq3A_310 = arith.cmpi eq, %iota3A_89, %eq3A_309 : vector<256x4096xi32>
      %jit3A_311 = arith.constant 0x7F800000 : f32
      %broadcast_in_dim3A_312 = vector.broadcast %jit3A_311 : f32 to vector<256x4096xf32>
      %select_n3A_313 = arith.select %eq3A_310, %broadcast_in_dim3A_312, %select_n3A_297 : vector<256x4096xi1>, vector<256x4096xf32>
      %reduce_min3A_314 = arith.constant dense<0x7F800000> : vector<256xf32>
      %reduce_min3A_315 = vector.multi_reduction <minimumf>, %select_n3A_313, %reduce_min3A_314 [1] : vector<256x4096xf32> to vector<256xf32>
      %broadcast_in_dim3A_316 = vector.shape_cast %reduce_min3A_315 : vector<256xf32> to vector<256x1xf32>
      %eq3A_317 = vector.broadcast %broadcast_in_dim3A_316 : vector<256x1xf32> to vector<256x4096xf32>
      %eq3A_318 = arith.cmpf oeq, %select_n3A_313, %eq3A_317 : vector<256x4096xf32>
      %jit3A_319 = arith.constant 4096 : i32
      %broadcast_in_dim3A_320 = vector.broadcast %jit3A_319 : i32 to vector<256x4096xi32>
      %select_n3A_321 = arith.select %eq3A_318, %iota3A_89, %broadcast_in_dim3A_320 : vector<256x4096xi1>, vector<256x4096xi32>
      %reduce_min3A_322 = arith.constant dense<2147483647> : vector<256xi32>
      %reduce_min3A_323 = vector.multi_reduction <minsi>, %select_n3A_321, %reduce_min3A_322 [1] : vector<256x4096xi32> to vector<256xi32>
      %broadcast_in_dim3A_324 = vector.shape_cast %reduce_min3A_323 : vector<256xi32> to vector<256x1xi32>
      %eq3A_325 = vector.broadcast %broadcast_in_dim3A_324 : vector<256x1xi32> to vector<256x4096xi32>
      %eq3A_326 = arith.cmpi eq, %iota3A_89, %eq3A_325 : vector<256x4096xi32>
      %jit3A_327 = arith.constant 0x7F800000 : f32
      %broadcast_in_dim3A_328 = vector.broadcast %jit3A_327 : f32 to vector<256x4096xf32>
      %select_n3A_329 = arith.select %eq3A_326, %broadcast_in_dim3A_328, %select_n3A_313 : vector<256x4096xi1>, vector<256x4096xf32>
      %reduce_min3A_330 = arith.constant dense<0x7F800000> : vector<256xf32>
      %reduce_min3A_331 = vector.multi_reduction <minimumf>, %select_n3A_329, %reduce_min3A_330 [1] : vector<256x4096xf32> to vector<256xf32>
      %broadcast_in_dim3A_332 = vector.shape_cast %reduce_min3A_331 : vector<256xf32> to vector<256x1xf32>
      %eq3A_333 = vector.broadcast %broadcast_in_dim3A_332 : vector<256x1xf32> to vector<256x4096xf32>
      %eq3A_334 = arith.cmpf oeq, %select_n3A_329, %eq3A_333 : vector<256x4096xf32>
      %jit3A_335 = arith.constant 4096 : i32
      %broadcast_in_dim3A_336 = vector.broadcast %jit3A_335 : i32 to vector<256x4096xi32>
      %select_n3A_337 = arith.select %eq3A_334, %iota3A_89, %broadcast_in_dim3A_336 : vector<256x4096xi1>, vector<256x4096xi32>
      %reduce_min3A_338 = arith.constant dense<2147483647> : vector<256xi32>
      %reduce_min3A_339 = vector.multi_reduction <minsi>, %select_n3A_337, %reduce_min3A_338 [1] : vector<256x4096xi32> to vector<256xi32>
      %broadcast_in_dim3A_340 = vector.shape_cast %reduce_min3A_339 : vector<256xi32> to vector<256x1xi32>
      %concatenate3A_341 = tpu.concatenate %broadcast_in_dim3A_100, %broadcast_in_dim3A_116, %broadcast_in_dim3A_132, %broadcast_in_dim3A_148, %broadcast_in_dim3A_164, %broadcast_in_dim3A_180, %broadcast_in_dim3A_196, %broadcast_in_dim3A_212, %broadcast_in_dim3A_228, %broadcast_in_dim3A_244, %broadcast_in_dim3A_260, %broadcast_in_dim3A_276, %broadcast_in_dim3A_292, %broadcast_in_dim3A_308, %broadcast_in_dim3A_324, %broadcast_in_dim3A_340 in 1 : vector<256x1xi32>, vector<256x1xi32>, vector<256x1xi32>, vector<256x1xi32>, vector<256x1xi32>, vector<256x1xi32>, vector<256x1xi32>, vector<256x1xi32>, vector<256x1xi32>, vector<256x1xi32>, vector<256x1xi32>, vector<256x1xi32>, vector<256x1xi32>, vector<256x1xi32>, vector<256x1xi32>, vector<256x1xi32> -> vector<256x16xi32>
      %swap3A_342 = arith.constant 0 : index
      %swap3A_343 = arith.constant 0 : index
      %swap3A_344 = vector.load %arg8[%swap3A_342, %swap3A_343] : memref<256x16xi32, #tpu.memory_space<vmem>>, vector<256x16xi32>
      tpu.vector_store %arg8[%swap3A_342, %swap3A_343], %concatenate3A_341 {strides = array<i32>} : memref<256x16xi32, #tpu.memory_space<vmem>>, vector<256x16xi32>,
    } else {
    }
    %get3A_43 = arith.constant 0 : index
    %get3A_44 = arith.constant 0 : index
    %get3A_45 = vector.load %arg6[%get3A_43, %get3A_44] : memref<3x32xf32, #tpu.memory_space<vmem>>, vector<3x32xf32>
    %get3A_46 = arith.constant 0 : index
    %get3A_47 = arith.constant 0 : index
    %get3A_48 = vector.load %arg5[%get3A_46, %get3A_47] : memref<3x32xf32, #tpu.memory_space<vmem>>, vector<3x32xf32>
    %add3A_49 = arith.addf %get3A_48, %get3A_45 : vector<3x32xf32>
    %dot_general3A = arith.constant dense<0.000000e+00> : vector<256x32xf32>
    %dot_general3A_50 = tpu.matmul %get3A_1, %add3A_49, %dot_general3A {dimension_numbers = #tpu.dot_dimension_numbers<[1], [0], [0], [1], [0, 0, 1, 1], [], []>, transpose_lhs_hint = false} : vector<256x3xf32>, vector<3x32xf32>, vector<256x32xf32> -> vector<256x32xf32>
    %broadcast_in_dim3A_51 = arith.constant 0.000000e+00 : f32
    %broadcast_in_dim3A_52 = vector.broadcast %broadcast_in_dim3A_51 : f32 to vector<256x96xf32>
    %concatenate3A = tpu.concatenate %dot_general3A_50, %broadcast_in_dim3A_52 in 1 : vector<256x32xf32>, vector<256x96xf32> -> vector<256x128xf32>
    %swap3A = arith.constant 0 : index
    %swap3A_53 = arith.constant 0 : index
    %swap3A_54 = vector.load %arg9[%swap3A, %swap3A_53] : memref<256x128xf32, #tpu.memory_space<vmem>>, vector<256x128xf32>
    tpu.vector_store %arg9[%swap3A, %swap3A_53], %concatenate3A {strides = array<i32>} : memref<256x128xf32, #tpu.memory_space<vmem>>, vector<256x128xf32>,
    %dot_general3A_55 = arith.constant dense<0.000000e+00> : vector<256x32xf32>
    %dot_general3A_56 = tpu.matmul %get3A_1, %get3A_45, %dot_general3A_55 {dimension_numbers = #tpu.dot_dimension_numbers<[1], [0], [0], [1], [0, 0, 1, 1], [], []>, transpose_lhs_hint = false} : vector<256x3xf32>, vector<3x32xf32>, vector<256x32xf32> -> vector<256x32xf32>
    %swap3A_57 = arith.constant 0 : index
    %swap3A_58 = arith.constant 0 : index
    %swap3A_59 = vector.load %arg10[%swap3A_57, %swap3A_58] : memref<256x32xf32, #tpu.memory_space<vmem>>, vector<256x32xf32>
    tpu.vector_store %arg10[%swap3A_57, %swap3A_58], %dot_general3A_56 {strides = array<i32>} : memref<256x32xf32, #tpu.memory_space<vmem>>, vector<256x32xf32>,
    %get3A_60 = arith.constant 0 : index
    %get3A_61 = arith.constant 0 : index
    %get3A_62 = vector.load %arg7[%get3A_60, %get3A_61] : memref<3x32xf32, #tpu.memory_space<vmem>>, vector<3x32xf32>
    %dot_general3A_63 = arith.constant dense<0.000000e+00> : vector<256x32xf32>
    %dot_general3A_64 = tpu.matmul %get3A_1, %get3A_62, %dot_general3A_63 {dimension_numbers = #tpu.dot_dimension_numbers<[1], [0], [0], [1], [0, 0, 1, 1], [], []>, transpose_lhs_hint = false} : vector<256x3xf32>, vector<3x32xf32>, vector<256x32xf32> -> vector<256x32xf32>
    %swap3A_65 = arith.constant 0 : index
    %swap3A_66 = arith.constant 0 : index
    %swap3A_67 = vector.load %arg11[%swap3A_65, %swap3A_66] : memref<256x32xf32, #tpu.memory_space<vmem>>, vector<256x32xf32>
    tpu.vector_store %arg11[%swap3A_65, %swap3A_66], %dot_general3A_64 {strides = array<i32>} : memref<256x32xf32, #tpu.memory_space<vmem>>, vector<256x32xf32>,
    return
  }
  func.func @transform_0(%arg0: i32) -> (i32, i32) {
    %c0_i32 = arith.constant 0 : i32
    %c0_i32_0 = arith.constant 0 : i32
    return %arg0, %c0_i32 : i32, i32
  }
  func.func @transform_1(%arg0: i32) -> (i32, i32) {
    %c0_i32 = arith.constant 0 : i32
    %c0_i32_0 = arith.constant 0 : i32
    %c0_i32_1 = arith.constant 0 : i32
    return %c0_i32, %c0_i32_0 : i32, i32
  }
  func.func @transform_2(%arg0: i32) -> (i32, i32) {
    %c0_i32 = arith.constant 0 : i32
    %c0_i32_0 = arith.constant 0 : i32
    return %arg0, %c0_i32 : i32, i32
  }
  func.func @transform_3(%arg0: i32) -> (i32, i32) {
    %c0_i32 = arith.constant 0 : i32
    %c0_i32_0 = arith.constant 0 : i32
    %c0_i32_1 = arith.constant 0 : i32
    return %c0_i32, %c0_i32_0 : i32, i32
  }
  func.func @transform_4(%arg0: i32) -> (i32, i32) {
    %c0_i32 = arith.constant 0 : i32
    %c0_i32_0 = arith.constant 0 : i32
    %c0_i32_1 = arith.constant 0 : i32
    return %c0_i32, %c0_i32_0 : i32, i32
  }
  func.func @transform_5(%arg0: i32) -> (i32, i32) {
    %c0_i32 = arith.constant 0 : i32
    %c0_i32_0 = arith.constant 0 : i32
    %c0_i32_1 = arith.constant 0 : i32
    return %c0_i32, %c0_i32_0 : i32, i32
  }
  func.func @transform_6(%arg0: i32) -> (i32, i32) {
    %c0_i32 = arith.constant 0 : i32
    %c0_i32_0 = arith.constant 0 : i32
    %c0_i32_1 = arith.constant 0 : i32
    return %c0_i32, %c0_i32_0 : i32, i32
  }
  func.func @transform_7(%arg0: i32) -> (i32, i32) {
    %c0_i32 = arith.constant 0 : i32
    %c0_i32_0 = arith.constant 0 : i32
    return %arg0, %c0_i32 : i32, i32
  }
  func.func @transform_8(%arg0: i32) -> (i32, i32) {
    %c0_i32 = arith.constant 0 : i32
    %c0_i32_0 = arith.constant 0 : i32
    return %arg0, %c0_i32 : i32, i32
  }
  func.func @transform_9(%arg0: i32) -> (i32, i32) {
    %c0_i32 = arith.constant 0 : i32
    %c0_i32_0 = arith.constant 0 : i32
    return %arg0, %c0_i32 : i32, i32
  }
  func.func @transform_10(%arg0: i32) -> (i32, i32) {
    %c0_i32 = arith.constant 0 : i32
    %c0_i32_0 = arith.constant 0 : i32
    return %arg0, %c0_i32 : i32, i32
  }
}

module attributes {stable_mosaic.version = 14 : i64} {
  func.func @_conv1_body(%arg0: i32, %arg1: memref<16x512x128xf32, #tpu.memory_space<vmem>>, %arg2: memref<512x32xf32, #tpu.memory_space<vmem>>, %arg3: memref<512x32xf32, #tpu.memory_space<vmem>>, %arg4: memref<32x32xf32, #tpu.memory_space<vmem>>, %arg5: memref<1x32xf32, #tpu.memory_space<vmem>>, %arg6: memref<1x32xf32, #tpu.memory_space<vmem>>, %arg7: memref<32x32xf32, #tpu.memory_space<vmem>>, %arg8: memref<512x128xf32, #tpu.memory_space<vmem>>) attributes {dimension_semantics = [#tpu.dimension_semantics<arbitrary>], iteration_bounds = array<i64: 8>, scalar_prefetch = 0 : i64, scratch_operands = 0 : i64, tpu.core_type = #tpu.core_type<tc>, window_params = [{transform_indices = @transform_0, window_bounds = array<i64: 16, 512, 128>}, {transform_indices = @transform_1, window_bounds = array<i64: 512, 32>}, {transform_indices = @transform_2, window_bounds = array<i64: 512, 32>}, {pipeline_mode = #tpu.pipeline_mode<synchronous>, transform_indices = @transform_3, window_bounds = array<i64: 32, 32>}, {pipeline_mode = #tpu.pipeline_mode<synchronous>, transform_indices = @transform_4, window_bounds = array<i64: 1, 32>}, {pipeline_mode = #tpu.pipeline_mode<synchronous>, transform_indices = @transform_5, window_bounds = array<i64: 1, 32>}, {pipeline_mode = #tpu.pipeline_mode<synchronous>, transform_indices = @transform_6, window_bounds = array<i64: 32, 32>}, {transform_indices = @transform_7, window_bounds = array<i64: 512, 128>}]} {
    %get3A = arith.constant 0 : index
    %get3A_0 = arith.constant 0 : index
    %get3A_1 = vector.load %arg2[%get3A, %get3A_0] : memref<512x32xf32, #tpu.memory_space<vmem>>, vector<512x32xf32>
    %get3A_2 = arith.constant 0 : index
    %get3A_3 = arith.constant 0 : index
    %get3A_4 = vector.load %arg5[%get3A_2, %get3A_3] : memref<1x32xf32, #tpu.memory_space<vmem>>, vector<1x32xf32>
    %get3A_5 = arith.constant 0 : index
    %get3A_6 = arith.constant 0 : index
    %get3A_7 = vector.load %arg4[%get3A_5, %get3A_6] : memref<32x32xf32, #tpu.memory_space<vmem>>, vector<32x32xf32>
    %broadcast_in_dim3A = arith.constant 0xFF800000 : f32
    %broadcast_in_dim3A_8 = vector.broadcast %broadcast_in_dim3A : f32 to vector<512x32xf32>
    %get3A_9 = arith.constant 0 : index
    %get3A_10 = arith.constant 0 : index
    %get3A_11 = arith.constant 0 : index
    %get3A_12 = vector.load %arg1[%get3A_9, %get3A_10, %get3A_11] : memref<16x512x128xf32, #tpu.memory_space<vmem>>, vector<1x512x128xf32>
    %get3A_13 = vector.shape_cast %get3A_12 : vector<1x512x128xf32> to vector<512x128xf32>
    %slice3A = vector.extract_strided_slice %get3A_13 {offsets = [0, 0], sizes = [512, 32], strides = [1, 1]} : vector<512x128xf32> to vector<512x32xf32>
    %sub3A = arith.subf %slice3A, %get3A_1 : vector<512x32xf32>
    %add3A = vector.broadcast %get3A_4 : vector<1x32xf32> to vector<512x32xf32>
    %add3A_14 = arith.addf %sub3A, %add3A : vector<512x32xf32>
    %max3A = arith.constant 0.000000e+00 : f32
    %max3A_15 = vector.broadcast %max3A : f32 to vector<512x32xf32>
    %max3A_16 = arith.maximumf %add3A_14, %max3A_15 : vector<512x32xf32>
    %dot_general3A = arith.constant dense<0.000000e+00> : vector<512x32xf32>
    %dot_general3A_17 = tpu.matmul %max3A_16, %get3A_7, %dot_general3A {dimension_numbers = #tpu.dot_dimension_numbers<[1], [0], [0], [1], [0, 0, 1, 1], [], []>, transpose_lhs_hint = false} : vector<512x32xf32>, vector<32x32xf32>, vector<512x32xf32> -> vector<512x32xf32>
    %max3A_18 = arith.maximumf %broadcast_in_dim3A_8, %dot_general3A_17 : vector<512x32xf32>
    %get3A_19 = arith.constant 1 : index
    %get3A_20 = arith.constant 0 : index
    %get3A_21 = arith.constant 0 : index
    %get3A_22 = vector.load %arg1[%get3A_19, %get3A_20, %get3A_21] : memref<16x512x128xf32, #tpu.memory_space<vmem>>, vector<1x512x128xf32>
    %get3A_23 = vector.shape_cast %get3A_22 : vector<1x512x128xf32> to vector<512x128xf32>
    %slice3A_24 = vector.extract_strided_slice %get3A_23 {offsets = [0, 0], sizes = [512, 32], strides = [1, 1]} : vector<512x128xf32> to vector<512x32xf32>
    %sub3A_25 = arith.subf %slice3A_24, %get3A_1 : vector<512x32xf32>
    %add3A_26 = vector.broadcast %get3A_4 : vector<1x32xf32> to vector<512x32xf32>
    %add3A_27 = arith.addf %sub3A_25, %add3A_26 : vector<512x32xf32>
    %max3A_28 = arith.constant 0.000000e+00 : f32
    %max3A_29 = vector.broadcast %max3A_28 : f32 to vector<512x32xf32>
    %max3A_30 = arith.maximumf %add3A_27, %max3A_29 : vector<512x32xf32>
    %dot_general3A_31 = arith.constant dense<0.000000e+00> : vector<512x32xf32>
    %dot_general3A_32 = tpu.matmul %max3A_30, %get3A_7, %dot_general3A_31 {dimension_numbers = #tpu.dot_dimension_numbers<[1], [0], [0], [1], [0, 0, 1, 1], [], []>, transpose_lhs_hint = false} : vector<512x32xf32>, vector<32x32xf32>, vector<512x32xf32> -> vector<512x32xf32>
    %max3A_33 = arith.maximumf %max3A_18, %dot_general3A_32 : vector<512x32xf32>
    %get3A_34 = arith.constant 2 : index
    %get3A_35 = arith.constant 0 : index
    %get3A_36 = arith.constant 0 : index
    %get3A_37 = vector.load %arg1[%get3A_34, %get3A_35, %get3A_36] : memref<16x512x128xf32, #tpu.memory_space<vmem>>, vector<1x512x128xf32>
    %get3A_38 = vector.shape_cast %get3A_37 : vector<1x512x128xf32> to vector<512x128xf32>
    %slice3A_39 = vector.extract_strided_slice %get3A_38 {offsets = [0, 0], sizes = [512, 32], strides = [1, 1]} : vector<512x128xf32> to vector<512x32xf32>
    %sub3A_40 = arith.subf %slice3A_39, %get3A_1 : vector<512x32xf32>
    %add3A_41 = vector.broadcast %get3A_4 : vector<1x32xf32> to vector<512x32xf32>
    %add3A_42 = arith.addf %sub3A_40, %add3A_41 : vector<512x32xf32>
    %max3A_43 = arith.constant 0.000000e+00 : f32
    %max3A_44 = vector.broadcast %max3A_43 : f32 to vector<512x32xf32>
    %max3A_45 = arith.maximumf %add3A_42, %max3A_44 : vector<512x32xf32>
    %dot_general3A_46 = arith.constant dense<0.000000e+00> : vector<512x32xf32>
    %dot_general3A_47 = tpu.matmul %max3A_45, %get3A_7, %dot_general3A_46 {dimension_numbers = #tpu.dot_dimension_numbers<[1], [0], [0], [1], [0, 0, 1, 1], [], []>, transpose_lhs_hint = false} : vector<512x32xf32>, vector<32x32xf32>, vector<512x32xf32> -> vector<512x32xf32>
    %max3A_48 = arith.maximumf %max3A_33, %dot_general3A_47 : vector<512x32xf32>
    %get3A_49 = arith.constant 3 : index
    %get3A_50 = arith.constant 0 : index
    %get3A_51 = arith.constant 0 : index
    %get3A_52 = vector.load %arg1[%get3A_49, %get3A_50, %get3A_51] : memref<16x512x128xf32, #tpu.memory_space<vmem>>, vector<1x512x128xf32>
    %get3A_53 = vector.shape_cast %get3A_52 : vector<1x512x128xf32> to vector<512x128xf32>
    %slice3A_54 = vector.extract_strided_slice %get3A_53 {offsets = [0, 0], sizes = [512, 32], strides = [1, 1]} : vector<512x128xf32> to vector<512x32xf32>
    %sub3A_55 = arith.subf %slice3A_54, %get3A_1 : vector<512x32xf32>
    %add3A_56 = vector.broadcast %get3A_4 : vector<1x32xf32> to vector<512x32xf32>
    %add3A_57 = arith.addf %sub3A_55, %add3A_56 : vector<512x32xf32>
    %max3A_58 = arith.constant 0.000000e+00 : f32
    %max3A_59 = vector.broadcast %max3A_58 : f32 to vector<512x32xf32>
    %max3A_60 = arith.maximumf %add3A_57, %max3A_59 : vector<512x32xf32>
    %dot_general3A_61 = arith.constant dense<0.000000e+00> : vector<512x32xf32>
    %dot_general3A_62 = tpu.matmul %max3A_60, %get3A_7, %dot_general3A_61 {dimension_numbers = #tpu.dot_dimension_numbers<[1], [0], [0], [1], [0, 0, 1, 1], [], []>, transpose_lhs_hint = false} : vector<512x32xf32>, vector<32x32xf32>, vector<512x32xf32> -> vector<512x32xf32>
    %max3A_63 = arith.maximumf %max3A_48, %dot_general3A_62 : vector<512x32xf32>
    %get3A_64 = arith.constant 4 : index
    %get3A_65 = arith.constant 0 : index
    %get3A_66 = arith.constant 0 : index
    %get3A_67 = vector.load %arg1[%get3A_64, %get3A_65, %get3A_66] : memref<16x512x128xf32, #tpu.memory_space<vmem>>, vector<1x512x128xf32>
    %get3A_68 = vector.shape_cast %get3A_67 : vector<1x512x128xf32> to vector<512x128xf32>
    %slice3A_69 = vector.extract_strided_slice %get3A_68 {offsets = [0, 0], sizes = [512, 32], strides = [1, 1]} : vector<512x128xf32> to vector<512x32xf32>
    %sub3A_70 = arith.subf %slice3A_69, %get3A_1 : vector<512x32xf32>
    %add3A_71 = vector.broadcast %get3A_4 : vector<1x32xf32> to vector<512x32xf32>
    %add3A_72 = arith.addf %sub3A_70, %add3A_71 : vector<512x32xf32>
    %max3A_73 = arith.constant 0.000000e+00 : f32
    %max3A_74 = vector.broadcast %max3A_73 : f32 to vector<512x32xf32>
    %max3A_75 = arith.maximumf %add3A_72, %max3A_74 : vector<512x32xf32>
    %dot_general3A_76 = arith.constant dense<0.000000e+00> : vector<512x32xf32>
    %dot_general3A_77 = tpu.matmul %max3A_75, %get3A_7, %dot_general3A_76 {dimension_numbers = #tpu.dot_dimension_numbers<[1], [0], [0], [1], [0, 0, 1, 1], [], []>, transpose_lhs_hint = false} : vector<512x32xf32>, vector<32x32xf32>, vector<512x32xf32> -> vector<512x32xf32>
    %max3A_78 = arith.maximumf %max3A_63, %dot_general3A_77 : vector<512x32xf32>
    %get3A_79 = arith.constant 5 : index
    %get3A_80 = arith.constant 0 : index
    %get3A_81 = arith.constant 0 : index
    %get3A_82 = vector.load %arg1[%get3A_79, %get3A_80, %get3A_81] : memref<16x512x128xf32, #tpu.memory_space<vmem>>, vector<1x512x128xf32>
    %get3A_83 = vector.shape_cast %get3A_82 : vector<1x512x128xf32> to vector<512x128xf32>
    %slice3A_84 = vector.extract_strided_slice %get3A_83 {offsets = [0, 0], sizes = [512, 32], strides = [1, 1]} : vector<512x128xf32> to vector<512x32xf32>
    %sub3A_85 = arith.subf %slice3A_84, %get3A_1 : vector<512x32xf32>
    %add3A_86 = vector.broadcast %get3A_4 : vector<1x32xf32> to vector<512x32xf32>
    %add3A_87 = arith.addf %sub3A_85, %add3A_86 : vector<512x32xf32>
    %max3A_88 = arith.constant 0.000000e+00 : f32
    %max3A_89 = vector.broadcast %max3A_88 : f32 to vector<512x32xf32>
    %max3A_90 = arith.maximumf %add3A_87, %max3A_89 : vector<512x32xf32>
    %dot_general3A_91 = arith.constant dense<0.000000e+00> : vector<512x32xf32>
    %dot_general3A_92 = tpu.matmul %max3A_90, %get3A_7, %dot_general3A_91 {dimension_numbers = #tpu.dot_dimension_numbers<[1], [0], [0], [1], [0, 0, 1, 1], [], []>, transpose_lhs_hint = false} : vector<512x32xf32>, vector<32x32xf32>, vector<512x32xf32> -> vector<512x32xf32>
    %max3A_93 = arith.maximumf %max3A_78, %dot_general3A_92 : vector<512x32xf32>
    %get3A_94 = arith.constant 6 : index
    %get3A_95 = arith.constant 0 : index
    %get3A_96 = arith.constant 0 : index
    %get3A_97 = vector.load %arg1[%get3A_94, %get3A_95, %get3A_96] : memref<16x512x128xf32, #tpu.memory_space<vmem>>, vector<1x512x128xf32>
    %get3A_98 = vector.shape_cast %get3A_97 : vector<1x512x128xf32> to vector<512x128xf32>
    %slice3A_99 = vector.extract_strided_slice %get3A_98 {offsets = [0, 0], sizes = [512, 32], strides = [1, 1]} : vector<512x128xf32> to vector<512x32xf32>
    %sub3A_100 = arith.subf %slice3A_99, %get3A_1 : vector<512x32xf32>
    %add3A_101 = vector.broadcast %get3A_4 : vector<1x32xf32> to vector<512x32xf32>
    %add3A_102 = arith.addf %sub3A_100, %add3A_101 : vector<512x32xf32>
    %max3A_103 = arith.constant 0.000000e+00 : f32
    %max3A_104 = vector.broadcast %max3A_103 : f32 to vector<512x32xf32>
    %max3A_105 = arith.maximumf %add3A_102, %max3A_104 : vector<512x32xf32>
    %dot_general3A_106 = arith.constant dense<0.000000e+00> : vector<512x32xf32>
    %dot_general3A_107 = tpu.matmul %max3A_105, %get3A_7, %dot_general3A_106 {dimension_numbers = #tpu.dot_dimension_numbers<[1], [0], [0], [1], [0, 0, 1, 1], [], []>, transpose_lhs_hint = false} : vector<512x32xf32>, vector<32x32xf32>, vector<512x32xf32> -> vector<512x32xf32>
    %max3A_108 = arith.maximumf %max3A_93, %dot_general3A_107 : vector<512x32xf32>
    %get3A_109 = arith.constant 7 : index
    %get3A_110 = arith.constant 0 : index
    %get3A_111 = arith.constant 0 : index
    %get3A_112 = vector.load %arg1[%get3A_109, %get3A_110, %get3A_111] : memref<16x512x128xf32, #tpu.memory_space<vmem>>, vector<1x512x128xf32>
    %get3A_113 = vector.shape_cast %get3A_112 : vector<1x512x128xf32> to vector<512x128xf32>
    %slice3A_114 = vector.extract_strided_slice %get3A_113 {offsets = [0, 0], sizes = [512, 32], strides = [1, 1]} : vector<512x128xf32> to vector<512x32xf32>
    %sub3A_115 = arith.subf %slice3A_114, %get3A_1 : vector<512x32xf32>
    %add3A_116 = vector.broadcast %get3A_4 : vector<1x32xf32> to vector<512x32xf32>
    %add3A_117 = arith.addf %sub3A_115, %add3A_116 : vector<512x32xf32>
    %max3A_118 = arith.constant 0.000000e+00 : f32
    %max3A_119 = vector.broadcast %max3A_118 : f32 to vector<512x32xf32>
    %max3A_120 = arith.maximumf %add3A_117, %max3A_119 : vector<512x32xf32>
    %dot_general3A_121 = arith.constant dense<0.000000e+00> : vector<512x32xf32>
    %dot_general3A_122 = tpu.matmul %max3A_120, %get3A_7, %dot_general3A_121 {dimension_numbers = #tpu.dot_dimension_numbers<[1], [0], [0], [1], [0, 0, 1, 1], [], []>, transpose_lhs_hint = false} : vector<512x32xf32>, vector<32x32xf32>, vector<512x32xf32> -> vector<512x32xf32>
    %max3A_123 = arith.maximumf %max3A_108, %dot_general3A_122 : vector<512x32xf32>
    %get3A_124 = arith.constant 8 : index
    %get3A_125 = arith.constant 0 : index
    %get3A_126 = arith.constant 0 : index
    %get3A_127 = vector.load %arg1[%get3A_124, %get3A_125, %get3A_126] : memref<16x512x128xf32, #tpu.memory_space<vmem>>, vector<1x512x128xf32>
    %get3A_128 = vector.shape_cast %get3A_127 : vector<1x512x128xf32> to vector<512x128xf32>
    %slice3A_129 = vector.extract_strided_slice %get3A_128 {offsets = [0, 0], sizes = [512, 32], strides = [1, 1]} : vector<512x128xf32> to vector<512x32xf32>
    %sub3A_130 = arith.subf %slice3A_129, %get3A_1 : vector<512x32xf32>
    %add3A_131 = vector.broadcast %get3A_4 : vector<1x32xf32> to vector<512x32xf32>
    %add3A_132 = arith.addf %sub3A_130, %add3A_131 : vector<512x32xf32>
    %max3A_133 = arith.constant 0.000000e+00 : f32
    %max3A_134 = vector.broadcast %max3A_133 : f32 to vector<512x32xf32>
    %max3A_135 = arith.maximumf %add3A_132, %max3A_134 : vector<512x32xf32>
    %dot_general3A_136 = arith.constant dense<0.000000e+00> : vector<512x32xf32>
    %dot_general3A_137 = tpu.matmul %max3A_135, %get3A_7, %dot_general3A_136 {dimension_numbers = #tpu.dot_dimension_numbers<[1], [0], [0], [1], [0, 0, 1, 1], [], []>, transpose_lhs_hint = false} : vector<512x32xf32>, vector<32x32xf32>, vector<512x32xf32> -> vector<512x32xf32>
    %max3A_138 = arith.maximumf %max3A_123, %dot_general3A_137 : vector<512x32xf32>
    %get3A_139 = arith.constant 9 : index
    %get3A_140 = arith.constant 0 : index
    %get3A_141 = arith.constant 0 : index
    %get3A_142 = vector.load %arg1[%get3A_139, %get3A_140, %get3A_141] : memref<16x512x128xf32, #tpu.memory_space<vmem>>, vector<1x512x128xf32>
    %get3A_143 = vector.shape_cast %get3A_142 : vector<1x512x128xf32> to vector<512x128xf32>
    %slice3A_144 = vector.extract_strided_slice %get3A_143 {offsets = [0, 0], sizes = [512, 32], strides = [1, 1]} : vector<512x128xf32> to vector<512x32xf32>
    %sub3A_145 = arith.subf %slice3A_144, %get3A_1 : vector<512x32xf32>
    %add3A_146 = vector.broadcast %get3A_4 : vector<1x32xf32> to vector<512x32xf32>
    %add3A_147 = arith.addf %sub3A_145, %add3A_146 : vector<512x32xf32>
    %max3A_148 = arith.constant 0.000000e+00 : f32
    %max3A_149 = vector.broadcast %max3A_148 : f32 to vector<512x32xf32>
    %max3A_150 = arith.maximumf %add3A_147, %max3A_149 : vector<512x32xf32>
    %dot_general3A_151 = arith.constant dense<0.000000e+00> : vector<512x32xf32>
    %dot_general3A_152 = tpu.matmul %max3A_150, %get3A_7, %dot_general3A_151 {dimension_numbers = #tpu.dot_dimension_numbers<[1], [0], [0], [1], [0, 0, 1, 1], [], []>, transpose_lhs_hint = false} : vector<512x32xf32>, vector<32x32xf32>, vector<512x32xf32> -> vector<512x32xf32>
    %max3A_153 = arith.maximumf %max3A_138, %dot_general3A_152 : vector<512x32xf32>
    %get3A_154 = arith.constant 10 : index
    %get3A_155 = arith.constant 0 : index
    %get3A_156 = arith.constant 0 : index
    %get3A_157 = vector.load %arg1[%get3A_154, %get3A_155, %get3A_156] : memref<16x512x128xf32, #tpu.memory_space<vmem>>, vector<1x512x128xf32>
    %get3A_158 = vector.shape_cast %get3A_157 : vector<1x512x128xf32> to vector<512x128xf32>
    %slice3A_159 = vector.extract_strided_slice %get3A_158 {offsets = [0, 0], sizes = [512, 32], strides = [1, 1]} : vector<512x128xf32> to vector<512x32xf32>
    %sub3A_160 = arith.subf %slice3A_159, %get3A_1 : vector<512x32xf32>
    %add3A_161 = vector.broadcast %get3A_4 : vector<1x32xf32> to vector<512x32xf32>
    %add3A_162 = arith.addf %sub3A_160, %add3A_161 : vector<512x32xf32>
    %max3A_163 = arith.constant 0.000000e+00 : f32
    %max3A_164 = vector.broadcast %max3A_163 : f32 to vector<512x32xf32>
    %max3A_165 = arith.maximumf %add3A_162, %max3A_164 : vector<512x32xf32>
    %dot_general3A_166 = arith.constant dense<0.000000e+00> : vector<512x32xf32>
    %dot_general3A_167 = tpu.matmul %max3A_165, %get3A_7, %dot_general3A_166 {dimension_numbers = #tpu.dot_dimension_numbers<[1], [0], [0], [1], [0, 0, 1, 1], [], []>, transpose_lhs_hint = false} : vector<512x32xf32>, vector<32x32xf32>, vector<512x32xf32> -> vector<512x32xf32>
    %max3A_168 = arith.maximumf %max3A_153, %dot_general3A_167 : vector<512x32xf32>
    %get3A_169 = arith.constant 11 : index
    %get3A_170 = arith.constant 0 : index
    %get3A_171 = arith.constant 0 : index
    %get3A_172 = vector.load %arg1[%get3A_169, %get3A_170, %get3A_171] : memref<16x512x128xf32, #tpu.memory_space<vmem>>, vector<1x512x128xf32>
    %get3A_173 = vector.shape_cast %get3A_172 : vector<1x512x128xf32> to vector<512x128xf32>
    %slice3A_174 = vector.extract_strided_slice %get3A_173 {offsets = [0, 0], sizes = [512, 32], strides = [1, 1]} : vector<512x128xf32> to vector<512x32xf32>
    %sub3A_175 = arith.subf %slice3A_174, %get3A_1 : vector<512x32xf32>
    %add3A_176 = vector.broadcast %get3A_4 : vector<1x32xf32> to vector<512x32xf32>
    %add3A_177 = arith.addf %sub3A_175, %add3A_176 : vector<512x32xf32>
    %max3A_178 = arith.constant 0.000000e+00 : f32
    %max3A_179 = vector.broadcast %max3A_178 : f32 to vector<512x32xf32>
    %max3A_180 = arith.maximumf %add3A_177, %max3A_179 : vector<512x32xf32>
    %dot_general3A_181 = arith.constant dense<0.000000e+00> : vector<512x32xf32>
    %dot_general3A_182 = tpu.matmul %max3A_180, %get3A_7, %dot_general3A_181 {dimension_numbers = #tpu.dot_dimension_numbers<[1], [0], [0], [1], [0, 0, 1, 1], [], []>, transpose_lhs_hint = false} : vector<512x32xf32>, vector<32x32xf32>, vector<512x32xf32> -> vector<512x32xf32>
    %max3A_183 = arith.maximumf %max3A_168, %dot_general3A_182 : vector<512x32xf32>
    %get3A_184 = arith.constant 12 : index
    %get3A_185 = arith.constant 0 : index
    %get3A_186 = arith.constant 0 : index
    %get3A_187 = vector.load %arg1[%get3A_184, %get3A_185, %get3A_186] : memref<16x512x128xf32, #tpu.memory_space<vmem>>, vector<1x512x128xf32>
    %get3A_188 = vector.shape_cast %get3A_187 : vector<1x512x128xf32> to vector<512x128xf32>
    %slice3A_189 = vector.extract_strided_slice %get3A_188 {offsets = [0, 0], sizes = [512, 32], strides = [1, 1]} : vector<512x128xf32> to vector<512x32xf32>
    %sub3A_190 = arith.subf %slice3A_189, %get3A_1 : vector<512x32xf32>
    %add3A_191 = vector.broadcast %get3A_4 : vector<1x32xf32> to vector<512x32xf32>
    %add3A_192 = arith.addf %sub3A_190, %add3A_191 : vector<512x32xf32>
    %max3A_193 = arith.constant 0.000000e+00 : f32
    %max3A_194 = vector.broadcast %max3A_193 : f32 to vector<512x32xf32>
    %max3A_195 = arith.maximumf %add3A_192, %max3A_194 : vector<512x32xf32>
    %dot_general3A_196 = arith.constant dense<0.000000e+00> : vector<512x32xf32>
    %dot_general3A_197 = tpu.matmul %max3A_195, %get3A_7, %dot_general3A_196 {dimension_numbers = #tpu.dot_dimension_numbers<[1], [0], [0], [1], [0, 0, 1, 1], [], []>, transpose_lhs_hint = false} : vector<512x32xf32>, vector<32x32xf32>, vector<512x32xf32> -> vector<512x32xf32>
    %max3A_198 = arith.maximumf %max3A_183, %dot_general3A_197 : vector<512x32xf32>
    %get3A_199 = arith.constant 13 : index
    %get3A_200 = arith.constant 0 : index
    %get3A_201 = arith.constant 0 : index
    %get3A_202 = vector.load %arg1[%get3A_199, %get3A_200, %get3A_201] : memref<16x512x128xf32, #tpu.memory_space<vmem>>, vector<1x512x128xf32>
    %get3A_203 = vector.shape_cast %get3A_202 : vector<1x512x128xf32> to vector<512x128xf32>
    %slice3A_204 = vector.extract_strided_slice %get3A_203 {offsets = [0, 0], sizes = [512, 32], strides = [1, 1]} : vector<512x128xf32> to vector<512x32xf32>
    %sub3A_205 = arith.subf %slice3A_204, %get3A_1 : vector<512x32xf32>
    %add3A_206 = vector.broadcast %get3A_4 : vector<1x32xf32> to vector<512x32xf32>
    %add3A_207 = arith.addf %sub3A_205, %add3A_206 : vector<512x32xf32>
    %max3A_208 = arith.constant 0.000000e+00 : f32
    %max3A_209 = vector.broadcast %max3A_208 : f32 to vector<512x32xf32>
    %max3A_210 = arith.maximumf %add3A_207, %max3A_209 : vector<512x32xf32>
    %dot_general3A_211 = arith.constant dense<0.000000e+00> : vector<512x32xf32>
    %dot_general3A_212 = tpu.matmul %max3A_210, %get3A_7, %dot_general3A_211 {dimension_numbers = #tpu.dot_dimension_numbers<[1], [0], [0], [1], [0, 0, 1, 1], [], []>, transpose_lhs_hint = false} : vector<512x32xf32>, vector<32x32xf32>, vector<512x32xf32> -> vector<512x32xf32>
    %max3A_213 = arith.maximumf %max3A_198, %dot_general3A_212 : vector<512x32xf32>
    %get3A_214 = arith.constant 14 : index
    %get3A_215 = arith.constant 0 : index
    %get3A_216 = arith.constant 0 : index
    %get3A_217 = vector.load %arg1[%get3A_214, %get3A_215, %get3A_216] : memref<16x512x128xf32, #tpu.memory_space<vmem>>, vector<1x512x128xf32>
    %get3A_218 = vector.shape_cast %get3A_217 : vector<1x512x128xf32> to vector<512x128xf32>
    %slice3A_219 = vector.extract_strided_slice %get3A_218 {offsets = [0, 0], sizes = [512, 32], strides = [1, 1]} : vector<512x128xf32> to vector<512x32xf32>
    %sub3A_220 = arith.subf %slice3A_219, %get3A_1 : vector<512x32xf32>
    %add3A_221 = vector.broadcast %get3A_4 : vector<1x32xf32> to vector<512x32xf32>
    %add3A_222 = arith.addf %sub3A_220, %add3A_221 : vector<512x32xf32>
    %max3A_223 = arith.constant 0.000000e+00 : f32
    %max3A_224 = vector.broadcast %max3A_223 : f32 to vector<512x32xf32>
    %max3A_225 = arith.maximumf %add3A_222, %max3A_224 : vector<512x32xf32>
    %dot_general3A_226 = arith.constant dense<0.000000e+00> : vector<512x32xf32>
    %dot_general3A_227 = tpu.matmul %max3A_225, %get3A_7, %dot_general3A_226 {dimension_numbers = #tpu.dot_dimension_numbers<[1], [0], [0], [1], [0, 0, 1, 1], [], []>, transpose_lhs_hint = false} : vector<512x32xf32>, vector<32x32xf32>, vector<512x32xf32> -> vector<512x32xf32>
    %max3A_228 = arith.maximumf %max3A_213, %dot_general3A_227 : vector<512x32xf32>
    %get3A_229 = arith.constant 15 : index
    %get3A_230 = arith.constant 0 : index
    %get3A_231 = arith.constant 0 : index
    %get3A_232 = vector.load %arg1[%get3A_229, %get3A_230, %get3A_231] : memref<16x512x128xf32, #tpu.memory_space<vmem>>, vector<1x512x128xf32>
    %get3A_233 = vector.shape_cast %get3A_232 : vector<1x512x128xf32> to vector<512x128xf32>
    %slice3A_234 = vector.extract_strided_slice %get3A_233 {offsets = [0, 0], sizes = [512, 32], strides = [1, 1]} : vector<512x128xf32> to vector<512x32xf32>
    %sub3A_235 = arith.subf %slice3A_234, %get3A_1 : vector<512x32xf32>
    %add3A_236 = vector.broadcast %get3A_4 : vector<1x32xf32> to vector<512x32xf32>
    %add3A_237 = arith.addf %sub3A_235, %add3A_236 : vector<512x32xf32>
    %max3A_238 = arith.constant 0.000000e+00 : f32
    %max3A_239 = vector.broadcast %max3A_238 : f32 to vector<512x32xf32>
    %max3A_240 = arith.maximumf %add3A_237, %max3A_239 : vector<512x32xf32>
    %dot_general3A_241 = arith.constant dense<0.000000e+00> : vector<512x32xf32>
    %dot_general3A_242 = tpu.matmul %max3A_240, %get3A_7, %dot_general3A_241 {dimension_numbers = #tpu.dot_dimension_numbers<[1], [0], [0], [1], [0, 0, 1, 1], [], []>, transpose_lhs_hint = false} : vector<512x32xf32>, vector<32x32xf32>, vector<512x32xf32> -> vector<512x32xf32>
    %max3A_243 = arith.maximumf %max3A_228, %dot_general3A_242 : vector<512x32xf32>
    %get3A_244 = arith.constant 0 : index
    %get3A_245 = arith.constant 0 : index
    %get3A_246 = vector.load %arg6[%get3A_244, %get3A_245] : memref<1x32xf32, #tpu.memory_space<vmem>>, vector<1x32xf32>
    %add3A_247 = vector.broadcast %get3A_246 : vector<1x32xf32> to vector<512x32xf32>
    %add3A_248 = arith.addf %max3A_243, %add3A_247 : vector<512x32xf32>
    %max3A_249 = arith.constant 0.000000e+00 : f32
    %max3A_250 = vector.broadcast %max3A_249 : f32 to vector<512x32xf32>
    %max3A_251 = arith.maximumf %add3A_248, %max3A_250 : vector<512x32xf32>
    %get3A_252 = arith.constant 0 : index
    %get3A_253 = arith.constant 0 : index
    %get3A_254 = vector.load %arg7[%get3A_252, %get3A_253] : memref<32x32xf32, #tpu.memory_space<vmem>>, vector<32x32xf32>
    %dot_general3A_255 = arith.constant dense<0.000000e+00> : vector<512x32xf32>
    %dot_general3A_256 = tpu.matmul %max3A_251, %get3A_254, %dot_general3A_255 {dimension_numbers = #tpu.dot_dimension_numbers<[1], [0], [0], [1], [0, 0, 1, 1], [], []>, transpose_lhs_hint = false} : vector<512x32xf32>, vector<32x32xf32>, vector<512x32xf32> -> vector<512x32xf32>
    %get3A_257 = arith.constant 0 : index
    %get3A_258 = arith.constant 0 : index
    %get3A_259 = vector.load %arg3[%get3A_257, %get3A_258] : memref<512x32xf32, #tpu.memory_space<vmem>>, vector<512x32xf32>
    %add3A_260 = arith.addf %dot_general3A_256, %get3A_259 : vector<512x32xf32>
    %broadcast_in_dim3A_261 = arith.constant 0.000000e+00 : f32
    %broadcast_in_dim3A_262 = vector.broadcast %broadcast_in_dim3A_261 : f32 to vector<512x96xf32>
    %concatenate3A = tpu.concatenate %add3A_260, %broadcast_in_dim3A_262 in 1 : vector<512x32xf32>, vector<512x96xf32> -> vector<512x128xf32>
    %swap3A = arith.constant 0 : index
    %swap3A_263 = arith.constant 0 : index
    %swap3A_264 = vector.load %arg8[%swap3A, %swap3A_263] : memref<512x128xf32, #tpu.memory_space<vmem>>, vector<512x128xf32>
    tpu.vector_store %arg8[%swap3A, %swap3A_263], %concatenate3A {strides = array<i32>} : memref<512x128xf32, #tpu.memory_space<vmem>>, vector<512x128xf32>,
    return
  }
  func.func @transform_0(%arg0: i32) -> (i32, i32, i32) {
    %c0_i32 = arith.constant 0 : i32
    %c0_i32_0 = arith.constant 0 : i32
    %c0_i32_1 = arith.constant 0 : i32
    return %c0_i32, %arg0, %c0_i32_0 : i32, i32, i32
  }
  func.func @transform_1(%arg0: i32) -> (i32, i32) {
    %c0_i32 = arith.constant 0 : i32
    %c0_i32_0 = arith.constant 0 : i32
    return %arg0, %c0_i32 : i32, i32
  }
  func.func @transform_2(%arg0: i32) -> (i32, i32) {
    %c0_i32 = arith.constant 0 : i32
    %c0_i32_0 = arith.constant 0 : i32
    return %arg0, %c0_i32 : i32, i32
  }
  func.func @transform_3(%arg0: i32) -> (i32, i32) {
    %c0_i32 = arith.constant 0 : i32
    %c0_i32_0 = arith.constant 0 : i32
    %c0_i32_1 = arith.constant 0 : i32
    return %c0_i32, %c0_i32_0 : i32, i32
  }
  func.func @transform_4(%arg0: i32) -> (i32, i32) {
    %c0_i32 = arith.constant 0 : i32
    %c0_i32_0 = arith.constant 0 : i32
    %c0_i32_1 = arith.constant 0 : i32
    return %c0_i32, %c0_i32_0 : i32, i32
  }
  func.func @transform_5(%arg0: i32) -> (i32, i32) {
    %c0_i32 = arith.constant 0 : i32
    %c0_i32_0 = arith.constant 0 : i32
    %c0_i32_1 = arith.constant 0 : i32
    return %c0_i32, %c0_i32_0 : i32, i32
  }
  func.func @transform_6(%arg0: i32) -> (i32, i32) {
    %c0_i32 = arith.constant 0 : i32
    %c0_i32_0 = arith.constant 0 : i32
    %c0_i32_1 = arith.constant 0 : i32
    return %c0_i32, %c0_i32_0 : i32, i32
  }
  func.func @transform_7(%arg0: i32) -> (i32, i32) {
    %c0_i32 = arith.constant 0 : i32
    %c0_i32_0 = arith.constant 0 : i32
    return %arg0, %c0_i32 : i32, i32
  }
}

module attributes {stable_mosaic.version = 14 : i64} {
  func.func @_conv2_pool_body(%arg0: i32, %arg1: memref<16x512x128xf32, #tpu.memory_space<vmem>>, %arg2: memref<512x32xf32, #tpu.memory_space<vmem>>, %arg3: memref<512x1xf32, #tpu.memory_space<vmem>>, %arg4: memref<32x32xf32, #tpu.memory_space<vmem>>, %arg5: memref<1x32xf32, #tpu.memory_space<vmem>>, %arg6: memref<1x32xf32, #tpu.memory_space<vmem>>, %arg7: memref<32x40xf32, #tpu.memory_space<vmem>>, %arg8: memref<1x40xf32, #tpu.memory_space<vmem>>, %arg9: memref<8x40xf32, #tpu.memory_space<vmem>>, %arg10: memref<8x32xf32, #tpu.memory_space<vmem>>) attributes {dimension_semantics = [#tpu.dimension_semantics<arbitrary>], iteration_bounds = array<i64: 8>, scalar_prefetch = 0 : i64, scratch_operands = 1 : i64, tpu.core_type = #tpu.core_type<tc>, window_params = [{transform_indices = @transform_0, window_bounds = array<i64: 16, 512, 128>}, {transform_indices = @transform_1, window_bounds = array<i64: 512, 32>}, {transform_indices = @transform_2, window_bounds = array<i64: 512, 1>}, {pipeline_mode = #tpu.pipeline_mode<synchronous>, transform_indices = @transform_3, window_bounds = array<i64: 32, 32>}, {pipeline_mode = #tpu.pipeline_mode<synchronous>, transform_indices = @transform_4, window_bounds = array<i64: 1, 32>}, {pipeline_mode = #tpu.pipeline_mode<synchronous>, transform_indices = @transform_5, window_bounds = array<i64: 1, 32>}, {pipeline_mode = #tpu.pipeline_mode<synchronous>, transform_indices = @transform_6, window_bounds = array<i64: 32, 40>}, {pipeline_mode = #tpu.pipeline_mode<synchronous>, transform_indices = @transform_7, window_bounds = array<i64: 1, 40>}, {pipeline_mode = #tpu.pipeline_mode<synchronous>, transform_indices = @transform_8, window_bounds = array<i64: 8, 40>}]} {
    %get3A = arith.constant 0 : index
    %get3A_0 = arith.constant 0 : index
    %get3A_1 = vector.load %arg2[%get3A, %get3A_0] : memref<512x32xf32, #tpu.memory_space<vmem>>, vector<512x32xf32>
    %get3A_2 = arith.constant 0 : index
    %get3A_3 = arith.constant 0 : index
    %get3A_4 = vector.load %arg5[%get3A_2, %get3A_3] : memref<1x32xf32, #tpu.memory_space<vmem>>, vector<1x32xf32>
    %get3A_5 = arith.constant 0 : index
    %get3A_6 = arith.constant 0 : index
    %get3A_7 = vector.load %arg4[%get3A_5, %get3A_6] : memref<32x32xf32, #tpu.memory_space<vmem>>, vector<32x32xf32>
    %broadcast_in_dim3A = arith.constant 0xFF800000 : f32
    %broadcast_in_dim3A_8 = vector.broadcast %broadcast_in_dim3A : f32 to vector<512x32xf32>
    %get3A_9 = arith.constant 0 : index
    %get3A_10 = arith.constant 0 : index
    %get3A_11 = arith.constant 0 : index
    %get3A_12 = vector.load %arg1[%get3A_9, %get3A_10, %get3A_11] : memref<16x512x128xf32, #tpu.memory_space<vmem>>, vector<1x512x128xf32>
    %get3A_13 = vector.shape_cast %get3A_12 : vector<1x512x128xf32> to vector<512x128xf32>
    %slice3A = vector.extract_strided_slice %get3A_13 {offsets = [0, 0], sizes = [512, 32], strides = [1, 1]} : vector<512x128xf32> to vector<512x32xf32>
    %sub3A = arith.subf %slice3A, %get3A_1 : vector<512x32xf32>
    %add3A = vector.broadcast %get3A_4 : vector<1x32xf32> to vector<512x32xf32>
    %add3A_14 = arith.addf %sub3A, %add3A : vector<512x32xf32>
    %max3A = arith.constant 0.000000e+00 : f32
    %max3A_15 = vector.broadcast %max3A : f32 to vector<512x32xf32>
    %max3A_16 = arith.maximumf %add3A_14, %max3A_15 : vector<512x32xf32>
    %dot_general3A = arith.constant dense<0.000000e+00> : vector<512x32xf32>
    %dot_general3A_17 = tpu.matmul %max3A_16, %get3A_7, %dot_general3A {dimension_numbers = #tpu.dot_dimension_numbers<[1], [0], [0], [1], [0, 0, 1, 1], [], []>, transpose_lhs_hint = false} : vector<512x32xf32>, vector<32x32xf32>, vector<512x32xf32> -> vector<512x32xf32>
    %max3A_18 = arith.maximumf %broadcast_in_dim3A_8, %dot_general3A_17 : vector<512x32xf32>
    %get3A_19 = arith.constant 1 : index
    %get3A_20 = arith.constant 0 : index
    %get3A_21 = arith.constant 0 : index
    %get3A_22 = vector.load %arg1[%get3A_19, %get3A_20, %get3A_21] : memref<16x512x128xf32, #tpu.memory_space<vmem>>, vector<1x512x128xf32>
    %get3A_23 = vector.shape_cast %get3A_22 : vector<1x512x128xf32> to vector<512x128xf32>
    %slice3A_24 = vector.extract_strided_slice %get3A_23 {offsets = [0, 0], sizes = [512, 32], strides = [1, 1]} : vector<512x128xf32> to vector<512x32xf32>
    %sub3A_25 = arith.subf %slice3A_24, %get3A_1 : vector<512x32xf32>
    %add3A_26 = vector.broadcast %get3A_4 : vector<1x32xf32> to vector<512x32xf32>
    %add3A_27 = arith.addf %sub3A_25, %add3A_26 : vector<512x32xf32>
    %max3A_28 = arith.constant 0.000000e+00 : f32
    %max3A_29 = vector.broadcast %max3A_28 : f32 to vector<512x32xf32>
    %max3A_30 = arith.maximumf %add3A_27, %max3A_29 : vector<512x32xf32>
    %dot_general3A_31 = arith.constant dense<0.000000e+00> : vector<512x32xf32>
    %dot_general3A_32 = tpu.matmul %max3A_30, %get3A_7, %dot_general3A_31 {dimension_numbers = #tpu.dot_dimension_numbers<[1], [0], [0], [1], [0, 0, 1, 1], [], []>, transpose_lhs_hint = false} : vector<512x32xf32>, vector<32x32xf32>, vector<512x32xf32> -> vector<512x32xf32>
    %max3A_33 = arith.maximumf %max3A_18, %dot_general3A_32 : vector<512x32xf32>
    %get3A_34 = arith.constant 2 : index
    %get3A_35 = arith.constant 0 : index
    %get3A_36 = arith.constant 0 : index
    %get3A_37 = vector.load %arg1[%get3A_34, %get3A_35, %get3A_36] : memref<16x512x128xf32, #tpu.memory_space<vmem>>, vector<1x512x128xf32>
    %get3A_38 = vector.shape_cast %get3A_37 : vector<1x512x128xf32> to vector<512x128xf32>
    %slice3A_39 = vector.extract_strided_slice %get3A_38 {offsets = [0, 0], sizes = [512, 32], strides = [1, 1]} : vector<512x128xf32> to vector<512x32xf32>
    %sub3A_40 = arith.subf %slice3A_39, %get3A_1 : vector<512x32xf32>
    %add3A_41 = vector.broadcast %get3A_4 : vector<1x32xf32> to vector<512x32xf32>
    %add3A_42 = arith.addf %sub3A_40, %add3A_41 : vector<512x32xf32>
    %max3A_43 = arith.constant 0.000000e+00 : f32
    %max3A_44 = vector.broadcast %max3A_43 : f32 to vector<512x32xf32>
    %max3A_45 = arith.maximumf %add3A_42, %max3A_44 : vector<512x32xf32>
    %dot_general3A_46 = arith.constant dense<0.000000e+00> : vector<512x32xf32>
    %dot_general3A_47 = tpu.matmul %max3A_45, %get3A_7, %dot_general3A_46 {dimension_numbers = #tpu.dot_dimension_numbers<[1], [0], [0], [1], [0, 0, 1, 1], [], []>, transpose_lhs_hint = false} : vector<512x32xf32>, vector<32x32xf32>, vector<512x32xf32> -> vector<512x32xf32>
    %max3A_48 = arith.maximumf %max3A_33, %dot_general3A_47 : vector<512x32xf32>
    %get3A_49 = arith.constant 3 : index
    %get3A_50 = arith.constant 0 : index
    %get3A_51 = arith.constant 0 : index
    %get3A_52 = vector.load %arg1[%get3A_49, %get3A_50, %get3A_51] : memref<16x512x128xf32, #tpu.memory_space<vmem>>, vector<1x512x128xf32>
    %get3A_53 = vector.shape_cast %get3A_52 : vector<1x512x128xf32> to vector<512x128xf32>
    %slice3A_54 = vector.extract_strided_slice %get3A_53 {offsets = [0, 0], sizes = [512, 32], strides = [1, 1]} : vector<512x128xf32> to vector<512x32xf32>
    %sub3A_55 = arith.subf %slice3A_54, %get3A_1 : vector<512x32xf32>
    %add3A_56 = vector.broadcast %get3A_4 : vector<1x32xf32> to vector<512x32xf32>
    %add3A_57 = arith.addf %sub3A_55, %add3A_56 : vector<512x32xf32>
    %max3A_58 = arith.constant 0.000000e+00 : f32
    %max3A_59 = vector.broadcast %max3A_58 : f32 to vector<512x32xf32>
    %max3A_60 = arith.maximumf %add3A_57, %max3A_59 : vector<512x32xf32>
    %dot_general3A_61 = arith.constant dense<0.000000e+00> : vector<512x32xf32>
    %dot_general3A_62 = tpu.matmul %max3A_60, %get3A_7, %dot_general3A_61 {dimension_numbers = #tpu.dot_dimension_numbers<[1], [0], [0], [1], [0, 0, 1, 1], [], []>, transpose_lhs_hint = false} : vector<512x32xf32>, vector<32x32xf32>, vector<512x32xf32> -> vector<512x32xf32>
    %max3A_63 = arith.maximumf %max3A_48, %dot_general3A_62 : vector<512x32xf32>
    %get3A_64 = arith.constant 4 : index
    %get3A_65 = arith.constant 0 : index
    %get3A_66 = arith.constant 0 : index
    %get3A_67 = vector.load %arg1[%get3A_64, %get3A_65, %get3A_66] : memref<16x512x128xf32, #tpu.memory_space<vmem>>, vector<1x512x128xf32>
    %get3A_68 = vector.shape_cast %get3A_67 : vector<1x512x128xf32> to vector<512x128xf32>
    %slice3A_69 = vector.extract_strided_slice %get3A_68 {offsets = [0, 0], sizes = [512, 32], strides = [1, 1]} : vector<512x128xf32> to vector<512x32xf32>
    %sub3A_70 = arith.subf %slice3A_69, %get3A_1 : vector<512x32xf32>
    %add3A_71 = vector.broadcast %get3A_4 : vector<1x32xf32> to vector<512x32xf32>
    %add3A_72 = arith.addf %sub3A_70, %add3A_71 : vector<512x32xf32>
    %max3A_73 = arith.constant 0.000000e+00 : f32
    %max3A_74 = vector.broadcast %max3A_73 : f32 to vector<512x32xf32>
    %max3A_75 = arith.maximumf %add3A_72, %max3A_74 : vector<512x32xf32>
    %dot_general3A_76 = arith.constant dense<0.000000e+00> : vector<512x32xf32>
    %dot_general3A_77 = tpu.matmul %max3A_75, %get3A_7, %dot_general3A_76 {dimension_numbers = #tpu.dot_dimension_numbers<[1], [0], [0], [1], [0, 0, 1, 1], [], []>, transpose_lhs_hint = false} : vector<512x32xf32>, vector<32x32xf32>, vector<512x32xf32> -> vector<512x32xf32>
    %max3A_78 = arith.maximumf %max3A_63, %dot_general3A_77 : vector<512x32xf32>
    %get3A_79 = arith.constant 5 : index
    %get3A_80 = arith.constant 0 : index
    %get3A_81 = arith.constant 0 : index
    %get3A_82 = vector.load %arg1[%get3A_79, %get3A_80, %get3A_81] : memref<16x512x128xf32, #tpu.memory_space<vmem>>, vector<1x512x128xf32>
    %get3A_83 = vector.shape_cast %get3A_82 : vector<1x512x128xf32> to vector<512x128xf32>
    %slice3A_84 = vector.extract_strided_slice %get3A_83 {offsets = [0, 0], sizes = [512, 32], strides = [1, 1]} : vector<512x128xf32> to vector<512x32xf32>
    %sub3A_85 = arith.subf %slice3A_84, %get3A_1 : vector<512x32xf32>
    %add3A_86 = vector.broadcast %get3A_4 : vector<1x32xf32> to vector<512x32xf32>
    %add3A_87 = arith.addf %sub3A_85, %add3A_86 : vector<512x32xf32>
    %max3A_88 = arith.constant 0.000000e+00 : f32
    %max3A_89 = vector.broadcast %max3A_88 : f32 to vector<512x32xf32>
    %max3A_90 = arith.maximumf %add3A_87, %max3A_89 : vector<512x32xf32>
    %dot_general3A_91 = arith.constant dense<0.000000e+00> : vector<512x32xf32>
    %dot_general3A_92 = tpu.matmul %max3A_90, %get3A_7, %dot_general3A_91 {dimension_numbers = #tpu.dot_dimension_numbers<[1], [0], [0], [1], [0, 0, 1, 1], [], []>, transpose_lhs_hint = false} : vector<512x32xf32>, vector<32x32xf32>, vector<512x32xf32> -> vector<512x32xf32>
    %max3A_93 = arith.maximumf %max3A_78, %dot_general3A_92 : vector<512x32xf32>
    %get3A_94 = arith.constant 6 : index
    %get3A_95 = arith.constant 0 : index
    %get3A_96 = arith.constant 0 : index
    %get3A_97 = vector.load %arg1[%get3A_94, %get3A_95, %get3A_96] : memref<16x512x128xf32, #tpu.memory_space<vmem>>, vector<1x512x128xf32>
    %get3A_98 = vector.shape_cast %get3A_97 : vector<1x512x128xf32> to vector<512x128xf32>
    %slice3A_99 = vector.extract_strided_slice %get3A_98 {offsets = [0, 0], sizes = [512, 32], strides = [1, 1]} : vector<512x128xf32> to vector<512x32xf32>
    %sub3A_100 = arith.subf %slice3A_99, %get3A_1 : vector<512x32xf32>
    %add3A_101 = vector.broadcast %get3A_4 : vector<1x32xf32> to vector<512x32xf32>
    %add3A_102 = arith.addf %sub3A_100, %add3A_101 : vector<512x32xf32>
    %max3A_103 = arith.constant 0.000000e+00 : f32
    %max3A_104 = vector.broadcast %max3A_103 : f32 to vector<512x32xf32>
    %max3A_105 = arith.maximumf %add3A_102, %max3A_104 : vector<512x32xf32>
    %dot_general3A_106 = arith.constant dense<0.000000e+00> : vector<512x32xf32>
    %dot_general3A_107 = tpu.matmul %max3A_105, %get3A_7, %dot_general3A_106 {dimension_numbers = #tpu.dot_dimension_numbers<[1], [0], [0], [1], [0, 0, 1, 1], [], []>, transpose_lhs_hint = false} : vector<512x32xf32>, vector<32x32xf32>, vector<512x32xf32> -> vector<512x32xf32>
    %max3A_108 = arith.maximumf %max3A_93, %dot_general3A_107 : vector<512x32xf32>
    %get3A_109 = arith.constant 7 : index
    %get3A_110 = arith.constant 0 : index
    %get3A_111 = arith.constant 0 : index
    %get3A_112 = vector.load %arg1[%get3A_109, %get3A_110, %get3A_111] : memref<16x512x128xf32, #tpu.memory_space<vmem>>, vector<1x512x128xf32>
    %get3A_113 = vector.shape_cast %get3A_112 : vector<1x512x128xf32> to vector<512x128xf32>
    %slice3A_114 = vector.extract_strided_slice %get3A_113 {offsets = [0, 0], sizes = [512, 32], strides = [1, 1]} : vector<512x128xf32> to vector<512x32xf32>
    %sub3A_115 = arith.subf %slice3A_114, %get3A_1 : vector<512x32xf32>
    %add3A_116 = vector.broadcast %get3A_4 : vector<1x32xf32> to vector<512x32xf32>
    %add3A_117 = arith.addf %sub3A_115, %add3A_116 : vector<512x32xf32>
    %max3A_118 = arith.constant 0.000000e+00 : f32
    %max3A_119 = vector.broadcast %max3A_118 : f32 to vector<512x32xf32>
    %max3A_120 = arith.maximumf %add3A_117, %max3A_119 : vector<512x32xf32>
    %dot_general3A_121 = arith.constant dense<0.000000e+00> : vector<512x32xf32>
    %dot_general3A_122 = tpu.matmul %max3A_120, %get3A_7, %dot_general3A_121 {dimension_numbers = #tpu.dot_dimension_numbers<[1], [0], [0], [1], [0, 0, 1, 1], [], []>, transpose_lhs_hint = false} : vector<512x32xf32>, vector<32x32xf32>, vector<512x32xf32> -> vector<512x32xf32>
    %max3A_123 = arith.maximumf %max3A_108, %dot_general3A_122 : vector<512x32xf32>
    %get3A_124 = arith.constant 8 : index
    %get3A_125 = arith.constant 0 : index
    %get3A_126 = arith.constant 0 : index
    %get3A_127 = vector.load %arg1[%get3A_124, %get3A_125, %get3A_126] : memref<16x512x128xf32, #tpu.memory_space<vmem>>, vector<1x512x128xf32>
    %get3A_128 = vector.shape_cast %get3A_127 : vector<1x512x128xf32> to vector<512x128xf32>
    %slice3A_129 = vector.extract_strided_slice %get3A_128 {offsets = [0, 0], sizes = [512, 32], strides = [1, 1]} : vector<512x128xf32> to vector<512x32xf32>
    %sub3A_130 = arith.subf %slice3A_129, %get3A_1 : vector<512x32xf32>
    %add3A_131 = vector.broadcast %get3A_4 : vector<1x32xf32> to vector<512x32xf32>
    %add3A_132 = arith.addf %sub3A_130, %add3A_131 : vector<512x32xf32>
    %max3A_133 = arith.constant 0.000000e+00 : f32
    %max3A_134 = vector.broadcast %max3A_133 : f32 to vector<512x32xf32>
    %max3A_135 = arith.maximumf %add3A_132, %max3A_134 : vector<512x32xf32>
    %dot_general3A_136 = arith.constant dense<0.000000e+00> : vector<512x32xf32>
    %dot_general3A_137 = tpu.matmul %max3A_135, %get3A_7, %dot_general3A_136 {dimension_numbers = #tpu.dot_dimension_numbers<[1], [0], [0], [1], [0, 0, 1, 1], [], []>, transpose_lhs_hint = false} : vector<512x32xf32>, vector<32x32xf32>, vector<512x32xf32> -> vector<512x32xf32>
    %max3A_138 = arith.maximumf %max3A_123, %dot_general3A_137 : vector<512x32xf32>
    %get3A_139 = arith.constant 9 : index
    %get3A_140 = arith.constant 0 : index
    %get3A_141 = arith.constant 0 : index
    %get3A_142 = vector.load %arg1[%get3A_139, %get3A_140, %get3A_141] : memref<16x512x128xf32, #tpu.memory_space<vmem>>, vector<1x512x128xf32>
    %get3A_143 = vector.shape_cast %get3A_142 : vector<1x512x128xf32> to vector<512x128xf32>
    %slice3A_144 = vector.extract_strided_slice %get3A_143 {offsets = [0, 0], sizes = [512, 32], strides = [1, 1]} : vector<512x128xf32> to vector<512x32xf32>
    %sub3A_145 = arith.subf %slice3A_144, %get3A_1 : vector<512x32xf32>
    %add3A_146 = vector.broadcast %get3A_4 : vector<1x32xf32> to vector<512x32xf32>
    %add3A_147 = arith.addf %sub3A_145, %add3A_146 : vector<512x32xf32>
    %max3A_148 = arith.constant 0.000000e+00 : f32
    %max3A_149 = vector.broadcast %max3A_148 : f32 to vector<512x32xf32>
    %max3A_150 = arith.maximumf %add3A_147, %max3A_149 : vector<512x32xf32>
    %dot_general3A_151 = arith.constant dense<0.000000e+00> : vector<512x32xf32>
    %dot_general3A_152 = tpu.matmul %max3A_150, %get3A_7, %dot_general3A_151 {dimension_numbers = #tpu.dot_dimension_numbers<[1], [0], [0], [1], [0, 0, 1, 1], [], []>, transpose_lhs_hint = false} : vector<512x32xf32>, vector<32x32xf32>, vector<512x32xf32> -> vector<512x32xf32>
    %max3A_153 = arith.maximumf %max3A_138, %dot_general3A_152 : vector<512x32xf32>
    %get3A_154 = arith.constant 10 : index
    %get3A_155 = arith.constant 0 : index
    %get3A_156 = arith.constant 0 : index
    %get3A_157 = vector.load %arg1[%get3A_154, %get3A_155, %get3A_156] : memref<16x512x128xf32, #tpu.memory_space<vmem>>, vector<1x512x128xf32>
    %get3A_158 = vector.shape_cast %get3A_157 : vector<1x512x128xf32> to vector<512x128xf32>
    %slice3A_159 = vector.extract_strided_slice %get3A_158 {offsets = [0, 0], sizes = [512, 32], strides = [1, 1]} : vector<512x128xf32> to vector<512x32xf32>
    %sub3A_160 = arith.subf %slice3A_159, %get3A_1 : vector<512x32xf32>
    %add3A_161 = vector.broadcast %get3A_4 : vector<1x32xf32> to vector<512x32xf32>
    %add3A_162 = arith.addf %sub3A_160, %add3A_161 : vector<512x32xf32>
    %max3A_163 = arith.constant 0.000000e+00 : f32
    %max3A_164 = vector.broadcast %max3A_163 : f32 to vector<512x32xf32>
    %max3A_165 = arith.maximumf %add3A_162, %max3A_164 : vector<512x32xf32>
    %dot_general3A_166 = arith.constant dense<0.000000e+00> : vector<512x32xf32>
    %dot_general3A_167 = tpu.matmul %max3A_165, %get3A_7, %dot_general3A_166 {dimension_numbers = #tpu.dot_dimension_numbers<[1], [0], [0], [1], [0, 0, 1, 1], [], []>, transpose_lhs_hint = false} : vector<512x32xf32>, vector<32x32xf32>, vector<512x32xf32> -> vector<512x32xf32>
    %max3A_168 = arith.maximumf %max3A_153, %dot_general3A_167 : vector<512x32xf32>
    %get3A_169 = arith.constant 11 : index
    %get3A_170 = arith.constant 0 : index
    %get3A_171 = arith.constant 0 : index
    %get3A_172 = vector.load %arg1[%get3A_169, %get3A_170, %get3A_171] : memref<16x512x128xf32, #tpu.memory_space<vmem>>, vector<1x512x128xf32>
    %get3A_173 = vector.shape_cast %get3A_172 : vector<1x512x128xf32> to vector<512x128xf32>
    %slice3A_174 = vector.extract_strided_slice %get3A_173 {offsets = [0, 0], sizes = [512, 32], strides = [1, 1]} : vector<512x128xf32> to vector<512x32xf32>
    %sub3A_175 = arith.subf %slice3A_174, %get3A_1 : vector<512x32xf32>
    %add3A_176 = vector.broadcast %get3A_4 : vector<1x32xf32> to vector<512x32xf32>
    %add3A_177 = arith.addf %sub3A_175, %add3A_176 : vector<512x32xf32>
    %max3A_178 = arith.constant 0.000000e+00 : f32
    %max3A_179 = vector.broadcast %max3A_178 : f32 to vector<512x32xf32>
    %max3A_180 = arith.maximumf %add3A_177, %max3A_179 : vector<512x32xf32>
    %dot_general3A_181 = arith.constant dense<0.000000e+00> : vector<512x32xf32>
    %dot_general3A_182 = tpu.matmul %max3A_180, %get3A_7, %dot_general3A_181 {dimension_numbers = #tpu.dot_dimension_numbers<[1], [0], [0], [1], [0, 0, 1, 1], [], []>, transpose_lhs_hint = false} : vector<512x32xf32>, vector<32x32xf32>, vector<512x32xf32> -> vector<512x32xf32>
    %max3A_183 = arith.maximumf %max3A_168, %dot_general3A_182 : vector<512x32xf32>
    %get3A_184 = arith.constant 12 : index
    %get3A_185 = arith.constant 0 : index
    %get3A_186 = arith.constant 0 : index
    %get3A_187 = vector.load %arg1[%get3A_184, %get3A_185, %get3A_186] : memref<16x512x128xf32, #tpu.memory_space<vmem>>, vector<1x512x128xf32>
    %get3A_188 = vector.shape_cast %get3A_187 : vector<1x512x128xf32> to vector<512x128xf32>
    %slice3A_189 = vector.extract_strided_slice %get3A_188 {offsets = [0, 0], sizes = [512, 32], strides = [1, 1]} : vector<512x128xf32> to vector<512x32xf32>
    %sub3A_190 = arith.subf %slice3A_189, %get3A_1 : vector<512x32xf32>
    %add3A_191 = vector.broadcast %get3A_4 : vector<1x32xf32> to vector<512x32xf32>
    %add3A_192 = arith.addf %sub3A_190, %add3A_191 : vector<512x32xf32>
    %max3A_193 = arith.constant 0.000000e+00 : f32
    %max3A_194 = vector.broadcast %max3A_193 : f32 to vector<512x32xf32>
    %max3A_195 = arith.maximumf %add3A_192, %max3A_194 : vector<512x32xf32>
    %dot_general3A_196 = arith.constant dense<0.000000e+00> : vector<512x32xf32>
    %dot_general3A_197 = tpu.matmul %max3A_195, %get3A_7, %dot_general3A_196 {dimension_numbers = #tpu.dot_dimension_numbers<[1], [0], [0], [1], [0, 0, 1, 1], [], []>, transpose_lhs_hint = false} : vector<512x32xf32>, vector<32x32xf32>, vector<512x32xf32> -> vector<512x32xf32>
    %max3A_198 = arith.maximumf %max3A_183, %dot_general3A_197 : vector<512x32xf32>
    %get3A_199 = arith.constant 13 : index
    %get3A_200 = arith.constant 0 : index
    %get3A_201 = arith.constant 0 : index
    %get3A_202 = vector.load %arg1[%get3A_199, %get3A_200, %get3A_201] : memref<16x512x128xf32, #tpu.memory_space<vmem>>, vector<1x512x128xf32>
    %get3A_203 = vector.shape_cast %get3A_202 : vector<1x512x128xf32> to vector<512x128xf32>
    %slice3A_204 = vector.extract_strided_slice %get3A_203 {offsets = [0, 0], sizes = [512, 32], strides = [1, 1]} : vector<512x128xf32> to vector<512x32xf32>
    %sub3A_205 = arith.subf %slice3A_204, %get3A_1 : vector<512x32xf32>
    %add3A_206 = vector.broadcast %get3A_4 : vector<1x32xf32> to vector<512x32xf32>
    %add3A_207 = arith.addf %sub3A_205, %add3A_206 : vector<512x32xf32>
    %max3A_208 = arith.constant 0.000000e+00 : f32
    %max3A_209 = vector.broadcast %max3A_208 : f32 to vector<512x32xf32>
    %max3A_210 = arith.maximumf %add3A_207, %max3A_209 : vector<512x32xf32>
    %dot_general3A_211 = arith.constant dense<0.000000e+00> : vector<512x32xf32>
    %dot_general3A_212 = tpu.matmul %max3A_210, %get3A_7, %dot_general3A_211 {dimension_numbers = #tpu.dot_dimension_numbers<[1], [0], [0], [1], [0, 0, 1, 1], [], []>, transpose_lhs_hint = false} : vector<512x32xf32>, vector<32x32xf32>, vector<512x32xf32> -> vector<512x32xf32>
    %max3A_213 = arith.maximumf %max3A_198, %dot_general3A_212 : vector<512x32xf32>
    %get3A_214 = arith.constant 14 : index
    %get3A_215 = arith.constant 0 : index
    %get3A_216 = arith.constant 0 : index
    %get3A_217 = vector.load %arg1[%get3A_214, %get3A_215, %get3A_216] : memref<16x512x128xf32, #tpu.memory_space<vmem>>, vector<1x512x128xf32>
    %get3A_218 = vector.shape_cast %get3A_217 : vector<1x512x128xf32> to vector<512x128xf32>
    %slice3A_219 = vector.extract_strided_slice %get3A_218 {offsets = [0, 0], sizes = [512, 32], strides = [1, 1]} : vector<512x128xf32> to vector<512x32xf32>
    %sub3A_220 = arith.subf %slice3A_219, %get3A_1 : vector<512x32xf32>
    %add3A_221 = vector.broadcast %get3A_4 : vector<1x32xf32> to vector<512x32xf32>
    %add3A_222 = arith.addf %sub3A_220, %add3A_221 : vector<512x32xf32>
    %max3A_223 = arith.constant 0.000000e+00 : f32
    %max3A_224 = vector.broadcast %max3A_223 : f32 to vector<512x32xf32>
    %max3A_225 = arith.maximumf %add3A_222, %max3A_224 : vector<512x32xf32>
    %dot_general3A_226 = arith.constant dense<0.000000e+00> : vector<512x32xf32>
    %dot_general3A_227 = tpu.matmul %max3A_225, %get3A_7, %dot_general3A_226 {dimension_numbers = #tpu.dot_dimension_numbers<[1], [0], [0], [1], [0, 0, 1, 1], [], []>, transpose_lhs_hint = false} : vector<512x32xf32>, vector<32x32xf32>, vector<512x32xf32> -> vector<512x32xf32>
    %max3A_228 = arith.maximumf %max3A_213, %dot_general3A_227 : vector<512x32xf32>
    %get3A_229 = arith.constant 15 : index
    %get3A_230 = arith.constant 0 : index
    %get3A_231 = arith.constant 0 : index
    %get3A_232 = vector.load %arg1[%get3A_229, %get3A_230, %get3A_231] : memref<16x512x128xf32, #tpu.memory_space<vmem>>, vector<1x512x128xf32>
    %get3A_233 = vector.shape_cast %get3A_232 : vector<1x512x128xf32> to vector<512x128xf32>
    %slice3A_234 = vector.extract_strided_slice %get3A_233 {offsets = [0, 0], sizes = [512, 32], strides = [1, 1]} : vector<512x128xf32> to vector<512x32xf32>
    %sub3A_235 = arith.subf %slice3A_234, %get3A_1 : vector<512x32xf32>
    %add3A_236 = vector.broadcast %get3A_4 : vector<1x32xf32> to vector<512x32xf32>
    %add3A_237 = arith.addf %sub3A_235, %add3A_236 : vector<512x32xf32>
    %max3A_238 = arith.constant 0.000000e+00 : f32
    %max3A_239 = vector.broadcast %max3A_238 : f32 to vector<512x32xf32>
    %max3A_240 = arith.maximumf %add3A_237, %max3A_239 : vector<512x32xf32>
    %dot_general3A_241 = arith.constant dense<0.000000e+00> : vector<512x32xf32>
    %dot_general3A_242 = tpu.matmul %max3A_240, %get3A_7, %dot_general3A_241 {dimension_numbers = #tpu.dot_dimension_numbers<[1], [0], [0], [1], [0, 0, 1, 1], [], []>, transpose_lhs_hint = false} : vector<512x32xf32>, vector<32x32xf32>, vector<512x32xf32> -> vector<512x32xf32>
    %max3A_243 = arith.maximumf %max3A_228, %dot_general3A_242 : vector<512x32xf32>
    %get3A_244 = arith.constant 0 : index
    %get3A_245 = arith.constant 0 : index
    %get3A_246 = vector.load %arg6[%get3A_244, %get3A_245] : memref<1x32xf32, #tpu.memory_space<vmem>>, vector<1x32xf32>
    %add3A_247 = vector.broadcast %get3A_246 : vector<1x32xf32> to vector<512x32xf32>
    %add3A_248 = arith.addf %max3A_243, %add3A_247 : vector<512x32xf32>
    %max3A_249 = arith.constant 0.000000e+00 : f32
    %max3A_250 = vector.broadcast %max3A_249 : f32 to vector<512x32xf32>
    %max3A_251 = arith.maximumf %add3A_248, %max3A_250 : vector<512x32xf32>
    %get3A_252 = arith.constant 0 : index
    %get3A_253 = arith.constant 0 : index
    %get3A_254 = vector.load %arg3[%get3A_252, %get3A_253] : memref<512x1xf32, #tpu.memory_space<vmem>>, vector<512x1xf32>
    %eq3A = arith.constant 0.000000e+00 : f32
    %eq3A_255 = vector.broadcast %eq3A : f32 to vector<512x1xf32>
    %eq3A_256 = arith.cmpf oeq, %get3A_254, %eq3A_255 : vector<512x1xf32>
    %jit3A = arith.constant 0xFF800000 : f32
    %broadcast_in_dim3A_257 = vector.shape_cast %eq3A_256 : vector<512x1xi1> to vector<512x1xi1>
    %broadcast_in_dim3A_258 = vector.broadcast %broadcast_in_dim3A_257 : vector<512x1xi1> to vector<512x32xi1>
    %broadcast_in_dim3A_259 = vector.broadcast %jit3A : f32 to vector<512x32xf32>
    %select_n3A = arith.select %broadcast_in_dim3A_258, %max3A_251, %broadcast_in_dim3A_259 : vector<512x32xi1>, vector<512x32xf32>
    %reduce_max3A = arith.constant dense<0xFF800000> : vector<32xf32>
    %reduce_max3A_260 = vector.multi_reduction <maximumf>, %select_n3A, %reduce_max3A [0] : vector<512x32xf32> to vector<32xf32>
    %broadcast_in_dim3A_261 = vector.shape_cast %reduce_max3A_260 : vector<32xf32> to vector<1x32xf32>
    %eq3A_262 = arith.constant 1.000000e+00 : f32
    %eq3A_263 = vector.broadcast %eq3A_262 : f32 to vector<512x1xf32>
    %eq3A_264 = arith.cmpf oeq, %get3A_254, %eq3A_263 : vector<512x1xf32>
    %jit3A_265 = arith.constant 0xFF800000 : f32
    %broadcast_in_dim3A_266 = vector.shape_cast %eq3A_264 : vector<512x1xi1> to vector<512x1xi1>
    %broadcast_in_dim3A_267 = vector.broadcast %broadcast_in_dim3A_266 : vector<512x1xi1> to vector<512x32xi1>
    %broadcast_in_dim3A_268 = vector.broadcast %jit3A_265 : f32 to vector<512x32xf32>
    %select_n3A_269 = arith.select %broadcast_in_dim3A_267, %max3A_251, %broadcast_in_dim3A_268 : vector<512x32xi1>, vector<512x32xf32>
    %reduce_max3A_270 = arith.constant dense<0xFF800000> : vector<32xf32>
    %reduce_max3A_271 = vector.multi_reduction <maximumf>, %select_n3A_269, %reduce_max3A_270 [0] : vector<512x32xf32> to vector<32xf32>
    %broadcast_in_dim3A_272 = vector.shape_cast %reduce_max3A_271 : vector<32xf32> to vector<1x32xf32>
    %eq3A_273 = arith.constant 2.000000e+00 : f32
    %eq3A_274 = vector.broadcast %eq3A_273 : f32 to vector<512x1xf32>
    %eq3A_275 = arith.cmpf oeq, %get3A_254, %eq3A_274 : vector<512x1xf32>
    %jit3A_276 = arith.constant 0xFF800000 : f32
    %broadcast_in_dim3A_277 = vector.shape_cast %eq3A_275 : vector<512x1xi1> to vector<512x1xi1>
    %broadcast_in_dim3A_278 = vector.broadcast %broadcast_in_dim3A_277 : vector<512x1xi1> to vector<512x32xi1>
    %broadcast_in_dim3A_279 = vector.broadcast %jit3A_276 : f32 to vector<512x32xf32>
    %select_n3A_280 = arith.select %broadcast_in_dim3A_278, %max3A_251, %broadcast_in_dim3A_279 : vector<512x32xi1>, vector<512x32xf32>
    %reduce_max3A_281 = arith.constant dense<0xFF800000> : vector<32xf32>
    %reduce_max3A_282 = vector.multi_reduction <maximumf>, %select_n3A_280, %reduce_max3A_281 [0] : vector<512x32xf32> to vector<32xf32>
    %broadcast_in_dim3A_283 = vector.shape_cast %reduce_max3A_282 : vector<32xf32> to vector<1x32xf32>
    %eq3A_284 = arith.constant 3.000000e+00 : f32
    %eq3A_285 = vector.broadcast %eq3A_284 : f32 to vector<512x1xf32>
    %eq3A_286 = arith.cmpf oeq, %get3A_254, %eq3A_285 : vector<512x1xf32>
    %jit3A_287 = arith.constant 0xFF800000 : f32
    %broadcast_in_dim3A_288 = vector.shape_cast %eq3A_286 : vector<512x1xi1> to vector<512x1xi1>
    %broadcast_in_dim3A_289 = vector.broadcast %broadcast_in_dim3A_288 : vector<512x1xi1> to vector<512x32xi1>
    %broadcast_in_dim3A_290 = vector.broadcast %jit3A_287 : f32 to vector<512x32xf32>
    %select_n3A_291 = arith.select %broadcast_in_dim3A_289, %max3A_251, %broadcast_in_dim3A_290 : vector<512x32xi1>, vector<512x32xf32>
    %reduce_max3A_292 = arith.constant dense<0xFF800000> : vector<32xf32>
    %reduce_max3A_293 = vector.multi_reduction <maximumf>, %select_n3A_291, %reduce_max3A_292 [0] : vector<512x32xf32> to vector<32xf32>
    %broadcast_in_dim3A_294 = vector.shape_cast %reduce_max3A_293 : vector<32xf32> to vector<1x32xf32>
    %eq3A_295 = arith.constant 4.000000e+00 : f32
    %eq3A_296 = vector.broadcast %eq3A_295 : f32 to vector<512x1xf32>
    %eq3A_297 = arith.cmpf oeq, %get3A_254, %eq3A_296 : vector<512x1xf32>
    %jit3A_298 = arith.constant 0xFF800000 : f32
    %broadcast_in_dim3A_299 = vector.shape_cast %eq3A_297 : vector<512x1xi1> to vector<512x1xi1>
    %broadcast_in_dim3A_300 = vector.broadcast %broadcast_in_dim3A_299 : vector<512x1xi1> to vector<512x32xi1>
    %broadcast_in_dim3A_301 = vector.broadcast %jit3A_298 : f32 to vector<512x32xf32>
    %select_n3A_302 = arith.select %broadcast_in_dim3A_300, %max3A_251, %broadcast_in_dim3A_301 : vector<512x32xi1>, vector<512x32xf32>
    %reduce_max3A_303 = arith.constant dense<0xFF800000> : vector<32xf32>
    %reduce_max3A_304 = vector.multi_reduction <maximumf>, %select_n3A_302, %reduce_max3A_303 [0] : vector<512x32xf32> to vector<32xf32>
    %broadcast_in_dim3A_305 = vector.shape_cast %reduce_max3A_304 : vector<32xf32> to vector<1x32xf32>
    %eq3A_306 = arith.constant 5.000000e+00 : f32
    %eq3A_307 = vector.broadcast %eq3A_306 : f32 to vector<512x1xf32>
    %eq3A_308 = arith.cmpf oeq, %get3A_254, %eq3A_307 : vector<512x1xf32>
    %jit3A_309 = arith.constant 0xFF800000 : f32
    %broadcast_in_dim3A_310 = vector.shape_cast %eq3A_308 : vector<512x1xi1> to vector<512x1xi1>
    %broadcast_in_dim3A_311 = vector.broadcast %broadcast_in_dim3A_310 : vector<512x1xi1> to vector<512x32xi1>
    %broadcast_in_dim3A_312 = vector.broadcast %jit3A_309 : f32 to vector<512x32xf32>
    %select_n3A_313 = arith.select %broadcast_in_dim3A_311, %max3A_251, %broadcast_in_dim3A_312 : vector<512x32xi1>, vector<512x32xf32>
    %reduce_max3A_314 = arith.constant dense<0xFF800000> : vector<32xf32>
    %reduce_max3A_315 = vector.multi_reduction <maximumf>, %select_n3A_313, %reduce_max3A_314 [0] : vector<512x32xf32> to vector<32xf32>
    %broadcast_in_dim3A_316 = vector.shape_cast %reduce_max3A_315 : vector<32xf32> to vector<1x32xf32>
    %eq3A_317 = arith.constant 6.000000e+00 : f32
    %eq3A_318 = vector.broadcast %eq3A_317 : f32 to vector<512x1xf32>
    %eq3A_319 = arith.cmpf oeq, %get3A_254, %eq3A_318 : vector<512x1xf32>
    %jit3A_320 = arith.constant 0xFF800000 : f32
    %broadcast_in_dim3A_321 = vector.shape_cast %eq3A_319 : vector<512x1xi1> to vector<512x1xi1>
    %broadcast_in_dim3A_322 = vector.broadcast %broadcast_in_dim3A_321 : vector<512x1xi1> to vector<512x32xi1>
    %broadcast_in_dim3A_323 = vector.broadcast %jit3A_320 : f32 to vector<512x32xf32>
    %select_n3A_324 = arith.select %broadcast_in_dim3A_322, %max3A_251, %broadcast_in_dim3A_323 : vector<512x32xi1>, vector<512x32xf32>
    %reduce_max3A_325 = arith.constant dense<0xFF800000> : vector<32xf32>
    %reduce_max3A_326 = vector.multi_reduction <maximumf>, %select_n3A_324, %reduce_max3A_325 [0] : vector<512x32xf32> to vector<32xf32>
    %broadcast_in_dim3A_327 = vector.shape_cast %reduce_max3A_326 : vector<32xf32> to vector<1x32xf32>
    %eq3A_328 = arith.constant 7.000000e+00 : f32
    %eq3A_329 = vector.broadcast %eq3A_328 : f32 to vector<512x1xf32>
    %eq3A_330 = arith.cmpf oeq, %get3A_254, %eq3A_329 : vector<512x1xf32>
    %jit3A_331 = arith.constant 0xFF800000 : f32
    %broadcast_in_dim3A_332 = vector.shape_cast %eq3A_330 : vector<512x1xi1> to vector<512x1xi1>
    %broadcast_in_dim3A_333 = vector.broadcast %broadcast_in_dim3A_332 : vector<512x1xi1> to vector<512x32xi1>
    %broadcast_in_dim3A_334 = vector.broadcast %jit3A_331 : f32 to vector<512x32xf32>
    %select_n3A_335 = arith.select %broadcast_in_dim3A_333, %max3A_251, %broadcast_in_dim3A_334 : vector<512x32xi1>, vector<512x32xf32>
    %reduce_max3A_336 = arith.constant dense<0xFF800000> : vector<32xf32>
    %reduce_max3A_337 = vector.multi_reduction <maximumf>, %select_n3A_335, %reduce_max3A_336 [0] : vector<512x32xf32> to vector<32xf32>
    %broadcast_in_dim3A_338 = vector.shape_cast %reduce_max3A_337 : vector<32xf32> to vector<1x32xf32>
    %concatenate3A = tpu.concatenate %broadcast_in_dim3A_261, %broadcast_in_dim3A_272, %broadcast_in_dim3A_283, %broadcast_in_dim3A_294, %broadcast_in_dim3A_305, %broadcast_in_dim3A_316, %broadcast_in_dim3A_327, %broadcast_in_dim3A_338 in 0 : vector<1x32xf32>, vector<1x32xf32>, vector<1x32xf32>, vector<1x32xf32>, vector<1x32xf32>, vector<1x32xf32>, vector<1x32xf32>, vector<1x32xf32> -> vector<8x32xf32>
    %eq3A_339 = arith.constant 0 : i32
    %eq3A_340 = arith.cmpi eq, %arg0, %eq3A_339 : i32
    %convert_element_type3A = arith.extui %eq3A_340 : i1 to i32
    %cond3A = arith.constant 0 : i32
    %cond3A_341 = arith.cmpi ne, %convert_element_type3A, %cond3A : i32
    scf.if %cond3A_341 {
      %broadcast_in_dim3A_353 = arith.constant 0xFF800000 : f32
      %broadcast_in_dim3A_354 = vector.broadcast %broadcast_in_dim3A_353 : f32 to vector<8x32xf32>
      %swap3A_355 = arith.constant 0 : index
      %swap3A_356 = arith.constant 0 : index
      %swap3A_357 = vector.load %arg10[%swap3A_355, %swap3A_356] : memref<8x32xf32, #tpu.memory_space<vmem>>, vector<8x32xf32>
      tpu.vector_store %arg10[%swap3A_355, %swap3A_356], %broadcast_in_dim3A_354 {strides = array<i32>} : memref<8x32xf32, #tpu.memory_space<vmem>>, vector<8x32xf32>,
    } else {
    }
    %get3A_342 = arith.constant 0 : index
    %get3A_343 = arith.constant 0 : index
    %get3A_344 = vector.load %arg10[%get3A_342, %get3A_343] : memref<8x32xf32, #tpu.memory_space<vmem>>, vector<8x32xf32>
    %max3A_345 = arith.maximumf %get3A_344, %concatenate3A : vector<8x32xf32>
    %swap3A = arith.constant 0 : index
    %swap3A_346 = arith.constant 0 : index
    %swap3A_347 = vector.load %arg10[%swap3A, %swap3A_346] : memref<8x32xf32, #tpu.memory_space<vmem>>, vector<8x32xf32>
    tpu.vector_store %arg10[%swap3A, %swap3A_346], %max3A_345 {strides = array<i32>} : memref<8x32xf32, #tpu.memory_space<vmem>>, vector<8x32xf32>,
    %eq3A_348 = arith.constant 7 : i32
    %eq3A_349 = arith.cmpi eq, %arg0, %eq3A_348 : i32
    %convert_element_type3A_350 = arith.extui %eq3A_349 : i1 to i32
    %cond3A_351 = arith.constant 0 : i32
    %cond3A_352 = arith.cmpi ne, %convert_element_type3A_350, %cond3A_351 : i32
    scf.if %cond3A_352 {
      %get3A_353 = arith.constant 0 : index
      %get3A_354 = arith.constant 0 : index
      %get3A_355 = vector.load %arg10[%get3A_353, %get3A_354] : memref<8x32xf32, #tpu.memory_space<vmem>>, vector<8x32xf32>
      %get3A_356 = arith.constant 0 : index
      %get3A_357 = arith.constant 0 : index
      %get3A_358 = vector.load %arg7[%get3A_356, %get3A_357] : memref<32x40xf32, #tpu.memory_space<vmem>>, vector<32x40xf32>
      %dot_general3A_359 = arith.constant dense<0.000000e+00> : vector<8x40xf32>
      %dot_general3A_360 = tpu.matmul %get3A_355, %get3A_358, %dot_general3A_359 {dimension_numbers = #tpu.dot_dimension_numbers<[1], [0], [0], [1], [0, 0, 1, 1], [], []>, transpose_lhs_hint = false} : vector<8x32xf32>, vector<32x40xf32>, vector<8x40xf32> -> vector<8x40xf32>
      %get3A_361 = arith.constant 0 : index
      %get3A_362 = arith.constant 0 : index
      %get3A_363 = vector.load %arg8[%get3A_361, %get3A_362] : memref<1x40xf32, #tpu.memory_space<vmem>>, vector<1x40xf32>
      %add3A_364 = vector.broadcast %get3A_363 : vector<1x40xf32> to vector<8x40xf32>
      %add3A_365 = arith.addf %dot_general3A_360, %add3A_364 : vector<8x40xf32>
      %swap3A_366 = arith.constant 0 : index
      %swap3A_367 = arith.constant 0 : index
      %swap3A_368 = vector.load %arg9[%swap3A_366, %swap3A_367] : memref<8x40xf32, #tpu.memory_space<vmem>>, vector<8x40xf32>
      tpu.vector_store %arg9[%swap3A_366, %swap3A_367], %add3A_365 {strides = array<i32>} : memref<8x40xf32, #tpu.memory_space<vmem>>, vector<8x40xf32>,
    } else {
    }
    return
  }
  func.func @transform_0(%arg0: i32) -> (i32, i32, i32) {
    %c0_i32 = arith.constant 0 : i32
    %c0_i32_0 = arith.constant 0 : i32
    %c0_i32_1 = arith.constant 0 : i32
    return %c0_i32, %arg0, %c0_i32_0 : i32, i32, i32
  }
  func.func @transform_1(%arg0: i32) -> (i32, i32) {
    %c0_i32 = arith.constant 0 : i32
    %c0_i32_0 = arith.constant 0 : i32
    return %arg0, %c0_i32 : i32, i32
  }
  func.func @transform_2(%arg0: i32) -> (i32, i32) {
    %c0_i32 = arith.constant 0 : i32
    %c0_i32_0 = arith.constant 0 : i32
    return %arg0, %c0_i32 : i32, i32
  }
  func.func @transform_3(%arg0: i32) -> (i32, i32) {
    %c0_i32 = arith.constant 0 : i32
    %c0_i32_0 = arith.constant 0 : i32
    %c0_i32_1 = arith.constant 0 : i32
    return %c0_i32, %c0_i32_0 : i32, i32
  }
  func.func @transform_4(%arg0: i32) -> (i32, i32) {
    %c0_i32 = arith.constant 0 : i32
    %c0_i32_0 = arith.constant 0 : i32
    %c0_i32_1 = arith.constant 0 : i32
    return %c0_i32, %c0_i32_0 : i32, i32
  }
  func.func @transform_5(%arg0: i32) -> (i32, i32) {
    %c0_i32 = arith.constant 0 : i32
    %c0_i32_0 = arith.constant 0 : i32
    %c0_i32_1 = arith.constant 0 : i32
    return %c0_i32, %c0_i32_0 : i32, i32
  }
  func.func @transform_6(%arg0: i32) -> (i32, i32) {
    %c0_i32 = arith.constant 0 : i32
    %c0_i32_0 = arith.constant 0 : i32
    %c0_i32_1 = arith.constant 0 : i32
    return %c0_i32, %c0_i32_0 : i32, i32
  }
  func.func @transform_7(%arg0: i32) -> (i32, i32) {
    %c0_i32 = arith.constant 0 : i32
    %c0_i32_0 = arith.constant 0 : i32
    %c0_i32_1 = arith.constant 0 : i32
    return %c0_i32, %c0_i32_0 : i32, i32
  }
  func.func @transform_8(%arg0: i32) -> (i32, i32) {
    %c0_i32 = arith.constant 0 : i32
    %c0_i32_0 = arith.constant 0 : i32
    %c0_i32_1 = arith.constant 0 : i32
    return %c0_i32, %c0_i32_0 : i32, i32
  }
}

</mosaic_0001>

<sc_bundles>
// kernel: kernel.10.cloned.1.call-start
scs
__scs_entry_jumppad:
0x0: {  	(pc) =	sbr.rel $0x88, $3  }
0x1: {  	(tag) =	ssettag $0x0;
	lr =	simm.s32 $0x1  }
0x2: {  	[smem:$0x3F95] =	sst lr;
	_ =	strace $0xD0000000  }
0x3: {  	_ = 	snop  }
0x4: {  	_ = 	snop  }
0x5: {  	_ = 	snop  }
0x6: {  	_ = 	snop  }
0x7: {  	_ = 	snop  }
__scs_overlays_trampoline_lowered:
0x8: {  	[smem:$0x3FA4] =	sst s0  }
0x9: {  	[smem:$0x3FA5] =	sst s1  }
0xa: {  	[smem:$0x3FA6] =	sst s2  }
0xb: {  	[smem:$0x3FA7] =	sst s3  }
0xc: {  	[smem:$0x3FA8] =	sst s4  }
0xd: {  	[smem:$0x3FA9] =	sst s5  }
0xe: {  	[smem:$0x3FAA] =	sst s6  }
0xf: {  	[smem:$0x3FAB] =	sst s7  }
0x10: {  	[smem:$0x3FAC] =	sst s8  }
0x11: {  	[smem:$0x3FAD] =	sst s9;
	s0 =	simm.s32 @!p0 $0x0  }
0x12: {  	s1 =	sld [smem:$0x3F93];
	s0 =	simm.s32 @p0 $0x1  }
0x13: {  	[smem:$0x3FAE] =	sst s0;
	s0 =	simm.s32 @!p1 $0x0  }
0x14: {  	s2 =	sld [smem:$0x3F92];
	s0 =	simm.s32 @p1 $0x1  }
0x15: {  	[smem:$0x3FAF] =	sst s0;
	s0 =	simm.s32 @!p2 $0x0  }
0x16: {  	s3 =	sld [smem:$0x3FDB];
	s0 =	simm.s32 @p2 $0x1  }
0x17: {  	s4 =	simm.s32 $0x1BF5;
	[smem:$0x3FB1] =	sst s0  }
0x18: {  	s0 =	sld [smem:$0x3F94];
	_ =	swait.ge [sflag:s4], $0x0  }
0x19: {  	s7 =	sld [smem:$0x3F95]  }
0x1a: {  	s8 =	sadd.s32 $0xFFFFE003, lr  }
0x1b: {  	s9 =	sadd.s32 $0xFFFFFEF7, lr;
	s5 =	simm.s32 $0xFFFFFFFF;
	p2 =	slt.u32 s8, $0xFFFFF086  }
0x1c: {  	p1 =	slt.u32 s9, $0xF7A;
	s5 =	simm.s32 @!p2 $0x0  }
0x1d: {  	s5 =	simm.s32 @p1 $0x1;
	p0 =	seq.s32 s7, s2  }
0x1e: {  	s7 =	smul.u32 @!p0 $0xF7A, s2;
	p2 =	seq.s32 @!p0 s5, $0x0  }
0x1f: {  	s9 =	smul.u32 $0xF7A, s1;
	s8 =	simm.s32 @!p0 $0x1BF5;
	p2 =	por !p2, p0  }
0x20: {  	[sflag:s8] =	ssyncset.s32 @!p0 $0xFFFFF086;
	s6 =	sadd.s32 @!p0 s3, s7;
	s7 =	simm.s32 @!p0 $0x108  }
0x21: {  	s3 =	sadd.s32 s3, s9;
	s6 =	sadd.s32 @!p0 $0x88, s6;
	s7 =	simm.s32 @p2 $0x1082  }
0x22: {  	[simem:s7], [sflag:s8] =	dma.local @!p0 [hbm:s6], $0xF7A  }
0x23: {  	s9 =	sor.u32 $0xD0000000, s2;
	s6 =	simm.s32 $0x108;
	_ =	swait.ge @!p0 [sflag:s8], $0x0  }
0x24: {  	s3 =	sadd.s32 $0x88, s3;
	s6 =	simm.s32 @!p1 $0x1082;
	[sflag:s4] =	ssyncset.s32 $0xFFFFF086  }
0x25: {  	[simem:s6], [sflag:s4] =	dma.local [hbm:s3], $0xF7A  }
0x26: {  	[smem:$0x3F95] =	sst s1;
	(tag) =	ssettag s2;
	_ =	strace s9  }
0x27: {  	s1 =	sld [smem:$0x3FA5]  }
0x28: {  	s2 =	sld [smem:$0x3FA6]  }
0x29: {  	s4 =	sld [smem:$0x3FA8]  }
0x2a: {  	p0 =	seq.s32 s5, $0x0;
	s5 =	sld [smem:$0x3FA9]  }
0x2b: {  	s6 =	sld [smem:$0x3FAA]  }
0x2c: {  	s7 =	sld [smem:$0x3FAB]  }
0x2d: {  	s3 =	simm.s32 $0x108;
	s8 =	sld [smem:$0x3FAC]  }
0x2e: {  	s3 =	simm.s32 @!p0 $0x1082;
	s9 =	sld [smem:$0x3FAD]  }
0x2f: {  	lr =	sadd.s32 s0, s3;
	s0 =	sld [smem:$0x3FA4]  }
0x30: {  	s3 =	sld [smem:$0x3FA7]  }
0x31: {  	[smem:$0x3FB0] =	sst s10  }
0x32: {  	s10 =	sld [smem:$0x3FAE];
	_ =	sdelay $0x3  }
0x33: {  	p0 =	seq.s32 s10, $0x1;
	s10 =	sld [smem:$0x3FB0];
	_ =	sdelay $0x3  }
0x34: {  	[smem:$0x3FB0] =	sst s10  }
0x35: {  	s10 =	sld [smem:$0x3FAF];
	_ =	sdelay $0x3  }
0x36: {  	p1 =	seq.s32 s10, $0x1;
	s10 =	sld [smem:$0x3FB0];
	_ =	sdelay $0x3  }
0x37: {  	[smem:$0x3FB0] =	sst s10  }
0x38: {  	s10 =	sld [smem:$0x3FB1]  }
0x39: {  	_ = 	snop;
	(pc) =	sbr.ind lr, $3  }
0x3a: {  	_ = 	snop  }
0x3b: {  	_ = 	snop  }
0x3c: {  	p2 =	seq.s32 s10, $0x1;
	s10 =	sld [smem:$0x3FB0]  }
0x3d: {  	_ =	shalt  }
0x3e: {  	_ =	shalt  }
0x3f: {  	_ =	shalt  }
0x40: {  	_ =	shalt  }
0x41: {  	_ =	shalt  }
0x42: {  	_ =	shalt  }
0x43: {  	_ =	shalt  }
0x44: {  	_ =	shalt  }
0x45: {  	_ =	shalt  }
0x46: {  	_ =	shalt  }
0x47: {  	_ =	shalt  }
0x48: {  	_ =	shalt  }
0x49: {  	_ =	shalt  }
0x4a: {  	_ =	shalt  }
0x4b: {  	_ =	shalt  }
0x4c: {  	_ =	shalt  }
0x4d: {  	_ =	shalt  }
0x4e: {  	_ =	shalt  }
0x4f: {  	_ =	shalt  }
0x50: {  	_ =	shalt  }
0x51: {  	_ =	shalt  }
0x52: {  	_ =	shalt  }
0x53: {  	_ =	shalt  }
0x54: {  	_ =	shalt  }
0x55: {  	_ =	shalt  }
0x56: {  	_ =	shalt  }
0x57: {  	_ =	shalt  }
0x58: {  	_ =	shalt  }
0x59: {  	_ =	shalt  }
0x5a: {  	_ =	shalt  }
0x5b: {  	_ =	shalt  }
0x5c: {  	_ =	shalt  }
0x5d: {  	_ =	shalt  }
0x5e: {  	_ =	shalt  }
0x5f: {  	_ =	shalt  }
0x60: {  	_ =	shalt  }
0x61: {  	_ =	shalt  }
0x62: {  	_ =	shalt  }
0x63: {  	_ =	shalt  }
0x64: {  	_ =	shalt  }
0x65: {  	_ =	shalt  }
0x66: {  	_ =	shalt  }
0x67: {  	_ =	shalt  }
0x68: {  	_ =	shalt  }
0x69: {  	_ =	shalt  }
0x6a: {  	_ =	shalt  }
0x6b: {  	_ =	shalt  }
0x6c: {  	_ =	shalt  }
0x6d: {  	_ =	shalt  }
0x6e: {  	_ =	shalt  }
0x6f: {  	_ =	shalt  }
0x70: {  	_ =	shalt  }
0x71: {  	_ =	shalt  }
0x72: {  	_ =	shalt  }
0x73: {  	_ =	shalt  }
0x74: {  	_ =	shalt  }
0x75: {  	_ =	shalt  }
0x76: {  	_ =	shalt  }
0x77: {  	_ =	shalt  }
0x78: {  	_ =	shalt  }
0x79: {  	_ =	shalt  }
0x7a: {  	_ =	shalt  }
0x7b: {  	_ =	shalt  }
0x7c: {  	_ =	shalt  }
0x7d: {  	_ =	shalt  }
0x7e: {  	_ =	shalt  }
0x7f: {  	_ =	shalt  }
0x80: {  	_ =	shalt  }
0x81: {  	_ =	shalt  }
0x82: {  	_ =	shalt  }
0x83: {  	_ =	shalt  }
0x84: {  	_ =	shalt  }
0x85: {  	_ =	shalt  }
0x86: {  	_ =	shalt  }
0x87: {  	_ =	shalt  }
.Lfunc_end0:
.L_simem_size_0:
called_computation.1_lowered:
.L_overlay_start_0:
0x88: {  	s2 =	sld [smem:$0x3FD9]  }
0x89: {  	s3 =	sld [smem:$0x3FFE];
	_ =	sdelay $0x1  }
0x8a: {  	s1 =	srdreg.scid  }
0x8b: {  	s0 =	sand.u32 $0x1, s1  }
0x8c: {  	s16 =	sshll.u32 s0, $0xA;
	s2 =	sadd.s32 s3, s2  }
0x8d: {  	s2 =	sadd.s32 s2, s16  }
0x8e: {  	[smem:$0x3FBC] =	sst s2  }
0x8f: {  	_ = 	snop  }
0x90: {  	(tm) =	ssettm $0x1  }
0x91: {  	s17 =	sld [smem:$0x3FFB];
	_ =	sdelay $0x3  }
0x92: {  	_ =	strace s17  }
0x93: {  	s2 =	sld [smem:$0x3FFC];
	_ =	sdelay $0x3  }
0x94: {  	_ =	strace s2  }
0x95: {  	s2 =	sld [smem:$0x3FFD];
	_ =	sdelay $0x3  }
0x96: {  	_ =	strace s2  }
0x97: {  	_ =	strace $0x8FFFFFFF  }
0x98: {  	s18 =	sld [smem:$0x3FDB];
	_ =	sdelay $0x1  }
0x99: {  	s19 =	simm.s32 $_scs_section_size  }
0x9a: {  	s4 =	simm.s32 $_size__tile_overlayer_lowered;
	s5 =	simm.s32 $_tile_overlayer_lowered  }
0x9b: {  	s22 =	simm.s32 $0x1BFF;
	s21 =	sshll.u32 s5, $0x1;
	s2 =	sadd.s32 s19, s18  }
0x9c: {  	s6 =	simm.s32 $0x0;
	s20 =	sshll.u32 s4, $0x1;
	s4 =	sadd.s32 s21, s2  }
0x9d: {  	[timem:s6], [sflag:s22] =	dma.local [hbm:s4], s20  }
0x9e: {  	_ =	swait.ge [sflag:s22], s20  }
0x9f: {  	s3 =	ssub.s32 $0x0, s20;
	[sflag:s22] =	ssyncset.done $0x0  }
0xa0: {  	[sflag:s22] =	ssyncadd.s32 s3;
	_ =	sdelay $0x1  }
0xa1: {  	s23 =	simm.s32 $0x1B8B  }
0xa2: {  	_ =	swait.ge [sflag:s23], $0x1  }
0xa3: {  	[sflag:s23] =	ssyncset.done $0x0  }
0xa4: {  	s25 =	simm.s32 $0x1B8E;
	s24 =	sld [smem:$0x3FFE];
	[sflag:s23] =	ssyncadd.s32 $0xFFFFFFFF  }
0xa5: {  	s26 =	simm.s32 $execute0_lowered;
	[smem:$0x3FD2] =	sst s25  }
0xa6: {  	s4 =	sshll.u32 s26, $0x1;
	_ =	strace $0x80000049;
	[dreg:$0x1] =	wrdreg $0xFFFFFFFF  }
0xa7: {  	s28 =	simm.s32 $_size_execute0_lowered;
	s2 =	sadd.s32 s2, s4;
	[dreg:$0x0] =	wrdreg $0x0  }
0xa8: {  	s4 =	sshll.u32 s28, $0x1;
	[dreg:$0x2] =	wrdreg s2  }
0xa9: {  	[dreg:$0x3] =	wrdreg s4  }
0xaa: {  	[dreg:$0x4] =	wrdreg $0xC0  }
0xab: {  	_ =	task [dreg:s6], $0x5FFFF  }
0xac: {  	[dreg:$0x1] =	wrdreg $0xFFFFFFFF  }
0xad: {  	[dreg:$0x0] =	wrdreg $0x60  }
0xae: {  	[dreg:$0x2] =	wrdreg s24  }
0xaf: {  	[dreg:$0x3] =	wrdreg $0x9  }
0xb0: {  	_ =	task.clear_ibuf [dreg:s6], $0x4FFFF;
	_ =	strace $0x90000049  }
0xb1: {  	s29 =	simm.s32 $0x9;
	_ =	strace $0x8000004B  }
0xb2: {  	_ =	swait.ge [sflag:s29], $0x1  }
0xb3: {  	[sflag:s29] =	ssyncadd.s32 $0xFFFFFFFF  }
0xb4: {  	_ =	strace $0x9000004B  }
0xb5: {  	_ =	sfence  }
0xb6: {  	s30 =	sld [smem:$0x0];
	_ =	sdelay $0x2  }
0xb7: {  	s31 =	sshll.u32 s1, $0xD;
	s1 =	sshrl.u32 s1, $0x2  }
0xb8: {  	s3 =	sand.u32 $0x4000, s31;
	s1 =	sadd.s32 s1, s30  }
0xb9: {  	s0 =	sor.u32 s3, s0;
	s1 =	sshll.u32 s1, $0x11  }
0xba: {  	s0 =	sor.u32 s1, s0  }
0xbb: {  	s0 =	sadd.s32 $0x8F2B, s0  }
0xbc: {  	[sflag:s0] =	ssyncadd.remote.s32 $0x1  }
0xbd: {  	_ =	sfence.sel $0xFFFF  }
0xbe: {  	[dreg:$0x0] =	wrdreg $0xFFFFFFFF;
	(pc) =	sbr.abs _section_cstart, $3  }
0xbf: {  	[dreg:$0x1] =	wrdreg $0xFFFFFFFF  }
0xc0: {  	_ =	task.clear_ibuf [dreg:s6], $0x2FFFF;
	_ =	strace $0x9FFFFFFF  }
0xc1: {  	(tm) =	ssettm $0x7FFFFFFF  }
tec
execute0_lowered:
.L_overlay_start_1:
0x0: {  	(tag) =	ssettag $0x1  }
0x1: {  	s1 =	srdreg.scid;
	s0 =	stileid.u32  }
0x2: {  	s30 =	sand.u32 $0x1, s1;
	s26 =	sshll.u32 s0, $0x1  }
0x3: {  	s15 =	sor.u32 s30, s26  }
0x4: {  	s14 =	rddreg [dreg:$0x0];
	s2 =	simm.s32 $0x0;
	s3 =	sshll.u32 s15, $0x8  }
0x5: {  	[smem:$0x7FF] =	sst s2;
	s3 =	sadd.s32 s3, s14  }
0x6: {  	_ =	strace $0x8000004A;
	s4 =	sadd.s32 $0x12600, s3;
	s3 =	simm.s32 $0x2  }
0x7: {  	[tilespmem:s2], [sflag:$0x2] =	stream.linear.gather [hbm4b:s4+s2], $0x800, $0x38;
	[tilespmem:$0x10800] =	vst v63  }
0x8: {  	_ =	swait.ge [sflag:s3], $0x800  }
0x9: {  	s6 =	simm.s32 $0x80;
	[sflag:s3] =	ssyncset.done $0x0  }
0xa: {  	s7 =	simm.s32 $0x800;
	s5 =	sadd.s32 $0x2600, s14;
	[sflag:s3] =	ssyncadd.s32 $0xFFFFF800  }
0xb: {  	[tilespmem:s7], [sflag:$0x1] =	stream.indirect.gather [hbm4b:s5+s6], $0x80, s2, s6, $0xb8;
	[tilespmem:$0x10800] =	vst v63  }
0xc: {  	s8 =	simm.s32 $0x4800  }
0xd: {  	[tilespmem:s8], [sflag:$0x1] =	stream.indirect.gather [hbm4b:s5+s6], $0x80, s6, s6, $0xb8;
	[tilespmem:$0x10800] =	vst v63  }
0xe: {  	s9 =	simm.s32 $0x100;
	s10 =	simm.s32 $0x8800  }
0xf: {  	[tilespmem:s10], [sflag:$0x1] =	stream.indirect.gather [hbm4b:s5+s6], $0x80, s9, s6, $0xb8;
	[tilespmem:$0x10800] =	vst v63  }
0x10: {  	s11 =	simm.s32 $0x180;
	s12 =	simm.s32 $0xC800;
	s13 =	simm.s32 $0x1  }
0x11: {  	[tilespmem:s12], [sflag:$0x1] =	stream.indirect.gather [hbm4b:s5+s6], $0x80, s11, s6, $0xb8;
	[tilespmem:$0x10800] =	vst v63  }
0x12: {  	_ =	swait.ge [sflag:s13], $0x4000  }
0x13: {  	[sflag:s13] =	ssyncset.done $0x0  }
0x14: {  	[sflag:s13] =	ssyncadd.s32 $0xFFFFC000  }
0x15: {  	_ =	swait.ge [sflag:s13], $0x4000  }
0x16: {  	[sflag:s13] =	ssyncset.done $0x0  }
0x17: {  	[sflag:s13] =	ssyncadd.s32 $0xFFFFC000  }
0x18: {  	_ =	swait.ge [sflag:s13], $0x4000  }
0x19: {  	[sflag:s13] =	ssyncset.done $0x0  }
0x1a: {  	[sflag:s13] =	ssyncadd.s32 $0xFFFFC000  }
0x1b: {  	s15 =	sshll.u32 s15, $0xF;
	_ =	swait.ge [sflag:s13], $0x4000  }
0x1c: {  	s31 =	sadd.s32 s15, s14;
	[sflag:s13] =	ssyncset.done $0x0  }
0x1d: {  	s14 =	sadd.s32 $0x14600, s31;
	[sflag:s13] =	ssyncadd.s32 $0xFFFFC000  }
0x1e: {  	[hbm4b:s14+s2] =	stream.linear.scatter [tilespmem:s7], [sflag:$0x2], $0x10000, $0x38;
	[tilespmem:$0x10800] =	vst v63  }
0x1f: {  	_ =	swait.ge [sflag:s3], $0x10000  }
0x20: {  	[sflag:s3] =	ssyncset.done $0x0  }
0x21: {  	s15 =	simm.s32 $0x200;
	[sflag:s3] =	ssyncadd.s32 $0xFFFF0000  }
0x22: {  	[tilespmem:s7], [sflag:$0x1] =	stream.indirect.gather [hbm4b:s5+s6], $0x80, s15, s6, $0xb8;
	[tilespmem:$0x10800] =	vst v63  }
0x23: {  	s16 =	simm.s32 $0x280  }
0x24: {  	[tilespmem:s8], [sflag:$0x1] =	stream.indirect.gather [hbm4b:s5+s6], $0x80, s16, s6, $0xb8;
	[tilespmem:$0x10800] =	vst v63  }
0x25: {  	s17 =	simm.s32 $0x300  }
0x26: {  	[tilespmem:s10], [sflag:$0x1] =	stream.indirect.gather [hbm4b:s5+s6], $0x80, s17, s6, $0xb8;
	[tilespmem:$0x10800] =	vst v63  }
0x27: {  	s18 =	simm.s32 $0x380  }
0x28: {  	[tilespmem:s12], [sflag:$0x1] =	stream.indirect.gather [hbm4b:s5+s6], $0x80, s18, s6, $0xb8;
	[tilespmem:$0x10800] =	vst v63  }
0x29: {  	_ =	swait.ge [sflag:s13], $0x4000  }
0x2a: {  	[sflag:s13] =	ssyncset.done $0x0  }
0x2b: {  	[sflag:s13] =	ssyncadd.s32 $0xFFFFC000  }
0x2c: {  	_ =	swait.ge [sflag:s13], $0x4000  }
0x2d: {  	[sflag:s13] =	ssyncset.done $0x0  }
0x2e: {  	[sflag:s13] =	ssyncadd.s32 $0xFFFFC000  }
0x2f: {  	_ =	swait.ge [sflag:s13], $0x4000  }
0x30: {  	[sflag:s13] =	ssyncset.done $0x0  }
0x31: {  	[sflag:s13] =	ssyncadd.s32 $0xFFFFC000  }
0x32: {  	_ =	swait.ge [sflag:s13], $0x4000  }
0x33: {  	[sflag:s13] =	ssyncset.done $0x0  }
0x34: {  	s19 =	sadd.s32 $0x16600, s31;
	[sflag:s13] =	ssyncadd.s32 $0xFFFFC000  }
0x35: {  	[hbm4b:s19+s2] =	stream.linear.scatter [tilespmem:s7], [sflag:$0x2], $0x10000, $0x38;
	[tilespmem:$0x10800] =	vst v63  }
0x36: {  	_ =	swait.ge [sflag:s3], $0x10000  }
0x37: {  	[sflag:s3] =	ssyncset.done $0x0  }
0x38: {  	s20 =	simm.s32 $0x400;
	[sflag:s3] =	ssyncadd.s32 $0xFFFF0000  }
0x39: {  	[tilespmem:s7], [sflag:$0x1] =	stream.indirect.gather [hbm4b:s5+s6], $0x80, s20, s6, $0xb8;
	[tilespmem:$0x10800] =	vst v63  }
0x3a: {  	s21 =	simm.s32 $0x480  }
0x3b: {  	[tilespmem:s8], [sflag:$0x1] =	stream.indirect.gather [hbm4b:s5+s6], $0x80, s21, s6, $0xb8;
	[tilespmem:$0x10800] =	vst v63  }
0x3c: {  	s22 =	simm.s32 $0x500  }
0x3d: {  	[tilespmem:s10], [sflag:$0x1] =	stream.indirect.gather [hbm4b:s5+s6], $0x80, s22, s6, $0xb8;
	[tilespmem:$0x10800] =	vst v63  }
0x3e: {  	s23 =	simm.s32 $0x580  }
0x3f: {  	[tilespmem:s12], [sflag:$0x1] =	stream.indirect.gather [hbm4b:s5+s6], $0x80, s23, s6, $0xb8;
	[tilespmem:$0x10800] =	vst v63  }
0x40: {  	_ =	swait.ge [sflag:s13], $0x4000  }
0x41: {  	[sflag:s13] =	ssyncset.done $0x0  }
0x42: {  	[sflag:s13] =	ssyncadd.s32 $0xFFFFC000  }
0x43: {  	_ =	swait.ge [sflag:s13], $0x4000  }
0x44: {  	[sflag:s13] =	ssyncset.done $0x0  }
0x45: {  	[sflag:s13] =	ssyncadd.s32 $0xFFFFC000  }
0x46: {  	_ =	swait.ge [sflag:s13], $0x4000  }
0x47: {  	[sflag:s13] =	ssyncset.done $0x0  }
0x48: {  	[sflag:s13] =	ssyncadd.s32 $0xFFFFC000  }
0x49: {  	_ =	swait.ge [sflag:s13], $0x4000  }
0x4a: {  	[sflag:s13] =	ssyncset.done $0x0  }
0x4b: {  	s24 =	sadd.s32 $0x18600, s31;
	[sflag:s13] =	ssyncadd.s32 $0xFFFFC000  }
0x4c: {  	[hbm4b:s24+s2] =	stream.linear.scatter [tilespmem:s7], [sflag:$0x2], $0x10000, $0x38;
	[tilespmem:$0x10800] =	vst v63  }
0x4d: {  	_ =	swait.ge [sflag:s3], $0x10000  }
0x4e: {  	[sflag:s3] =	ssyncset.done $0x0  }
0x4f: {  	s25 =	simm.s32 $0x600;
	[sflag:s3] =	ssyncadd.s32 $0xFFFF0000  }
0x50: {  	[tilespmem:s7], [sflag:$0x1] =	stream.indirect.gather [hbm4b:s5+s6], $0x80, s25, s6, $0xb8;
	[tilespmem:$0x10800] =	vst v63  }
0x51: {  	s26 =	simm.s32 $0x680  }
0x52: {  	[tilespmem:s8], [sflag:$0x1] =	stream.indirect.gather [hbm4b:s5+s6], $0x80, s26, s6, $0xb8;
	[tilespmem:$0x10800] =	vst v63  }
0x53: {  	s28 =	simm.s32 $0x700  }
0x54: {  	[tilespmem:s10], [sflag:$0x1] =	stream.indirect.gather [hbm4b:s5+s6], $0x80, s28, s6, $0xb8;
	[tilespmem:$0x10800] =	vst v63  }
0x55: {  	s29 =	simm.s32 $0x780  }
0x56: {  	[tilespmem:s12], [sflag:$0x1] =	stream.indirect.gather [hbm4b:s5+s6], $0x80, s29, s6, $0xb8;
	[tilespmem:$0x10800] =	vst v63  }
0x57: {  	_ =	swait.ge [sflag:s13], $0x4000  }
0x58: {  	[sflag:s13] =	ssyncset.done $0x0  }
0x59: {  	[sflag:s13] =	ssyncadd.s32 $0xFFFFC000  }
0x5a: {  	_ =	swait.ge [sflag:s13], $0x4000  }
0x5b: {  	[sflag:s13] =	ssyncset.done $0x0  }
0x5c: {  	s30 =	ssub.s32 $0x2, s30;
	[sflag:s13] =	ssyncadd.s32 $0xFFFFC000  }
0x5d: {  	s1 =	sshrl.u32 s30, $0x1;
	_ =	swait.ge [sflag:s13], $0x4000  }
0x5e: {  	s1 =	ssub.s32 s30, s1;
	[sflag:s13] =	ssyncset.done $0x0  }
0x5f: {  	s1 =	smax.u32 s1, $0x1;
	[sflag:s13] =	ssyncadd.s32 $0xFFFFC000  }
0x60: {  	p0 =	sne.s32 s1, $0x1;
	_ =	swait.ge [sflag:s13], $0x4000  }
.Ltmp0:
0x61: {  	[sflag:s13] =	ssyncset.done $0x0;
	(pc) =	sbr.rel @!p0 .LBB2_2-.Ltmp0, $4  }
0x62: {  	s30 =	sadd.s32 $0x1A600, s31;
	[sflag:s13] =	ssyncadd.s32 $0xFFFFC000  }
0x63: {  	[hbm4b:s30+s2] =	stream.linear.scatter [tilespmem:s7], [sflag:$0x2], $0x10000, $0x38;
	[tilespmem:$0x10800] =	vst v63  }
0x64: {  	_ =	swait.ge [sflag:s3], $0x10000  }
0x65: {  	s31 =	sadd.s32 $0xFFFFFFFF, s1;
	[sflag:s3] =	ssyncset.done $0x0  }
.LBB2_1:
0x66: {  	p0 =	sne.s32 s31, $0x1;
	s31 =	sadd.s32 $0xFFFFFFFF, s31;
	[sflag:s3] =	ssyncadd.s32 $0xFFFF0000  }
0x67: {  	[tilespmem:s2], [sflag:$0x2] =	stream.linear.gather [hbm4b:s4+s2], $0x800, $0x38;
	[tilespmem:$0x10800] =	vst v63  }
0x68: {  	_ =	swait.ge [sflag:s3], $0x800  }
0x69: {  	[sflag:s3] =	ssyncset.done $0x0  }
0x6a: {  	[sflag:s3] =	ssyncadd.s32 $0xFFFFF800  }
0x6b: {  	[tilespmem:s7], [sflag:$0x1] =	stream.indirect.gather [hbm4b:s5+s6], $0x80, s2, s6, $0xb8;
	[tilespmem:$0x10800] =	vst v63  }
0x6c: {  	_ = 	snop  }
0x6d: {  	[tilespmem:s8], [sflag:$0x1] =	stream.indirect.gather [hbm4b:s5+s6], $0x80, s6, s6, $0xb8;
	[tilespmem:$0x10800] =	vst v63  }
0x6e: {  	_ = 	snop  }
0x6f: {  	[tilespmem:s10], [sflag:$0x1] =	stream.indirect.gather [hbm4b:s5+s6], $0x80, s9, s6, $0xb8;
	[tilespmem:$0x10800] =	vst v63  }
0x70: {  	_ = 	snop  }
0x71: {  	[tilespmem:s12], [sflag:$0x1] =	stream.indirect.gather [hbm4b:s5+s6], $0x80, s11, s6, $0xb8;
	[tilespmem:$0x10800] =	vst v63  }
0x72: {  	_ =	swait.ge [sflag:s13], $0x4000  }
0x73: {  	[sflag:s13] =	ssyncset.done $0x0  }
0x74: {  	[sflag:s13] =	ssyncadd.s32 $0xFFFFC000  }
0x75: {  	_ =	swait.ge [sflag:s13], $0x4000  }
0x76: {  	[sflag:s13] =	ssyncset.done $0x0  }
0x77: {  	[sflag:s13] =	ssyncadd.s32 $0xFFFFC000  }
0x78: {  	_ =	swait.ge [sflag:s13], $0x4000  }
0x79: {  	[sflag:s13] =	ssyncset.done $0x0  }
0x7a: {  	[sflag:s13] =	ssyncadd.s32 $0xFFFFC000  }
0x7b: {  	_ =	swait.ge [sflag:s13], $0x4000  }
0x7c: {  	[sflag:s13] =	ssyncset.done $0x0  }
0x7d: {  	[sflag:s13] =	ssyncadd.s32 $0xFFFFC000  }
0x7e: {  	[hbm4b:s14+s2] =	stream.linear.scatter [tilespmem:s7], [sflag:$0x2], $0x10000, $0x38;
	[tilespmem:$0x10800] =	vst v63  }
0x7f: {  	_ =	swait.ge [sflag:s3], $0x10000  }
0x80: {  	[sflag:s3] =	ssyncset.done $0x0  }
0x81: {  	[sflag:s3] =	ssyncadd.s32 $0xFFFF0000  }
0x82: {  	[tilespmem:s7], [sflag:$0x1] =	stream.indirect.gather [hbm4b:s5+s6], $0x80, s15, s6, $0xb8;
	[tilespmem:$0x10800] =	vst v63  }
0x83: {  	_ = 	snop  }
0x84: {  	[tilespmem:s8], [sflag:$0x1] =	stream.indirect.gather [hbm4b:s5+s6], $0x80, s16, s6, $0xb8;
	[tilespmem:$0x10800] =	vst v63  }
0x85: {  	_ = 	snop  }
0x86: {  	[tilespmem:s10], [sflag:$0x1] =	stream.indirect.gather [hbm4b:s5+s6], $0x80, s17, s6, $0xb8;
	[tilespmem:$0x10800] =	vst v63  }
0x87: {  	_ = 	snop  }
0x88: {  	[tilespmem:s12], [sflag:$0x1] =	stream.indirect.gather [hbm4b:s5+s6], $0x80, s18, s6, $0xb8;
	[tilespmem:$0x10800] =	vst v63  }
0x89: {  	_ =	swait.ge [sflag:s13], $0x4000  }
0x8a: {  	[sflag:s13] =	ssyncset.done $0x0  }
0x8b: {  	[sflag:s13] =	ssyncadd.s32 $0xFFFFC000  }
0x8c: {  	_ =	swait.ge [sflag:s13], $0x4000  }
0x8d: {  	[sflag:s13] =	ssyncset.done $0x0  }
0x8e: {  	[sflag:s13] =	ssyncadd.s32 $0xFFFFC000  }
0x8f: {  	_ =	swait.ge [sflag:s13], $0x4000  }
0x90: {  	[sflag:s13] =	ssyncset.done $0x0  }
0x91: {  	[sflag:s13] =	ssyncadd.s32 $0xFFFFC000  }
0x92: {  	_ =	swait.ge [sflag:s13], $0x4000  }
0x93: {  	[sflag:s13] =	ssyncset.done $0x0  }
0x94: {  	[sflag:s13] =	ssyncadd.s32 $0xFFFFC000  }
0x95: {  	[hbm4b:s19+s2] =	stream.linear.scatter [tilespmem:s7], [sflag:$0x2], $0x10000, $0x38;
	[tilespmem:$0x10800] =	vst v63  }
0x96: {  	_ =	swait.ge [sflag:s3], $0x10000  }
0x97: {  	[sflag:s3] =	ssyncset.done $0x0  }
0x98: {  	[sflag:s3] =	ssyncadd.s32 $0xFFFF0000  }
0x99: {  	[tilespmem:s7], [sflag:$0x1] =	stream.indirect.gather [hbm4b:s5+s6], $0x80, s20, s6, $0xb8;
	[tilespmem:$0x10800] =	vst v63  }
0x9a: {  	_ = 	snop  }
0x9b: {  	[tilespmem:s8], [sflag:$0x1] =	stream.indirect.gather [hbm4b:s5+s6], $0x80, s21, s6, $0xb8;
	[tilespmem:$0x10800] =	vst v63  }
0x9c: {  	_ = 	snop  }
0x9d: {  	[tilespmem:s10], [sflag:$0x1] =	stream.indirect.gather [hbm4b:s5+s6], $0x80, s22, s6, $0xb8;
	[tilespmem:$0x10800] =	vst v63  }
0x9e: {  	_ = 	snop  }
0x9f: {  	[tilespmem:s12], [sflag:$0x1] =	stream.indirect.gather [hbm4b:s5+s6], $0x80, s23, s6, $0xb8;
	[tilespmem:$0x10800] =	vst v63  }
0xa0: {  	_ =	swait.ge [sflag:s13], $0x4000  }
0xa1: {  	[sflag:s13] =	ssyncset.done $0x0  }
0xa2: {  	[sflag:s13] =	ssyncadd.s32 $0xFFFFC000  }
0xa3: {  	_ =	swait.ge [sflag:s13], $0x4000  }
0xa4: {  	[sflag:s13] =	ssyncset.done $0x0  }
0xa5: {  	[sflag:s13] =	ssyncadd.s32 $0xFFFFC000  }
0xa6: {  	_ =	swait.ge [sflag:s13], $0x4000  }
0xa7: {  	[sflag:s13] =	ssyncset.done $0x0  }
0xa8: {  	[sflag:s13] =	ssyncadd.s32 $0xFFFFC000  }
0xa9: {  	_ =	swait.ge [sflag:s13], $0x4000  }
0xaa: {  	[sflag:s13] =	ssyncset.done $0x0  }
0xab: {  	[sflag:s13] =	ssyncadd.s32 $0xFFFFC000  }
0xac: {  	[hbm4b:s24+s2] =	stream.linear.scatter [tilespmem:s7], [sflag:$0x2], $0x10000, $0x38;
	[tilespmem:$0x10800] =	vst v63  }
0xad: {  	_ =	swait.ge [sflag:s3], $0x10000  }
0xae: {  	[sflag:s3] =	ssyncset.done $0x0  }
0xaf: {  	[sflag:s3] =	ssyncadd.s32 $0xFFFF0000  }
0xb0: {  	[tilespmem:s7], [sflag:$0x1] =	stream.indirect.gather [hbm4b:s5+s6], $0x80, s25, s6, $0xb8;
	[tilespmem:$0x10800] =	vst v63  }
0xb1: {  	_ = 	snop  }
0xb2: {  	[tilespmem:s8], [sflag:$0x1] =	stream.indirect.gather [hbm4b:s5+s6], $0x80, s26, s6, $0xb8;
	[tilespmem:$0x10800] =	vst v63  }
0xb3: {  	_ = 	snop  }
0xb4: {  	[tilespmem:s10], [sflag:$0x1] =	stream.indirect.gather [hbm4b:s5+s6], $0x80, s28, s6, $0xb8;
	[tilespmem:$0x10800] =	vst v63  }
0xb5: {  	_ = 	snop  }
0xb6: {  	[tilespmem:s12], [sflag:$0x1] =	stream.indirect.gather [hbm4b:s5+s6], $0x80, s29, s6, $0xb8;
	[tilespmem:$0x10800] =	vst v63  }
0xb7: {  	_ =	swait.ge [sflag:s13], $0x4000  }
0xb8: {  	[sflag:s13] =	ssyncset.done $0x0  }
0xb9: {  	[sflag:s13] =	ssyncadd.s32 $0xFFFFC000  }
0xba: {  	_ =	swait.ge [sflag:s13], $0x4000  }
0xbb: {  	[sflag:s13] =	ssyncset.done $0x0  }
0xbc: {  	[sflag:s13] =	ssyncadd.s32 $0xFFFFC000  }
0xbd: {  	_ =	swait.ge [sflag:s13], $0x4000  }
0xbe: {  	[sflag:s13] =	ssyncset.done $0x0  }
0xbf: {  	[sflag:s13] =	ssyncadd.s32 $0xFFFFC000  }
0xc0: {  	_ =	swait.ge [sflag:s13], $0x4000  }
.Ltmp1:
0xc1: {  	[sflag:s13] =	ssyncset.done $0x0;
	(pc) =	sbr.rel @p0 .LBB2_1-.Ltmp1, $4  }
0xc2: {  	[sflag:s13] =	ssyncadd.s32 $0xFFFFC000  }
0xc3: {  	[hbm4b:s30+s2] =	stream.linear.scatter [tilespmem:s7], [sflag:$0x2], $0x10000, $0x38;
	[tilespmem:$0x10800] =	vst v63  }
0xc4: {  	_ =	swait.ge [sflag:s3], $0x10000  }
0xc5: {  	[sflag:s3] =	ssyncset.done $0x0  }
.LBB2_2:
0xc6: {  	[sflag:s3] =	ssyncadd.s32 $0xFFFF0000  }
0xc7: {  	_ =	sfence.sel $0x180000  }
0xc8: {  	[bflag:$0x0] =	sbarrier.arrive $0xFFFF  }
0xc9: {  	_ =	strace $0x9000004A  }
0xca: {  	[bflag:$0x2] =	sbarrier.arrive $0xFFFF  }
0xcb: {  	p0 =	sne.s32 s0, $0x0;
	s0 =	rddreg [dreg:$0x1]  }
0xcc: {  	s0 =	sadd.s32 @!p0 $0x100000, s0  }
0xcd: {  	[sflag:s0] =	ssyncadd.tile.s32 @!p0 $0x1;
	_ =	shalt  }
.Lfunc_end2:
_tile_overlayer_lowered:
.L_overlay_start_2:
0xce: {  	(tag) =	ssettag $0x2  }
0xcf: {  	s0 =	rddreg [dreg:$0x0];
	s2 =	stileid.u32  }
0xd0: {  	s1 =	rddreg [dreg:$0x1];
	p0 =	sne.s32 s2, $0x0  }
0xd1: {  	s3 =	rddreg [dreg:$0x2];
	[bflag:$0x3] =	sbarrier.arrive $0xFFFF;
	s2 =	simm.s32 @!p0 $0x1C02  }
0xd2: {  	[timem:s3], [sflag:s2] =	dma.local @!p0 [hbm:s0], s1  }
0xd3: {  	s0 =	simm.s32 @!p0 $0x2  }
0xd4: {  	_ =	swait.ge @!p0 [sflag:s0], s1  }
0xd5: {  	s1 =	ssub.s32 @!p0 $0x0, s1;
	[sflag:s0] =	ssyncset.done @!p0 $0x0  }
0xd6: {  	[sflag:s0] =	ssyncadd.s32 @!p0 s1  }
0xd7: {  	[bflag:$0x3] =	sbarrier.arrive $0xFFFF  }
0xd8: {  	_ =	shalt  }

// kernel: kernel.7.cloned.1.call-start
scs
__scs_entry_jumppad:
0x0: {  	(pc) =	sbr.rel $0x88, $3  }
0x1: {  	(tag) =	ssettag $0x0;
	lr =	simm.s32 $0x1  }
0x2: {  	[smem:$0x3F95] =	sst lr;
	_ =	strace $0xD0000000  }
0x3: {  	_ = 	snop  }
0x4: {  	_ = 	snop  }
0x5: {  	_ = 	snop  }
0x6: {  	_ = 	snop  }
0x7: {  	_ = 	snop  }
__scs_overlays_trampoline_lowered:
0x8: {  	[smem:$0x3FA4] =	sst s0  }
0x9: {  	[smem:$0x3FA5] =	sst s1  }
0xa: {  	[smem:$0x3FA6] =	sst s2  }
0xb: {  	[smem:$0x3FA7] =	sst s3  }
0xc: {  	[smem:$0x3FA8] =	sst s4  }
0xd: {  	[smem:$0x3FA9] =	sst s5  }
0xe: {  	[smem:$0x3FAA] =	sst s6  }
0xf: {  	[smem:$0x3FAB] =	sst s7  }
0x10: {  	[smem:$0x3FAC] =	sst s8  }
0x11: {  	[smem:$0x3FAD] =	sst s9;
	s0 =	simm.s32 @!p0 $0x0  }
0x12: {  	s1 =	sld [smem:$0x3F93];
	s0 =	simm.s32 @p0 $0x1  }
0x13: {  	[smem:$0x3FAE] =	sst s0;
	s0 =	simm.s32 @!p1 $0x0  }
0x14: {  	s2 =	sld [smem:$0x3F92];
	s0 =	simm.s32 @p1 $0x1  }
0x15: {  	[smem:$0x3FAF] =	sst s0;
	s0 =	simm.s32 @!p2 $0x0  }
0x16: {  	s3 =	sld [smem:$0x3FDB];
	s0 =	simm.s32 @p2 $0x1  }
0x17: {  	s4 =	simm.s32 $0x1BF5;
	[smem:$0x3FB1] =	sst s0  }
0x18: {  	s0 =	sld [smem:$0x3F94];
	_ =	swait.ge [sflag:s4], $0x0  }
0x19: {  	s7 =	sld [smem:$0x3F95]  }
0x1a: {  	s8 =	sadd.s32 $0xFFFFE003, lr  }
0x1b: {  	s9 =	sadd.s32 $0xFFFFFEF7, lr;
	s5 =	simm.s32 $0xFFFFFFFF;
	p2 =	slt.u32 s8, $0xFFFFF086  }
0x1c: {  	p1 =	slt.u32 s9, $0xF7A;
	s5 =	simm.s32 @!p2 $0x0  }
0x1d: {  	s5 =	simm.s32 @p1 $0x1;
	p0 =	seq.s32 s7, s2  }
0x1e: {  	s7 =	smul.u32 @!p0 $0xF7A, s2;
	p2 =	seq.s32 @!p0 s5, $0x0  }
0x1f: {  	s9 =	smul.u32 $0xF7A, s1;
	s8 =	simm.s32 @!p0 $0x1BF5;
	p2 =	por !p2, p0  }
0x20: {  	[sflag:s8] =	ssyncset.s32 @!p0 $0xFFFFF086;
	s6 =	sadd.s32 @!p0 s3, s7;
	s7 =	simm.s32 @!p0 $0x108  }
0x21: {  	s3 =	sadd.s32 s3, s9;
	s6 =	sadd.s32 @!p0 $0x88, s6;
	s7 =	simm.s32 @p2 $0x1082  }
0x22: {  	[simem:s7], [sflag:s8] =	dma.local @!p0 [hbm:s6], $0xF7A  }
0x23: {  	s9 =	sor.u32 $0xD0000000, s2;
	s6 =	simm.s32 $0x108;
	_ =	swait.ge @!p0 [sflag:s8], $0x0  }
0x24: {  	s3 =	sadd.s32 $0x88, s3;
	s6 =	simm.s32 @!p1 $0x1082;
	[sflag:s4] =	ssyncset.s32 $0xFFFFF086  }
0x25: {  	[simem:s6], [sflag:s4] =	dma.local [hbm:s3], $0xF7A  }
0x26: {  	[smem:$0x3F95] =	sst s1;
	(tag) =	ssettag s2;
	_ =	strace s9  }
0x27: {  	s1 =	sld [smem:$0x3FA5]  }
0x28: {  	s2 =	sld [smem:$0x3FA6]  }
0x29: {  	s4 =	sld [smem:$0x3FA8]  }
0x2a: {  	p0 =	seq.s32 s5, $0x0;
	s5 =	sld [smem:$0x3FA9]  }
0x2b: {  	s6 =	sld [smem:$0x3FAA]  }
0x2c: {  	s7 =	sld [smem:$0x3FAB]  }
0x2d: {  	s3 =	simm.s32 $0x108;
	s8 =	sld [smem:$0x3FAC]  }
0x2e: {  	s3 =	simm.s32 @!p0 $0x1082;
	s9 =	sld [smem:$0x3FAD]  }
0x2f: {  	lr =	sadd.s32 s0, s3;
	s0 =	sld [smem:$0x3FA4]  }
0x30: {  	s3 =	sld [smem:$0x3FA7]  }
0x31: {  	[smem:$0x3FB0] =	sst s10  }
0x32: {  	s10 =	sld [smem:$0x3FAE];
	_ =	sdelay $0x3  }
0x33: {  	p0 =	seq.s32 s10, $0x1;
	s10 =	sld [smem:$0x3FB0];
	_ =	sdelay $0x3  }
0x34: {  	[smem:$0x3FB0] =	sst s10  }
0x35: {  	s10 =	sld [smem:$0x3FAF];
	_ =	sdelay $0x3  }
0x36: {  	p1 =	seq.s32 s10, $0x1;
	s10 =	sld [smem:$0x3FB0];
	_ =	sdelay $0x3  }
0x37: {  	[smem:$0x3FB0] =	sst s10  }
0x38: {  	s10 =	sld [smem:$0x3FB1]  }
0x39: {  	_ = 	snop;
	(pc) =	sbr.ind lr, $3  }
0x3a: {  	_ = 	snop  }
0x3b: {  	_ = 	snop  }
0x3c: {  	p2 =	seq.s32 s10, $0x1;
	s10 =	sld [smem:$0x3FB0]  }
0x3d: {  	_ =	shalt  }
0x3e: {  	_ =	shalt  }
0x3f: {  	_ =	shalt  }
0x40: {  	_ =	shalt  }
0x41: {  	_ =	shalt  }
0x42: {  	_ =	shalt  }
0x43: {  	_ =	shalt  }
0x44: {  	_ =	shalt  }
0x45: {  	_ =	shalt  }
0x46: {  	_ =	shalt  }
0x47: {  	_ =	shalt  }
0x48: {  	_ =	shalt  }
0x49: {  	_ =	shalt  }
0x4a: {  	_ =	shalt  }
0x4b: {  	_ =	shalt  }
0x4c: {  	_ =	shalt  }
0x4d: {  	_ =	shalt  }
0x4e: {  	_ =	shalt  }
0x4f: {  	_ =	shalt  }
0x50: {  	_ =	shalt  }
0x51: {  	_ =	shalt  }
0x52: {  	_ =	shalt  }
0x53: {  	_ =	shalt  }
0x54: {  	_ =	shalt  }
0x55: {  	_ =	shalt  }
0x56: {  	_ =	shalt  }
0x57: {  	_ =	shalt  }
0x58: {  	_ =	shalt  }
0x59: {  	_ =	shalt  }
0x5a: {  	_ =	shalt  }
0x5b: {  	_ =	shalt  }
0x5c: {  	_ =	shalt  }
0x5d: {  	_ =	shalt  }
0x5e: {  	_ =	shalt  }
0x5f: {  	_ =	shalt  }
0x60: {  	_ =	shalt  }
0x61: {  	_ =	shalt  }
0x62: {  	_ =	shalt  }
0x63: {  	_ =	shalt  }
0x64: {  	_ =	shalt  }
0x65: {  	_ =	shalt  }
0x66: {  	_ =	shalt  }
0x67: {  	_ =	shalt  }
0x68: {  	_ =	shalt  }
0x69: {  	_ =	shalt  }
0x6a: {  	_ =	shalt  }
0x6b: {  	_ =	shalt  }
0x6c: {  	_ =	shalt  }
0x6d: {  	_ =	shalt  }
0x6e: {  	_ =	shalt  }
0x6f: {  	_ =	shalt  }
0x70: {  	_ =	shalt  }
0x71: {  	_ =	shalt  }
0x72: {  	_ =	shalt  }
0x73: {  	_ =	shalt  }
0x74: {  	_ =	shalt  }
0x75: {  	_ =	shalt  }
0x76: {  	_ =	shalt  }
0x77: {  	_ =	shalt  }
0x78: {  	_ =	shalt  }
0x79: {  	_ =	shalt  }
0x7a: {  	_ =	shalt  }
0x7b: {  	_ =	shalt  }
0x7c: {  	_ =	shalt  }
0x7d: {  	_ =	shalt  }
0x7e: {  	_ =	shalt  }
0x7f: {  	_ =	shalt  }
0x80: {  	_ =	shalt  }
0x81: {  	_ =	shalt  }
0x82: {  	_ =	shalt  }
0x83: {  	_ =	shalt  }
0x84: {  	_ =	shalt  }
0x85: {  	_ =	shalt  }
0x86: {  	_ =	shalt  }
0x87: {  	_ =	shalt  }
.Lfunc_end0:
.L_simem_size_0:
called_computation_lowered:
.L_overlay_start_0:
0x88: {  	s2 =	sld [smem:$0x3FD9]  }
0x89: {  	s3 =	sld [smem:$0x3FFE];
	_ =	sdelay $0x1  }
0x8a: {  	s1 =	srdreg.scid  }
0x8b: {  	s0 =	sand.u32 $0x1, s1  }
0x8c: {  	s16 =	sshll.u32 s0, $0xA;
	s2 =	sadd.s32 s3, s2  }
0x8d: {  	s2 =	sadd.s32 s2, s16  }
0x8e: {  	[smem:$0x3FBC] =	sst s2  }
0x8f: {  	_ = 	snop  }
0x90: {  	(tm) =	ssettm $0x1  }
0x91: {  	s17 =	sld [smem:$0x3FFB];
	_ =	sdelay $0x3  }
0x92: {  	_ =	strace s17  }
0x93: {  	s2 =	sld [smem:$0x3FFC];
	_ =	sdelay $0x3  }
0x94: {  	_ =	strace s2  }
0x95: {  	s2 =	sld [smem:$0x3FFD];
	_ =	sdelay $0x3  }
0x96: {  	_ =	strace s2  }
0x97: {  	_ =	strace $0x8FFFFFFF  }
0x98: {  	s18 =	sld [smem:$0x3FDB];
	_ =	sdelay $0x1  }
0x99: {  	s19 =	simm.s32 $_scs_section_size  }
0x9a: {  	s4 =	simm.s32 $_size__tile_overlayer_lowered;
	s5 =	simm.s32 $_tile_overlayer_lowered  }
0x9b: {  	s22 =	simm.s32 $0x1BFF;
	s21 =	sshll.u32 s5, $0x1;
	s2 =	sadd.s32 s19, s18  }
0x9c: {  	s6 =	simm.s32 $0x0;
	s20 =	sshll.u32 s4, $0x1;
	s4 =	sadd.s32 s21, s2  }
0x9d: {  	[timem:s6], [sflag:s22] =	dma.local [hbm:s4], s20  }
0x9e: {  	_ =	swait.ge [sflag:s22], s20  }
0x9f: {  	s3 =	ssub.s32 $0x0, s20;
	[sflag:s22] =	ssyncset.done $0x0  }
0xa0: {  	[sflag:s22] =	ssyncadd.s32 s3;
	_ =	sdelay $0x1  }
0xa1: {  	s23 =	simm.s32 $0x1B8B  }
0xa2: {  	_ =	swait.ge [sflag:s23], $0x1  }
0xa3: {  	[sflag:s23] =	ssyncset.done $0x0  }
0xa4: {  	s25 =	simm.s32 $0x1B8E;
	s24 =	sld [smem:$0x3FFE];
	[sflag:s23] =	ssyncadd.s32 $0xFFFFFFFF  }
0xa5: {  	s26 =	simm.s32 $execute0_lowered;
	[smem:$0x3FD2] =	sst s25  }
0xa6: {  	s4 =	sshll.u32 s26, $0x1;
	_ =	strace $0x80000046;
	[dreg:$0x1] =	wrdreg $0xFFFFFFFF  }
0xa7: {  	s28 =	simm.s32 $_size_execute0_lowered;
	s2 =	sadd.s32 s2, s4;
	[dreg:$0x0] =	wrdreg $0x0  }
0xa8: {  	s4 =	sshll.u32 s28, $0x1;
	[dreg:$0x2] =	wrdreg s2  }
0xa9: {  	[dreg:$0x3] =	wrdreg s4  }
0xaa: {  	[dreg:$0x4] =	wrdreg $0xC0  }
0xab: {  	_ =	task [dreg:s6], $0x5FFFF  }
0xac: {  	[dreg:$0x1] =	wrdreg $0xFFFFFFFF  }
0xad: {  	[dreg:$0x0] =	wrdreg $0x60  }
0xae: {  	[dreg:$0x2] =	wrdreg s24  }
0xaf: {  	[dreg:$0x3] =	wrdreg $0x9  }
0xb0: {  	_ =	task.clear_ibuf [dreg:s6], $0x4FFFF;
	_ =	strace $0x90000046  }
0xb1: {  	s29 =	simm.s32 $0x9;
	_ =	strace $0x80000048  }
0xb2: {  	_ =	swait.ge [sflag:s29], $0x1  }
0xb3: {  	[sflag:s29] =	ssyncadd.s32 $0xFFFFFFFF  }
0xb4: {  	_ =	strace $0x90000048  }
0xb5: {  	_ =	sfence  }
0xb6: {  	s30 =	sld [smem:$0x0];
	_ =	sdelay $0x2  }
0xb7: {  	s31 =	sshll.u32 s1, $0xD;
	s1 =	sshrl.u32 s1, $0x2  }
0xb8: {  	s3 =	sand.u32 $0x4000, s31;
	s1 =	sadd.s32 s1, s30  }
0xb9: {  	s0 =	sor.u32 s3, s0;
	s1 =	sshll.u32 s1, $0x11  }
0xba: {  	s0 =	sor.u32 s1, s0  }
0xbb: {  	s0 =	sadd.s32 $0x8F2B, s0  }
0xbc: {  	[sflag:s0] =	ssyncadd.remote.s32 $0x1  }
0xbd: {  	_ =	sfence.sel $0xFFFF  }
0xbe: {  	[dreg:$0x0] =	wrdreg $0xFFFFFFFF;
	(pc) =	sbr.abs _section_cstart, $3  }
0xbf: {  	[dreg:$0x1] =	wrdreg $0xFFFFFFFF  }
0xc0: {  	_ =	task.clear_ibuf [dreg:s6], $0x2FFFF;
	_ =	strace $0x9FFFFFFF  }
0xc1: {  	(tm) =	ssettm $0x7FFFFFFF  }
tec
execute0_lowered:
.L_overlay_start_1:
0x0: {  	(tag) =	ssettag $0x1  }
0x1: {  	s1 =	srdreg.scid;
	s0 =	stileid.u32  }
0x2: {  	s30 =	sand.u32 $0x1, s1;
	s26 =	sshll.u32 s0, $0x1  }
0x3: {  	s15 =	sor.u32 s30, s26  }
0x4: {  	s14 =	rddreg [dreg:$0x0];
	s2 =	simm.s32 $0x0;
	s3 =	sshll.u32 s15, $0x8  }
0x5: {  	[smem:$0x7FF] =	sst s2;
	s3 =	sadd.s32 s3, s14  }
0x6: {  	_ =	strace $0x80000047;
	s4 =	sadd.s32 $0x12600, s3;
	s3 =	simm.s32 $0x2  }
0x7: {  	[tilespmem:s2], [sflag:$0x2] =	stream.linear.gather [hbm4b:s4+s2], $0x800, $0x38;
	[tilespmem:$0x10800] =	vst v63  }
0x8: {  	_ =	swait.ge [sflag:s3], $0x800  }
0x9: {  	s6 =	simm.s32 $0x80;
	[sflag:s3] =	ssyncset.done $0x0  }
0xa: {  	s7 =	simm.s32 $0x800;
	s5 =	sadd.s32 $0x2600, s14;
	[sflag:s3] =	ssyncadd.s32 $0xFFFFF800  }
0xb: {  	[tilespmem:s7], [sflag:$0x1] =	stream.indirect.gather [hbm4b:s5+s6], $0x80, s2, s6, $0xb8;
	[tilespmem:$0x10800] =	vst v63  }
0xc: {  	s8 =	simm.s32 $0x4800  }
0xd: {  	[tilespmem:s8], [sflag:$0x1] =	stream.indirect.gather [hbm4b:s5+s6], $0x80, s6, s6, $0xb8;
	[tilespmem:$0x10800] =	vst v63  }
0xe: {  	s9 =	simm.s32 $0x100;
	s10 =	simm.s32 $0x8800  }
0xf: {  	[tilespmem:s10], [sflag:$0x1] =	stream.indirect.gather [hbm4b:s5+s6], $0x80, s9, s6, $0xb8;
	[tilespmem:$0x10800] =	vst v63  }
0x10: {  	s11 =	simm.s32 $0x180;
	s12 =	simm.s32 $0xC800;
	s13 =	simm.s32 $0x1  }
0x11: {  	[tilespmem:s12], [sflag:$0x1] =	stream.indirect.gather [hbm4b:s5+s6], $0x80, s11, s6, $0xb8;
	[tilespmem:$0x10800] =	vst v63  }
0x12: {  	_ =	swait.ge [sflag:s13], $0x4000  }
0x13: {  	[sflag:s13] =	ssyncset.done $0x0  }
0x14: {  	[sflag:s13] =	ssyncadd.s32 $0xFFFFC000  }
0x15: {  	_ =	swait.ge [sflag:s13], $0x4000  }
0x16: {  	[sflag:s13] =	ssyncset.done $0x0  }
0x17: {  	[sflag:s13] =	ssyncadd.s32 $0xFFFFC000  }
0x18: {  	_ =	swait.ge [sflag:s13], $0x4000  }
0x19: {  	[sflag:s13] =	ssyncset.done $0x0  }
0x1a: {  	[sflag:s13] =	ssyncadd.s32 $0xFFFFC000  }
0x1b: {  	s15 =	sshll.u32 s15, $0xF;
	_ =	swait.ge [sflag:s13], $0x4000  }
0x1c: {  	s31 =	sadd.s32 s15, s14;
	[sflag:s13] =	ssyncset.done $0x0  }
0x1d: {  	s14 =	sadd.s32 $0x14600, s31;
	[sflag:s13] =	ssyncadd.s32 $0xFFFFC000  }
0x1e: {  	[hbm4b:s14+s2] =	stream.linear.scatter [tilespmem:s7], [sflag:$0x2], $0x10000, $0x38;
	[tilespmem:$0x10800] =	vst v63  }
0x1f: {  	_ =	swait.ge [sflag:s3], $0x10000  }
0x20: {  	[sflag:s3] =	ssyncset.done $0x0  }
0x21: {  	s15 =	simm.s32 $0x200;
	[sflag:s3] =	ssyncadd.s32 $0xFFFF0000  }
0x22: {  	[tilespmem:s7], [sflag:$0x1] =	stream.indirect.gather [hbm4b:s5+s6], $0x80, s15, s6, $0xb8;
	[tilespmem:$0x10800] =	vst v63  }
0x23: {  	s16 =	simm.s32 $0x280  }
0x24: {  	[tilespmem:s8], [sflag:$0x1] =	stream.indirect.gather [hbm4b:s5+s6], $0x80, s16, s6, $0xb8;
	[tilespmem:$0x10800] =	vst v63  }
0x25: {  	s17 =	simm.s32 $0x300  }
0x26: {  	[tilespmem:s10], [sflag:$0x1] =	stream.indirect.gather [hbm4b:s5+s6], $0x80, s17, s6, $0xb8;
	[tilespmem:$0x10800] =	vst v63  }
0x27: {  	s18 =	simm.s32 $0x380  }
0x28: {  	[tilespmem:s12], [sflag:$0x1] =	stream.indirect.gather [hbm4b:s5+s6], $0x80, s18, s6, $0xb8;
	[tilespmem:$0x10800] =	vst v63  }
0x29: {  	_ =	swait.ge [sflag:s13], $0x4000  }
0x2a: {  	[sflag:s13] =	ssyncset.done $0x0  }
0x2b: {  	[sflag:s13] =	ssyncadd.s32 $0xFFFFC000  }
0x2c: {  	_ =	swait.ge [sflag:s13], $0x4000  }
0x2d: {  	[sflag:s13] =	ssyncset.done $0x0  }
0x2e: {  	[sflag:s13] =	ssyncadd.s32 $0xFFFFC000  }
0x2f: {  	_ =	swait.ge [sflag:s13], $0x4000  }
0x30: {  	[sflag:s13] =	ssyncset.done $0x0  }
0x31: {  	[sflag:s13] =	ssyncadd.s32 $0xFFFFC000  }
0x32: {  	_ =	swait.ge [sflag:s13], $0x4000  }
0x33: {  	[sflag:s13] =	ssyncset.done $0x0  }
0x34: {  	s19 =	sadd.s32 $0x16600, s31;
	[sflag:s13] =	ssyncadd.s32 $0xFFFFC000  }
0x35: {  	[hbm4b:s19+s2] =	stream.linear.scatter [tilespmem:s7], [sflag:$0x2], $0x10000, $0x38;
	[tilespmem:$0x10800] =	vst v63  }
0x36: {  	_ =	swait.ge [sflag:s3], $0x10000  }
0x37: {  	[sflag:s3] =	ssyncset.done $0x0  }
0x38: {  	s20 =	simm.s32 $0x400;
	[sflag:s3] =	ssyncadd.s32 $0xFFFF0000  }
0x39: {  	[tilespmem:s7], [sflag:$0x1] =	stream.indirect.gather [hbm4b:s5+s6], $0x80, s20, s6, $0xb8;
	[tilespmem:$0x10800] =	vst v63  }
0x3a: {  	s21 =	simm.s32 $0x480  }
0x3b: {  	[tilespmem:s8], [sflag:$0x1] =	stream.indirect.gather [hbm4b:s5+s6], $0x80, s21, s6, $0xb8;
	[tilespmem:$0x10800] =	vst v63  }
0x3c: {  	s22 =	simm.s32 $0x500  }
0x3d: {  	[tilespmem:s10], [sflag:$0x1] =	stream.indirect.gather [hbm4b:s5+s6], $0x80, s22, s6, $0xb8;
	[tilespmem:$0x10800] =	vst v63  }
0x3e: {  	s23 =	simm.s32 $0x580  }
0x3f: {  	[tilespmem:s12], [sflag:$0x1] =	stream.indirect.gather [hbm4b:s5+s6], $0x80, s23, s6, $0xb8;
	[tilespmem:$0x10800] =	vst v63  }
0x40: {  	_ =	swait.ge [sflag:s13], $0x4000  }
0x41: {  	[sflag:s13] =	ssyncset.done $0x0  }
0x42: {  	[sflag:s13] =	ssyncadd.s32 $0xFFFFC000  }
0x43: {  	_ =	swait.ge [sflag:s13], $0x4000  }
0x44: {  	[sflag:s13] =	ssyncset.done $0x0  }
0x45: {  	[sflag:s13] =	ssyncadd.s32 $0xFFFFC000  }
0x46: {  	_ =	swait.ge [sflag:s13], $0x4000  }
0x47: {  	[sflag:s13] =	ssyncset.done $0x0  }
0x48: {  	[sflag:s13] =	ssyncadd.s32 $0xFFFFC000  }
0x49: {  	_ =	swait.ge [sflag:s13], $0x4000  }
0x4a: {  	[sflag:s13] =	ssyncset.done $0x0  }
0x4b: {  	s24 =	sadd.s32 $0x18600, s31;
	[sflag:s13] =	ssyncadd.s32 $0xFFFFC000  }
0x4c: {  	[hbm4b:s24+s2] =	stream.linear.scatter [tilespmem:s7], [sflag:$0x2], $0x10000, $0x38;
	[tilespmem:$0x10800] =	vst v63  }
0x4d: {  	_ =	swait.ge [sflag:s3], $0x10000  }
0x4e: {  	[sflag:s3] =	ssyncset.done $0x0  }
0x4f: {  	s25 =	simm.s32 $0x600;
	[sflag:s3] =	ssyncadd.s32 $0xFFFF0000  }
0x50: {  	[tilespmem:s7], [sflag:$0x1] =	stream.indirect.gather [hbm4b:s5+s6], $0x80, s25, s6, $0xb8;
	[tilespmem:$0x10800] =	vst v63  }
0x51: {  	s26 =	simm.s32 $0x680  }
0x52: {  	[tilespmem:s8], [sflag:$0x1] =	stream.indirect.gather [hbm4b:s5+s6], $0x80, s26, s6, $0xb8;
	[tilespmem:$0x10800] =	vst v63  }
0x53: {  	s28 =	simm.s32 $0x700  }
0x54: {  	[tilespmem:s10], [sflag:$0x1] =	stream.indirect.gather [hbm4b:s5+s6], $0x80, s28, s6, $0xb8;
	[tilespmem:$0x10800] =	vst v63  }
0x55: {  	s29 =	simm.s32 $0x780  }
0x56: {  	[tilespmem:s12], [sflag:$0x1] =	stream.indirect.gather [hbm4b:s5+s6], $0x80, s29, s6, $0xb8;
	[tilespmem:$0x10800] =	vst v63  }
0x57: {  	_ =	swait.ge [sflag:s13], $0x4000  }
0x58: {  	[sflag:s13] =	ssyncset.done $0x0  }
0x59: {  	[sflag:s13] =	ssyncadd.s32 $0xFFFFC000  }
0x5a: {  	_ =	swait.ge [sflag:s13], $0x4000  }
0x5b: {  	[sflag:s13] =	ssyncset.done $0x0  }
0x5c: {  	s30 =	ssub.s32 $0x2, s30;
	[sflag:s13] =	ssyncadd.s32 $0xFFFFC000  }
0x5d: {  	s1 =	sshrl.u32 s30, $0x1;
	_ =	swait.ge [sflag:s13], $0x4000  }
0x5e: {  	s1 =	ssub.s32 s30, s1;
	[sflag:s13] =	ssyncset.done $0x0  }
0x5f: {  	s1 =	smax.u32 s1, $0x1;
	[sflag:s13] =	ssyncadd.s32 $0xFFFFC000  }
0x60: {  	p0 =	sne.s32 s1, $0x1;
	_ =	swait.ge [sflag:s13], $0x4000  }
.Ltmp0:
0x61: {  	[sflag:s13] =	ssyncset.done $0x0;
	(pc) =	sbr.rel @!p0 .LBB2_2-.Ltmp0, $4  }
0x62: {  	s30 =	sadd.s32 $0x1A600, s31;
	[sflag:s13] =	ssyncadd.s32 $0xFFFFC000  }
0x63: {  	[hbm4b:s30+s2] =	stream.linear.scatter [tilespmem:s7], [sflag:$0x2], $0x10000, $0x38;
	[tilespmem:$0x10800] =	vst v63  }
0x64: {  	_ =	swait.ge [sflag:s3], $0x10000  }
0x65: {  	s31 =	sadd.s32 $0xFFFFFFFF, s1;
	[sflag:s3] =	ssyncset.done $0x0  }
.LBB2_1:
0x66: {  	p0 =	sne.s32 s31, $0x1;
	s31 =	sadd.s32 $0xFFFFFFFF, s31;
	[sflag:s3] =	ssyncadd.s32 $0xFFFF0000  }
0x67: {  	[tilespmem:s2], [sflag:$0x2] =	stream.linear.gather [hbm4b:s4+s2], $0x800, $0x38;
	[tilespmem:$0x10800] =	vst v63  }
0x68: {  	_ =	swait.ge [sflag:s3], $0x800  }
0x69: {  	[sflag:s3] =	ssyncset.done $0x0  }
0x6a: {  	[sflag:s3] =	ssyncadd.s32 $0xFFFFF800  }
0x6b: {  	[tilespmem:s7], [sflag:$0x1] =	stream.indirect.gather [hbm4b:s5+s6], $0x80, s2, s6, $0xb8;
	[tilespmem:$0x10800] =	vst v63  }
0x6c: {  	_ = 	snop  }
0x6d: {  	[tilespmem:s8], [sflag:$0x1] =	stream.indirect.gather [hbm4b:s5+s6], $0x80, s6, s6, $0xb8;
	[tilespmem:$0x10800] =	vst v63  }
0x6e: {  	_ = 	snop  }
0x6f: {  	[tilespmem:s10], [sflag:$0x1] =	stream.indirect.gather [hbm4b:s5+s6], $0x80, s9, s6, $0xb8;
	[tilespmem:$0x10800] =	vst v63  }
0x70: {  	_ = 	snop  }
0x71: {  	[tilespmem:s12], [sflag:$0x1] =	stream.indirect.gather [hbm4b:s5+s6], $0x80, s11, s6, $0xb8;
	[tilespmem:$0x10800] =	vst v63  }
0x72: {  	_ =	swait.ge [sflag:s13], $0x4000  }
0x73: {  	[sflag:s13] =	ssyncset.done $0x0  }
0x74: {  	[sflag:s13] =	ssyncadd.s32 $0xFFFFC000  }
0x75: {  	_ =	swait.ge [sflag:s13], $0x4000  }
0x76: {  	[sflag:s13] =	ssyncset.done $0x0  }
0x77: {  	[sflag:s13] =	ssyncadd.s32 $0xFFFFC000  }
0x78: {  	_ =	swait.ge [sflag:s13], $0x4000  }
0x79: {  	[sflag:s13] =	ssyncset.done $0x0  }
0x7a: {  	[sflag:s13] =	ssyncadd.s32 $0xFFFFC000  }
0x7b: {  	_ =	swait.ge [sflag:s13], $0x4000  }
0x7c: {  	[sflag:s13] =	ssyncset.done $0x0  }
0x7d: {  	[sflag:s13] =	ssyncadd.s32 $0xFFFFC000  }
0x7e: {  	[hbm4b:s14+s2] =	stream.linear.scatter [tilespmem:s7], [sflag:$0x2], $0x10000, $0x38;
	[tilespmem:$0x10800] =	vst v63  }
0x7f: {  	_ =	swait.ge [sflag:s3], $0x10000  }
0x80: {  	[sflag:s3] =	ssyncset.done $0x0  }
0x81: {  	[sflag:s3] =	ssyncadd.s32 $0xFFFF0000  }
0x82: {  	[tilespmem:s7], [sflag:$0x1] =	stream.indirect.gather [hbm4b:s5+s6], $0x80, s15, s6, $0xb8;
	[tilespmem:$0x10800] =	vst v63  }
0x83: {  	_ = 	snop  }
0x84: {  	[tilespmem:s8], [sflag:$0x1] =	stream.indirect.gather [hbm4b:s5+s6], $0x80, s16, s6, $0xb8;
	[tilespmem:$0x10800] =	vst v63  }
0x85: {  	_ = 	snop  }
0x86: {  	[tilespmem:s10], [sflag:$0x1] =	stream.indirect.gather [hbm4b:s5+s6], $0x80, s17, s6, $0xb8;
	[tilespmem:$0x10800] =	vst v63  }
0x87: {  	_ = 	snop  }
0x88: {  	[tilespmem:s12], [sflag:$0x1] =	stream.indirect.gather [hbm4b:s5+s6], $0x80, s18, s6, $0xb8;
	[tilespmem:$0x10800] =	vst v63  }
0x89: {  	_ =	swait.ge [sflag:s13], $0x4000  }
0x8a: {  	[sflag:s13] =	ssyncset.done $0x0  }
0x8b: {  	[sflag:s13] =	ssyncadd.s32 $0xFFFFC000  }
0x8c: {  	_ =	swait.ge [sflag:s13], $0x4000  }
0x8d: {  	[sflag:s13] =	ssyncset.done $0x0  }
0x8e: {  	[sflag:s13] =	ssyncadd.s32 $0xFFFFC000  }
0x8f: {  	_ =	swait.ge [sflag:s13], $0x4000  }
0x90: {  	[sflag:s13] =	ssyncset.done $0x0  }
0x91: {  	[sflag:s13] =	ssyncadd.s32 $0xFFFFC000  }
0x92: {  	_ =	swait.ge [sflag:s13], $0x4000  }
0x93: {  	[sflag:s13] =	ssyncset.done $0x0  }
0x94: {  	[sflag:s13] =	ssyncadd.s32 $0xFFFFC000  }
0x95: {  	[hbm4b:s19+s2] =	stream.linear.scatter [tilespmem:s7], [sflag:$0x2], $0x10000, $0x38;
	[tilespmem:$0x10800] =	vst v63  }
0x96: {  	_ =	swait.ge [sflag:s3], $0x10000  }
0x97: {  	[sflag:s3] =	ssyncset.done $0x0  }
0x98: {  	[sflag:s3] =	ssyncadd.s32 $0xFFFF0000  }
0x99: {  	[tilespmem:s7], [sflag:$0x1] =	stream.indirect.gather [hbm4b:s5+s6], $0x80, s20, s6, $0xb8;
	[tilespmem:$0x10800] =	vst v63  }
0x9a: {  	_ = 	snop  }
0x9b: {  	[tilespmem:s8], [sflag:$0x1] =	stream.indirect.gather [hbm4b:s5+s6], $0x80, s21, s6, $0xb8;
	[tilespmem:$0x10800] =	vst v63  }
0x9c: {  	_ = 	snop  }
0x9d: {  	[tilespmem:s10], [sflag:$0x1] =	stream.indirect.gather [hbm4b:s5+s6], $0x80, s22, s6, $0xb8;
	[tilespmem:$0x10800] =	vst v63  }
0x9e: {  	_ = 	snop  }
0x9f: {  	[tilespmem:s12], [sflag:$0x1] =	stream.indirect.gather [hbm4b:s5+s6], $0x80, s23, s6, $0xb8;
	[tilespmem:$0x10800] =	vst v63  }
0xa0: {  	_ =	swait.ge [sflag:s13], $0x4000  }
0xa1: {  	[sflag:s13] =	ssyncset.done $0x0  }
0xa2: {  	[sflag:s13] =	ssyncadd.s32 $0xFFFFC000  }
0xa3: {  	_ =	swait.ge [sflag:s13], $0x4000  }
0xa4: {  	[sflag:s13] =	ssyncset.done $0x0  }
0xa5: {  	[sflag:s13] =	ssyncadd.s32 $0xFFFFC000  }
0xa6: {  	_ =	swait.ge [sflag:s13], $0x4000  }
0xa7: {  	[sflag:s13] =	ssyncset.done $0x0  }
0xa8: {  	[sflag:s13] =	ssyncadd.s32 $0xFFFFC000  }
0xa9: {  	_ =	swait.ge [sflag:s13], $0x4000  }
0xaa: {  	[sflag:s13] =	ssyncset.done $0x0  }
0xab: {  	[sflag:s13] =	ssyncadd.s32 $0xFFFFC000  }
0xac: {  	[hbm4b:s24+s2] =	stream.linear.scatter [tilespmem:s7], [sflag:$0x2], $0x10000, $0x38;
	[tilespmem:$0x10800] =	vst v63  }
0xad: {  	_ =	swait.ge [sflag:s3], $0x10000  }
0xae: {  	[sflag:s3] =	ssyncset.done $0x0  }
0xaf: {  	[sflag:s3] =	ssyncadd.s32 $0xFFFF0000  }
0xb0: {  	[tilespmem:s7], [sflag:$0x1] =	stream.indirect.gather [hbm4b:s5+s6], $0x80, s25, s6, $0xb8;
	[tilespmem:$0x10800] =	vst v63  }
0xb1: {  	_ = 	snop  }
0xb2: {  	[tilespmem:s8], [sflag:$0x1] =	stream.indirect.gather [hbm4b:s5+s6], $0x80, s26, s6, $0xb8;
	[tilespmem:$0x10800] =	vst v63  }
0xb3: {  	_ = 	snop  }
0xb4: {  	[tilespmem:s10], [sflag:$0x1] =	stream.indirect.gather [hbm4b:s5+s6], $0x80, s28, s6, $0xb8;
	[tilespmem:$0x10800] =	vst v63  }
0xb5: {  	_ = 	snop  }
0xb6: {  	[tilespmem:s12], [sflag:$0x1] =	stream.indirect.gather [hbm4b:s5+s6], $0x80, s29, s6, $0xb8;
	[tilespmem:$0x10800] =	vst v63  }
0xb7: {  	_ =	swait.ge [sflag:s13], $0x4000  }
0xb8: {  	[sflag:s13] =	ssyncset.done $0x0  }
0xb9: {  	[sflag:s13] =	ssyncadd.s32 $0xFFFFC000  }
0xba: {  	_ =	swait.ge [sflag:s13], $0x4000  }
0xbb: {  	[sflag:s13] =	ssyncset.done $0x0  }
0xbc: {  	[sflag:s13] =	ssyncadd.s32 $0xFFFFC000  }
0xbd: {  	_ =	swait.ge [sflag:s13], $0x4000  }
0xbe: {  	[sflag:s13] =	ssyncset.done $0x0  }
0xbf: {  	[sflag:s13] =	ssyncadd.s32 $0xFFFFC000  }
0xc0: {  	_ =	swait.ge [sflag:s13], $0x4000  }
.Ltmp1:
0xc1: {  	[sflag:s13] =	ssyncset.done $0x0;
	(pc) =	sbr.rel @p0 .LBB2_1-.Ltmp1, $4  }
0xc2: {  	[sflag:s13] =	ssyncadd.s32 $0xFFFFC000  }
0xc3: {  	[hbm4b:s30+s2] =	stream.linear.scatter [tilespmem:s7], [sflag:$0x2], $0x10000, $0x38;
	[tilespmem:$0x10800] =	vst v63  }
0xc4: {  	_ =	swait.ge [sflag:s3], $0x10000  }
0xc5: {  	[sflag:s3] =	ssyncset.done $0x0  }
.LBB2_2:
0xc6: {  	[sflag:s3] =	ssyncadd.s32 $0xFFFF0000  }
0xc7: {  	_ =	sfence.sel $0x180000  }
0xc8: {  	[bflag:$0x0] =	sbarrier.arrive $0xFFFF  }
0xc9: {  	_ =	strace $0x90000047  }
0xca: {  	[bflag:$0x2] =	sbarrier.arrive $0xFFFF  }
0xcb: {  	p0 =	sne.s32 s0, $0x0;
	s0 =	rddreg [dreg:$0x1]  }
0xcc: {  	s0 =	sadd.s32 @!p0 $0x100000, s0  }
0xcd: {  	[sflag:s0] =	ssyncadd.tile.s32 @!p0 $0x1;
	_ =	shalt  }
.Lfunc_end2:
_tile_overlayer_lowered:
.L_overlay_start_2:
0xce: {  	(tag) =	ssettag $0x2  }
0xcf: {  	s0 =	rddreg [dreg:$0x0];
	s2 =	stileid.u32  }
0xd0: {  	s1 =	rddreg [dreg:$0x1];
	p0 =	sne.s32 s2, $0x0  }
0xd1: {  	s3 =	rddreg [dreg:$0x2];
	[bflag:$0x3] =	sbarrier.arrive $0xFFFF;
	s2 =	simm.s32 @!p0 $0x1C02  }
0xd2: {  	[timem:s3], [sflag:s2] =	dma.local @!p0 [hbm:s0], s1  }
0xd3: {  	s0 =	simm.s32 @!p0 $0x2  }
0xd4: {  	_ =	swait.ge @!p0 [sflag:s0], s1  }
0xd5: {  	s1 =	ssub.s32 @!p0 $0x0, s1;
	[sflag:s0] =	ssyncset.done @!p0 $0x0  }
0xd6: {  	[sflag:s0] =	ssyncadd.s32 @!p0 s1  }
0xd7: {  	[bflag:$0x3] =	sbarrier.arrive $0xFFFF  }
0xd8: {  	_ =	shalt  }

</sc_bundles>
